<compile_context>
chip_gen: v7x
topology: tpu7x:2x2x1
jax: 0.10.2.dev20260603
libtpu: 0.0.44.dev20260713+nightly
codegen_flags: <defaults>
</compile_context>

<pallas_src>
import functools

import jax
import jax.numpy as jnp
from jax import lax
from jax.experimental import pallas as pl
from jax.experimental.pallas import tpu as pltpu
from jax.experimental.pallas import tpu_sc as plsc

B, N, DIN, D, H, L, V, F = 16, 512, 128, 128, 8, 2, 10, 2048
DH = D // H
NB = 2
SCALE = 1.4426950408889634 / (DH ** 0.5)


def _sc_gather_rel(table, idx):
    info = plsc.get_sparse_core_info()
    nw = info.num_cores * info.num_subcores
    tot = L * B * N
    per = tot // nw
    mesh = plsc.VectorSubcoreMesh(core_axis_name="c", subcore_axis_name="s")

    @functools.partial(
        pl.kernel, mesh=mesh,
        out_type=jax.ShapeDtypeStruct((tot, D), jnp.float32),
        scratch_types=[pltpu.VMEM((per,), jnp.int32),
                       pltpu.VMEM((per, D), jnp.float32),
                       pltpu.SemaphoreType.DMA],
    )
    def gather_k(table_hbm, idx_hbm, out_hbm, idx_v, rows_v, sem):
        wid = lax.axis_index("s") * info.num_cores + lax.axis_index("c")
        base = wid * per
        pltpu.sync_copy(idx_hbm.at[pl.ds(base, per)], idx_v)
        pltpu.async_copy(table_hbm.at[idx_v], rows_v, sem).wait()
        pltpu.sync_copy(rows_v, out_hbm.at[pl.ds(base, per)])

    return gather_k(table, idx)


def _ln(x, g, b):
    m = jnp.mean(x, axis=-1, keepdims=True)
    c = x - m
    v = jnp.mean(c * c, axis=-1, keepdims=True)
    return c * jax.lax.rsqrt(v + 1e-5) * g + b


def _attention(q, k, v, msg_ref):
    qb = q.astype(jnp.bfloat16)
    kb = k.astype(jnp.bfloat16)
    vb = v.astype(jnp.bfloat16)
    ones = jnp.ones((N, 1), jnp.bfloat16)
    for hh in range(H):
        sl = slice(hh * DH, (hh + 1) * DH)
        qh = qb[:, sl]
        kh = kb[:, sl]
        vh = jnp.concatenate([vb[:, sl], ones], axis=1)
        s = jax.lax.dot_general(qh, kh, (((1,), (1,)), ((), ())),
                                preferred_element_type=jnp.float32)
        e = jnp.exp2(s).astype(jnp.bfloat16)
        pv = jax.lax.dot_general(
            e, vh, (((1,), (0,)), ((), ())),
            preferred_element_type=jnp.float32)
        msg_ref[:, sl] = pv[:, 0:DH] / pv[:, DH:DH + 1]
    return msg_ref[:]


def _mm(a, w):
    return jax.lax.dot_general(a.astype(w.dtype), w, (((1,), (0,)), ((), ())),
                               preferred_element_type=jnp.float32)


def _fused(x_ref, mask_ref, re0_ref, re1_ref, Wp_ref, bp_ref,
           hWqkv_ref, hbqkv_ref,
           hWo_ref, hbo_ref, hlng_ref, hlnb_ref,
           tWqkvT_ref, tbqkv_ref, tWoT_ref, tbo_ref,
           tln1g_ref, tln1b_ref, tW1_ref, tb1_ref, tW2_ref, tb2_ref,
           tln2g_ref, tln2b_ref, Wc_ref, bc_ref,
           logits_ref, hout_ref, msg_ref):
    mask = mask_ref[:]

    def typed(a, W_ref, b_ref, l):
        y0 = _mm(a, W_ref[l, 0]) + b_ref[l, 0]
        y1 = _mm(a, W_ref[l, 1]) + b_ref[l, 1]
        return y0 + mask * (y1 - y0)

    re_refs = (re0_ref, re1_ref)
    for bb in range(NB):
        h = _mm(x_ref[bb], Wp_ref[:]) + bp_ref[:]

        for l in range(L):
            hr = h + re_refs[l][0, bb]
            qkv = typed(hr, hWqkv_ref, hbqkv_ref, l)
            q = qkv[:, 0:D]
            k = qkv[:, D:2 * D]
            v = qkv[:, 2 * D:3 * D]
            msg = _attention(q, k, v, msg_ref)
            out = typed(msg, hWo_ref, hbo_ref, l)
            h = _ln(h + out, hlng_ref[l], hlnb_ref[l])

        qkv = _mm(h, tWqkvT_ref[:]) + tbqkv_ref[:]
        q = qkv[:, 0:D]
        k = qkv[:, D:2 * D]
        v = qkv[:, 2 * D:3 * D]
        msg = _attention(q, k, v, msg_ref)
        a = _mm(msg, tWoT_ref[:]) + tbo_ref[:]
        h = _ln(h + a, tln1g_ref[:], tln1b_ref[:])
        ff = _mm(jnp.maximum(_mm(h, tW1_ref[:]) + tb1_ref[:], 0.0),
                 tW2_ref[:]) + tb2_ref[:]
        h = _ln(h + ff, tln2g_ref[:], tln2b_ref[:])

        hout_ref[bb] = h
        logits_ref[bb] = _mm(h, Wc_ref[:]) + bc_ref[:]


def kernel(x, node_types, rel_ids, Wp, bp, hWq, hbq, hWk, hbk, hWv, hbv,
           hWo, hbo, hrel, hlng, hlnb, tWqkv, tbqkv, tWo, tbo,
           tln1g, tln1b, tW1, tb1, tW2, tb2, tln2g, tln2b, Wc, bc):
    f32 = jnp.float32
    mask = (node_types == 1).astype(f32).reshape(N, 1)
    idx = (rel_ids.reshape(-1)[None, :]
           + (jnp.arange(L, dtype=jnp.int32) * V)[:, None]).reshape(-1)
    re = _sc_gather_rel(hrel.reshape(L * V, D), idx).reshape(L, B, N, D)
    hWq_s = hWq * SCALE
    hbq_s = hbq * SCALE
    qkv_scale = jnp.concatenate([jnp.full((D,), SCALE, f32),
                                 jnp.ones((2 * D,), f32)])
    tWqkvT_s = tWqkv.T * qkv_scale
    tbqkv_s = tbqkv * qkv_scale

    def const(shape):
        nd = len(shape)
        return pl.BlockSpec(shape, lambda b, _n=nd: (0,) * _n)

    in_specs = [
        pl.BlockSpec((NB, N, DIN), lambda b: (b, 0, 0)),
        const((N, 1)),
        pl.BlockSpec((1, NB, N, D), lambda b: (0, b, 0, 0)),
        pl.BlockSpec((1, NB, N, D), lambda b: (1, b, 0, 0)),
        const((DIN, D)), const((1, D)),
        const((L, 2, D, 3 * D)), const((L, 2, 1, 3 * D)),
        const((L, 2, D, D)), const((L, 2, 1, D)),
        const((L, 1, D)), const((L, 1, D)),
        const((D, 3 * D)), const((1, 3 * D)),
        const((D, D)), const((1, D)),
        const((1, D)), const((1, D)),
        const((D, F)), const((1, F)),
        const((F, D)), const((1, D)),
        const((1, D)), const((1, D)),
        const((D, V)), const((1, V)),
    ]
    out_specs = [
        pl.BlockSpec((NB, N, V), lambda b: (b, 0, 0)),
        pl.BlockSpec((NB, N, D), lambda b: (b, 0, 0)),
    ]
    bf16 = jnp.bfloat16
    logits, hout = pl.pallas_call(
        _fused,
        grid=(B // NB,),
        in_specs=in_specs,
        out_specs=out_specs,
        out_shape=[jax.ShapeDtypeStruct((B, N, V), f32),
                   jax.ShapeDtypeStruct((B, N, D), f32)],
        scratch_shapes=[pltpu.VMEM((N, D), f32)],
    )(x, mask, re, re, Wp.astype(bf16), bp.reshape(1, D),
      jnp.concatenate([hWq_s, hWk, hWv], axis=-1).astype(bf16),
      jnp.concatenate([hbq_s, hbk, hbv], axis=-1).reshape(L, 2, 1, 3 * D),
      hWo.astype(bf16), hbo.reshape(L, 2, 1, D),
      hlng.reshape(L, 1, D), hlnb.reshape(L, 1, D),
      tWqkvT_s.astype(bf16), tbqkv_s.reshape(1, 3 * D),
      tWo.T.astype(bf16), tbo.reshape(1, D),
      tln1g.reshape(1, D), tln1b.reshape(1, D),
      tW1.astype(bf16), tb1.reshape(1, F),
      tW2.astype(bf16), tb2.reshape(1, D),
      tln2g.reshape(1, D), tln2b.reshape(1, D),
      Wc, bc.reshape(1, V))
    return (logits, hout)

# --- scband reference (transcript-rebuilt; emitter-appended) ---
"""Pipeline reference for scband-graph-mertmodel-90288802496731 (READ-ONLY COPY).

The authoritative reference and input builder live on the scoring server;
editing this copy changes nothing except your own understanding.
"""

import jax, jax.numpy as jnp
import numpy as np

B, N, DIN, D, H, L, V, F = 16, 512, 128, 128, 8, 2, 10, 2048

def _ln(x, g, b):
    m = x.mean(-1, keepdims=True)
    v = ((x - m) ** 2).mean(-1, keepdims=True)
    return (x - m) / jnp.sqrt(v + 1e-5) * g + b

def _heads(t, h):
    b, n, d = t.shape
    return t.reshape(b, n, h, d // h).transpose(0, 2, 1, 3)

def _merge(t):
    b, h, n, dh = t.shape
    return t.transpose(0, 2, 1, 3).reshape(b, n, h * dh)

def setup_inputs(seed: int = 0):
    key = jax.random.key(seed)
    ks = jax.random.split(key, 24)
    s = 0.02
    inp = {}
    inp['x'] = jax.random.normal(ks[0], (B, N, DIN), jnp.float32)
    inp['node_types'] = jax.random.randint(ks[1], (N,), 0, 2, dtype=jnp.int32)
    inp['rel_ids'] = jax.random.randint(ks[2], (B, N), 0, V, dtype=jnp.int32)
    inp['Wp'] = jax.random.normal(ks[3], (DIN, D), jnp.float32) * s
    inp['bp'] = jnp.zeros((D,), jnp.float32)
    inp['hWq'] = jax.random.normal(ks[4], (L, 2, D, D), jnp.float32) * s
    inp['hbq'] = jnp.zeros((L, 2, D), jnp.float32)
    inp['hWk'] = jax.random.normal(ks[5], (L, 2, D, D), jnp.float32) * s
    inp['hbk'] = jnp.zeros((L, 2, D), jnp.float32)
    inp['hWv'] = jax.random.normal(ks[6], (L, 2, D, D), jnp.float32) * s
    inp['hbv'] = jnp.zeros((L, 2, D), jnp.float32)
    inp['hWo'] = jax.random.normal(ks[7], (L, 2, D, D), jnp.float32) * s
    inp['hbo'] = jnp.zeros((L, 2, D), jnp.float32)
    inp['hrel'] = jax.random.normal(ks[8], (L, V, D), jnp.float32) * s
    inp['hlng'] = jnp.ones((L, D), jnp.float32)
    inp['hlnb'] = jnp.zeros((L, D), jnp.float32)
    inp['tWqkv'] = jax.random.normal(ks[9], (3 * D, D), jnp.float32) * s
    inp['tbqkv'] = jnp.zeros((3 * D,), jnp.float32)
    inp['tWo'] = jax.random.normal(ks[10], (D, D), jnp.float32) * s
    inp['tbo'] = jnp.zeros((D,), jnp.float32)
    inp['tln1g'] = jnp.ones((D,), jnp.float32)
    inp['tln1b'] = jnp.zeros((D,), jnp.float32)
    inp['tW1'] = jax.random.normal(ks[11], (D, F), jnp.float32) * s
    inp['tb1'] = jnp.zeros((F,), jnp.float32)
    inp['tW2'] = jax.random.normal(ks[12], (F, D), jnp.float32) * s
    inp['tb2'] = jnp.zeros((D,), jnp.float32)
    inp['tln2g'] = jnp.ones((D,), jnp.float32)
    inp['tln2b'] = jnp.zeros((D,), jnp.float32)
    inp['Wc'] = jax.random.normal(ks[13], (D, V), jnp.float32) * s
    inp['bc'] = jnp.zeros((V,), jnp.float32)
    return inp

def reference(x, node_types, rel_ids, Wp, bp, hWq, hbq, hWk, hbk, hWv, hbv, hWo, hbo, hrel, hlng, hlnb, tWqkv, tbqkv, tWo, tbo, tln1g, tln1b, tW1, tb1, tW2, tb2, tln2g, tln2b, Wc, bc):
    h = x @ Wp + bp
    scale = 1.0 / jnp.sqrt(jnp.asarray(D // H, jnp.float32))
    for l in range(L):
        # relation embedding gather (SparseCore-style gather over rel vocab)
        hr = h + hrel[l][rel_ids]
        # heterogeneous type-specific projections via weight gather
        q = jnp.einsum('bnd,nde->bne', hr, hWq[l][node_types]) + hbq[l][node_types]
        k = jnp.einsum('bnd,nde->bne', hr, hWk[l][node_types]) + hbk[l][node_types]
        v = jnp.einsum('bnd,nde->bne', hr, hWv[l][node_types]) + hbv[l][node_types]
        qh, kh, vh = _heads(q, H), _heads(k, H), _heads(v, H)
        att = jax.nn.softmax(qh @ kh.transpose(0, 1, 3, 2) * scale, axis=-1)
        msg = _merge(att @ vh)
        out = jnp.einsum('bnd,nde->bne', msg, hWo[l][node_types]) + hbo[l][node_types]
        h = _ln(h + out, hlng[l], hlnb[l])
    # one standard post-norm TransformerEncoderLayer
    qkv = h @ tWqkv.T + tbqkv
    q, k, v = jnp.split(qkv, 3, axis=-1)
    qh, kh, vh = _heads(q, H), _heads(k, H), _heads(v, H)
    att = jax.nn.softmax(qh @ kh.transpose(0, 1, 3, 2) * scale, axis=-1)
    a = _merge(att @ vh) @ tWo.T + tbo
    h = _ln(h + a, tln1g, tln1b)
    ff = jax.nn.relu(h @ tW1 + tb1) @ tW2 + tb2
    h = _ln(h + ff, tln2g, tln2b)
    logits = h @ Wc + bc
    return (logits, h)

if __name__ == "__main__":
    import jax
    _d = setup_inputs()
    print(jax.jit(kernel)(*tuple(_d.values())))

</pallas_src>

<mosaic_0001>
#map = affine_map<(d0, d1) -> (0, 0)>
#map1 = affine_map<(d0, d1) -> (0)>
module attributes {stable_mosaic.version = 14 : i64} {
  func.func @gather_k(%arg0: i32, %arg1: i32, %arg2: memref<20x128xf32, #tpu.memory_space<hbm>>, %arg3: memref<16384xi32, #tpu.memory_space<hbm>>, %arg4: memref<16384x128xf32, #tpu.memory_space<hbm>>, %arg5: memref<512xi32, #tpu.memory_space<vmem>>, %arg6: memref<512x128xf32, #tpu.memory_space<vmem>>, %arg7: memref<!tpu.dma_semaphore, #tpu.memory_space<semaphore_mem>>) attributes {dimension_semantics = [#tpu.dimension_semantics<core_parallel>, #tpu.dimension_semantics<subcore_parallel>], iteration_bounds = array<i64: 2, 16>, scalar_prefetch = 0 : i64, scratch_operands = 3 : i64, tpu.core_type = #tpu.core_type<sc_vector_subcore>, window_params = [{transform_indices = #map}, {transform_indices = #map1}, {transform_indices = #map}]} {
    %mul3A = arith.constant 2 : i32
    %mul3A_0 = arith.muli %arg1, %mul3A : i32
    %add3A = arith.addi %mul3A_0, %arg0 : i32
    %mul3A_1 = arith.constant 512 : i32
    %mul3A_2 = arith.muli %add3A, %mul3A_1 : i32
    "tpu.region"() ({
      %run_scoped3A = tpu.sem_alloc : memref<!tpu.dma_semaphore, #tpu.memory_space<semaphore_mem>>
      %dma_start3A_7 = tpu.memref_slice %arg3[%mul3A_2] : memref<16384xi32, #tpu.memory_space<hbm>> -> memref<512xi32, #tpu.memory_space<hbm>>
      %dma_start3A_8 = tpu.memref_slice %arg3[%mul3A_2] : memref<16384xi32, #tpu.memory_space<hbm>> -> memref<512xi32, #tpu.memory_space<hbm>>
      tpu.enqueue_dma source(%dma_start3A_8 : memref<512xi32, #tpu.memory_space<hbm>>) target(%arg5 : memref<512xi32, #tpu.memory_space<vmem>>) target_semaphore(%run_scoped3A : memref<!tpu.dma_semaphore, #tpu.memory_space<semaphore_mem>>)
      %dma_wait3A_9 = tpu.memref_slice %arg3[%mul3A_2] : memref<16384xi32, #tpu.memory_space<hbm>> -> memref<512xi32, #tpu.memory_space<hbm>>
      %dma_wait3A_10 = tpu.memref_slice %arg3[%mul3A_2] : memref<16384xi32, #tpu.memory_space<hbm>> -> memref<512xi32, #tpu.memory_space<hbm>>
      tpu.wait_dma2 semaphore(%run_scoped3A : memref<!tpu.dma_semaphore, #tpu.memory_space<semaphore_mem>>) src(%dma_wait3A_10 : memref<512xi32, #tpu.memory_space<hbm>>) dst(%arg5 : memref<512xi32, #tpu.memory_space<vmem>>)
      tpu.yield
    }) : () -> ()
    %dma_start3A = arith.constant 0 : i32
    %dma_start3A_3 = arith.constant 0 : i32
    %dma_start3A_4 = tpu.memref_slice %arg2[%dma_start3A, %dma_start3A_3] : memref<20x128xf32, #tpu.memory_space<hbm>> -> memref<20x128xf32, #tpu.memory_space<hbm>>
    tpu.enqueue_indirect_dma source(%dma_start3A_4 : memref<20x128xf32, #tpu.memory_space<hbm>>) target(%arg6 : memref<512x128xf32, #tpu.memory_space<vmem>>) offsets(%arg5 : memref<512xi32, #tpu.memory_space<vmem>>) semaphore(%arg7 : memref<!tpu.dma_semaphore, #tpu.memory_space<semaphore_mem>>)
    %dma_wait3A = arith.constant 0 : i32
    %dma_wait3A_5 = arith.constant 0 : i32
    %dma_wait3A_6 = tpu.memref_slice %arg2[%dma_wait3A, %dma_wait3A_5] : memref<20x128xf32, #tpu.memory_space<hbm>> -> memref<20x128xf32, #tpu.memory_space<hbm>>
    tpu.wait_indirect_dma semaphore(%arg7 : memref<!tpu.dma_semaphore, #tpu.memory_space<semaphore_mem>>) src(%dma_wait3A_6 : memref<20x128xf32, #tpu.memory_space<hbm>>) dst(%arg6 : memref<512x128xf32, #tpu.memory_space<vmem>>)
    "tpu.region"() ({
      %run_scoped3A = tpu.sem_alloc : memref<!tpu.dma_semaphore, #tpu.memory_space<semaphore_mem>>
      %dma_start3A_7 = arith.constant 0 : i32
      %dma_start3A_8 = tpu.memref_slice %arg4[%mul3A_2, %dma_start3A_7] : memref<16384x128xf32, #tpu.memory_space<hbm>> -> memref<512x128xf32, #tpu.memory_space<hbm>>
      %dma_start3A_9 = arith.constant 0 : i32
      %dma_start3A_10 = tpu.memref_slice %arg4[%mul3A_2, %dma_start3A_9] : memref<16384x128xf32, #tpu.memory_space<hbm>> -> memref<512x128xf32, #tpu.memory_space<hbm>>
      tpu.enqueue_dma source(%arg6 : memref<512x128xf32, #tpu.memory_space<vmem>>) target(%dma_start3A_10 : memref<512x128xf32, #tpu.memory_space<hbm>>) target_semaphore(%run_scoped3A : memref<!tpu.dma_semaphore, #tpu.memory_space<semaphore_mem>>)
      %dma_wait3A_11 = arith.constant 0 : i32
      %dma_wait3A_12 = tpu.memref_slice %arg4[%mul3A_2, %dma_wait3A_11] : memref<16384x128xf32, #tpu.memory_space<hbm>> -> memref<512x128xf32, #tpu.memory_space<hbm>>
      %dma_wait3A_13 = arith.constant 0 : i32
      %dma_wait3A_14 = tpu.memref_slice %arg4[%mul3A_2, %dma_wait3A_13] : memref<16384x128xf32, #tpu.memory_space<hbm>> -> memref<512x128xf32, #tpu.memory_space<hbm>>
      tpu.wait_dma2 semaphore(%run_scoped3A : memref<!tpu.dma_semaphore, #tpu.memory_space<semaphore_mem>>) src(%arg6 : memref<512x128xf32, #tpu.memory_space<vmem>>) dst(%dma_wait3A_14 : memref<512x128xf32, #tpu.memory_space<hbm>>)
      tpu.yield
    }) : () -> ()
    return
  }
}

module attributes {stable_mosaic.version = 14 : i64} {
  func.func @_fused(%arg0: i32, %arg1: memref<2x512x128xf32, #tpu.memory_space<vmem>>, %arg2: memref<512x1xf32, #tpu.memory_space<vmem>>, %arg3: memref<1x2x512x128xf32, #tpu.memory_space<vmem>>, %arg4: memref<1x2x512x128xf32, #tpu.memory_space<vmem>>, %arg5: memref<128x128xbf16, #tpu.memory_space<vmem>>, %arg6: memref<1x128xf32, #tpu.memory_space<vmem>>, %arg7: memref<2x2x128x384xbf16, #tpu.memory_space<vmem>>, %arg8: memref<2x2x1x384xf32, #tpu.memory_space<vmem>>, %arg9: memref<2x2x128x128xbf16, #tpu.memory_space<vmem>>, %arg10: memref<2x2x1x128xf32, #tpu.memory_space<vmem>>, %arg11: memref<2x1x128xf32, #tpu.memory_space<vmem>>, %arg12: memref<2x1x128xf32, #tpu.memory_space<vmem>>, %arg13: memref<128x384xbf16, #tpu.memory_space<vmem>>, %arg14: memref<1x384xf32, #tpu.memory_space<vmem>>, %arg15: memref<128x128xbf16, #tpu.memory_space<vmem>>, %arg16: memref<1x128xf32, #tpu.memory_space<vmem>>, %arg17: memref<1x128xf32, #tpu.memory_space<vmem>>, %arg18: memref<1x128xf32, #tpu.memory_space<vmem>>, %arg19: memref<128x2048xbf16, #tpu.memory_space<vmem>>, %arg20: memref<1x2048xf32, #tpu.memory_space<vmem>>, %arg21: memref<2048x128xbf16, #tpu.memory_space<vmem>>, %arg22: memref<1x128xf32, #tpu.memory_space<vmem>>, %arg23: memref<1x128xf32, #tpu.memory_space<vmem>>, %arg24: memref<1x128xf32, #tpu.memory_space<vmem>>, %arg25: memref<128x10xf32, #tpu.memory_space<vmem>>, %arg26: memref<1x10xf32, #tpu.memory_space<vmem>>, %arg27: memref<2x512x10xf32, #tpu.memory_space<vmem>>, %arg28: memref<2x512x128xf32, #tpu.memory_space<vmem>>, %arg29: memref<512x128xf32, #tpu.memory_space<vmem>>) attributes {dimension_semantics = [#tpu.dimension_semantics<arbitrary>], iteration_bounds = array<i64: 8>, scalar_prefetch = 0 : i64, scratch_operands = 1 : i64, tpu.core_type = #tpu.core_type<tc>, window_params = [{transform_indices = @transform_0, window_bounds = array<i64: 2, 512, 128>}, {pipeline_mode = #tpu.pipeline_mode<synchronous>, transform_indices = @transform_1, window_bounds = array<i64: 512, 1>}, {transform_indices = @transform_2, window_bounds = array<i64: 1, 2, 512, 128>}, {transform_indices = @transform_3, window_bounds = array<i64: 1, 2, 512, 128>}, {pipeline_mode = #tpu.pipeline_mode<synchronous>, transform_indices = @transform_4, window_bounds = array<i64: 128, 128>}, {pipeline_mode = #tpu.pipeline_mode<synchronous>, transform_indices = @transform_5, window_bounds = array<i64: 1, 128>}, {pipeline_mode = #tpu.pipeline_mode<synchronous>, transform_indices = @transform_6, window_bounds = array<i64: 2, 2, 128, 384>}, {pipeline_mode = #tpu.pipeline_mode<synchronous>, transform_indices = @transform_7, window_bounds = array<i64: 2, 2, 1, 384>}, {pipeline_mode = #tpu.pipeline_mode<synchronous>, transform_indices = @transform_8, window_bounds = array<i64: 2, 2, 128, 128>}, {pipeline_mode = #tpu.pipeline_mode<synchronous>, transform_indices = @transform_9, window_bounds = array<i64: 2, 2, 1, 128>}, {pipeline_mode = #tpu.pipeline_mode<synchronous>, transform_indices = @transform_10, window_bounds = array<i64: 2, 1, 128>}, {pipeline_mode = #tpu.pipeline_mode<synchronous>, transform_indices = @transform_11, window_bounds = array<i64: 2, 1, 128>}, {pipeline_mode = #tpu.pipeline_mode<synchronous>, transform_indices = @transform_12, window_bounds = array<i64: 128, 384>}, {pipeline_mode = #tpu.pipeline_mode<synchronous>, transform_indices = @transform_13, window_bounds = array<i64: 1, 384>}, {pipeline_mode = #tpu.pipeline_mode<synchronous>, transform_indices = @transform_14, window_bounds = array<i64: 128, 128>}, {pipeline_mode = #tpu.pipeline_mode<synchronous>, transform_indices = @transform_15, window_bounds = array<i64: 1, 128>}, {pipeline_mode = #tpu.pipeline_mode<synchronous>, transform_indices = @transform_16, window_bounds = array<i64: 1, 128>}, {pipeline_mode = #tpu.pipeline_mode<synchronous>, transform_indices = @transform_17, window_bounds = array<i64: 1, 128>}, {pipeline_mode = #tpu.pipeline_mode<synchronous>, transform_indices = @transform_18, window_bounds = array<i64: 128, 2048>}, {pipeline_mode = #tpu.pipeline_mode<synchronous>, transform_indices = @transform_19, window_bounds = array<i64: 1, 2048>}, {pipeline_mode = #tpu.pipeline_mode<synchronous>, transform_indices = @transform_20, window_bounds = array<i64: 2048, 128>}, {pipeline_mode = #tpu.pipeline_mode<synchronous>, transform_indices = @transform_21, window_bounds = array<i64: 1, 128>}, {pipeline_mode = #tpu.pipeline_mode<synchronous>, transform_indices = @transform_22, window_bounds = array<i64: 1, 128>}, {pipeline_mode = #tpu.pipeline_mode<synchronous>, transform_indices = @transform_23, window_bounds = array<i64: 1, 128>}, {pipeline_mode = #tpu.pipeline_mode<synchronous>, transform_indices = @transform_24, window_bounds = array<i64: 128, 10>}, {pipeline_mode = #tpu.pipeline_mode<synchronous>, transform_indices = @transform_25, window_bounds = array<i64: 1, 10>}, {transform_indices = @transform_26, window_bounds = array<i64: 2, 512, 10>}, {transform_indices = @transform_27, window_bounds = array<i64: 2, 512, 128>}]} {
    %get3A = arith.constant 0 : index
    %get3A_0 = arith.constant 0 : index
    %get3A_1 = vector.load %arg2[%get3A, %get3A_0] : memref<512x1xf32, #tpu.memory_space<vmem>>, vector<512x1xf32>
    %get3A_2 = arith.constant 0 : index
    %get3A_3 = arith.constant 0 : index
    %get3A_4 = arith.constant 0 : index
    %get3A_5 = vector.load %arg1[%get3A_2, %get3A_3, %get3A_4] : memref<2x512x128xf32, #tpu.memory_space<vmem>>, vector<1x512x128xf32>
    %get3A_6 = vector.shape_cast %get3A_5 : vector<1x512x128xf32> to vector<512x128xf32>
    %get3A_7 = arith.constant 0 : index
    %get3A_8 = arith.constant 0 : index
    %get3A_9 = vector.load %arg5[%get3A_7, %get3A_8] : memref<128x128xbf16, #tpu.memory_space<vmem>>, vector<128x128xbf16>
    %convert_element_type3A = arith.truncf %get3A_6 : vector<512x128xf32> to vector<512x128xbf16>
    %dot_general3A = arith.constant dense<0.000000e+00> : vector<512x128xf32>
    %dot_general3A_10 = tpu.matmul %convert_element_type3A, %get3A_9, %dot_general3A {dimension_numbers = #tpu.dot_dimension_numbers<[1], [0], [0], [1], [0, 0, 1, 1], [], []>, transpose_lhs_hint = false} : vector<512x128xbf16>, vector<128x128xbf16>, vector<512x128xf32> -> vector<512x128xf32>
    %get3A_11 = arith.constant 0 : index
    %get3A_12 = arith.constant 0 : index
    %get3A_13 = vector.load %arg6[%get3A_11, %get3A_12] : memref<1x128xf32, #tpu.memory_space<vmem>>, vector<1x128xf32>
    %add3A = vector.broadcast %get3A_13 : vector<1x128xf32> to vector<512x128xf32>
    %add3A_14 = arith.addf %dot_general3A_10, %add3A : vector<512x128xf32>
    %get3A_15 = arith.constant 0 : index
    %get3A_16 = arith.constant 0 : index
    %get3A_17 = arith.constant 0 : index
    %get3A_18 = arith.constant 0 : index
    %get3A_19 = vector.load %arg3[%get3A_15, %get3A_16, %get3A_17, %get3A_18] : memref<1x2x512x128xf32, #tpu.memory_space<vmem>>, vector<1x1x512x128xf32>
    %get3A_20 = vector.shape_cast %get3A_19 : vector<1x1x512x128xf32> to vector<512x128xf32>
    %add3A_21 = arith.addf %add3A_14, %get3A_20 : vector<512x128xf32>
    %get3A_22 = arith.constant 0 : index
    %get3A_23 = arith.constant 0 : index
    %get3A_24 = arith.constant 0 : index
    %get3A_25 = arith.constant 0 : index
    %get3A_26 = vector.load %arg7[%get3A_22, %get3A_23, %get3A_24, %get3A_25] : memref<2x2x128x384xbf16, #tpu.memory_space<vmem>>, vector<1x1x128x384xbf16>
    %get3A_27 = vector.shape_cast %get3A_26 : vector<1x1x128x384xbf16> to vector<128x384xbf16>
    %convert_element_type3A_28 = arith.truncf %add3A_21 : vector<512x128xf32> to vector<512x128xbf16>
    %dot_general3A_29 = arith.constant dense<0.000000e+00> : vector<512x384xf32>
    %dot_general3A_30 = tpu.matmul %convert_element_type3A_28, %get3A_27, %dot_general3A_29 {dimension_numbers = #tpu.dot_dimension_numbers<[1], [0], [0], [1], [0, 0, 1, 1], [], []>, transpose_lhs_hint = false} : vector<512x128xbf16>, vector<128x384xbf16>, vector<512x384xf32> -> vector<512x384xf32>
    %get3A_31 = arith.constant 0 : index
    %get3A_32 = arith.constant 0 : index
    %get3A_33 = arith.constant 0 : index
    %get3A_34 = arith.constant 0 : index
    %get3A_35 = vector.load %arg8[%get3A_31, %get3A_32, %get3A_33, %get3A_34] : memref<2x2x1x384xf32, #tpu.memory_space<vmem>>, vector<1x1x1x384xf32>
    %get3A_36 = vector.shape_cast %get3A_35 : vector<1x1x1x384xf32> to vector<1x384xf32>
    %add3A_37 = vector.broadcast %get3A_36 : vector<1x384xf32> to vector<512x384xf32>
    %add3A_38 = arith.addf %dot_general3A_30, %add3A_37 : vector<512x384xf32>
    %get3A_39 = arith.constant 0 : index
    %get3A_40 = arith.constant 1 : index
    %get3A_41 = arith.constant 0 : index
    %get3A_42 = arith.constant 0 : index
    %get3A_43 = vector.load %arg7[%get3A_39, %get3A_40, %get3A_41, %get3A_42] : memref<2x2x128x384xbf16, #tpu.memory_space<vmem>>, vector<1x1x128x384xbf16>
    %get3A_44 = vector.shape_cast %get3A_43 : vector<1x1x128x384xbf16> to vector<128x384xbf16>
    %convert_element_type3A_45 = arith.truncf %add3A_21 : vector<512x128xf32> to vector<512x128xbf16>
    %dot_general3A_46 = arith.constant dense<0.000000e+00> : vector<512x384xf32>
    %dot_general3A_47 = tpu.matmul %convert_element_type3A_45, %get3A_44, %dot_general3A_46 {dimension_numbers = #tpu.dot_dimension_numbers<[1], [0], [0], [1], [0, 0, 1, 1], [], []>, transpose_lhs_hint = false} : vector<512x128xbf16>, vector<128x384xbf16>, vector<512x384xf32> -> vector<512x384xf32>
    %get3A_48 = arith.constant 0 : index
    %get3A_49 = arith.constant 1 : index
    %get3A_50 = arith.constant 0 : index
    %get3A_51 = arith.constant 0 : index
    %get3A_52 = vector.load %arg8[%get3A_48, %get3A_49, %get3A_50, %get3A_51] : memref<2x2x1x384xf32, #tpu.memory_space<vmem>>, vector<1x1x1x384xf32>
    %get3A_53 = vector.shape_cast %get3A_52 : vector<1x1x1x384xf32> to vector<1x384xf32>
    %add3A_54 = vector.broadcast %get3A_53 : vector<1x384xf32> to vector<512x384xf32>
    %add3A_55 = arith.addf %dot_general3A_47, %add3A_54 : vector<512x384xf32>
    %sub3A = arith.subf %add3A_55, %add3A_38 : vector<512x384xf32>
    %mul3A = vector.broadcast %get3A_1 : vector<512x1xf32> to vector<512x384xf32>
    %mul3A_56 = arith.mulf %mul3A, %sub3A : vector<512x384xf32>
    %add3A_57 = arith.addf %add3A_38, %mul3A_56 : vector<512x384xf32>
    %slice3A = vector.extract_strided_slice %add3A_57 {offsets = [0, 0], sizes = [512, 128], strides = [1, 1]} : vector<512x384xf32> to vector<512x128xf32>
    %slice3A_58 = vector.extract_strided_slice %add3A_57 {offsets = [0, 128], sizes = [512, 128], strides = [1, 1]} : vector<512x384xf32> to vector<512x128xf32>
    %slice3A_59 = vector.extract_strided_slice %add3A_57 {offsets = [0, 256], sizes = [512, 128], strides = [1, 1]} : vector<512x384xf32> to vector<512x128xf32>
    %convert_element_type3A_60 = arith.truncf %slice3A : vector<512x128xf32> to vector<512x128xbf16>
    %convert_element_type3A_61 = arith.truncf %slice3A_58 : vector<512x128xf32> to vector<512x128xbf16>
    %convert_element_type3A_62 = arith.truncf %slice3A_59 : vector<512x128xf32> to vector<512x128xbf16>
    %broadcast_in_dim3A = arith.constant 1.000000e+00 : bf16
    %broadcast_in_dim3A_63 = vector.broadcast %broadcast_in_dim3A : bf16 to vector<512x1xbf16>
    %slice3A_64 = vector.extract_strided_slice %convert_element_type3A_60 {offsets = [0, 0], sizes = [512, 16], strides = [1, 1]} : vector<512x128xbf16> to vector<512x16xbf16>
    %slice3A_65 = vector.extract_strided_slice %convert_element_type3A_61 {offsets = [0, 0], sizes = [512, 16], strides = [1, 1]} : vector<512x128xbf16> to vector<512x16xbf16>
    %slice3A_66 = vector.extract_strided_slice %convert_element_type3A_62 {offsets = [0, 0], sizes = [512, 16], strides = [1, 1]} : vector<512x128xbf16> to vector<512x16xbf16>
    %concatenate3A = tpu.concatenate %slice3A_66, %broadcast_in_dim3A_63 in 1 : vector<512x16xbf16>, vector<512x1xbf16> -> vector<512x17xbf16>
    %dot_general3A_67 = arith.constant dense<0.000000e+00> : vector<512x512xf32>
    %dot_general3A_68 = tpu.matmul %slice3A_64, %slice3A_65, %dot_general3A_67 {dimension_numbers = #tpu.dot_dimension_numbers<[1], [1], [0], [0], [0, 0, 1, 0], [], []>, transpose_lhs_hint = false} : vector<512x16xbf16>, vector<512x16xbf16>, vector<512x512xf32> -> vector<512x512xf32>
    %exp23A = math.exp2 %dot_general3A_68 : vector<512x512xf32>
    %convert_element_type3A_69 = arith.truncf %exp23A : vector<512x512xf32> to vector<512x512xbf16>
    %dot_general3A_70 = arith.constant dense<0.000000e+00> : vector<512x17xf32>
    %dot_general3A_71 = tpu.matmul %convert_element_type3A_69, %concatenate3A, %dot_general3A_70 {dimension_numbers = #tpu.dot_dimension_numbers<[1], [0], [0], [1], [0, 0, 1, 1], [], []>, transpose_lhs_hint = false} : vector<512x512xbf16>, vector<512x17xbf16>, vector<512x17xf32> -> vector<512x17xf32>
    %slice3A_72 = vector.extract_strided_slice %dot_general3A_71 {offsets = [0, 0], sizes = [512, 16], strides = [1, 1]} : vector<512x17xf32> to vector<512x16xf32>
    %slice3A_73 = vector.extract_strided_slice %dot_general3A_71 {offsets = [0, 16], sizes = [512, 1], strides = [1, 1]} : vector<512x17xf32> to vector<512x1xf32>
    %div3A = vector.broadcast %slice3A_73 : vector<512x1xf32> to vector<512x16xf32>
    %div3A_74 = arith.divf %slice3A_72, %div3A : vector<512x16xf32>
    %swap3A = arith.constant 0 : index
    %swap3A_75 = arith.constant 0 : index
    %swap3A_76 = vector.load %arg29[%swap3A, %swap3A_75] : memref<512x128xf32, #tpu.memory_space<vmem>>, vector<512x16xf32>
    tpu.vector_store %arg29[%swap3A, %swap3A_75], %div3A_74 {strides = array<i32>} : memref<512x128xf32, #tpu.memory_space<vmem>>, vector<512x16xf32>,
    %slice3A_77 = vector.extract_strided_slice %convert_element_type3A_60 {offsets = [0, 16], sizes = [512, 16], strides = [1, 1]} : vector<512x128xbf16> to vector<512x16xbf16>
    %slice3A_78 = vector.extract_strided_slice %convert_element_type3A_61 {offsets = [0, 16], sizes = [512, 16], strides = [1, 1]} : vector<512x128xbf16> to vector<512x16xbf16>
    %slice3A_79 = vector.extract_strided_slice %convert_element_type3A_62 {offsets = [0, 16], sizes = [512, 16], strides = [1, 1]} : vector<512x128xbf16> to vector<512x16xbf16>
    %concatenate3A_80 = tpu.concatenate %slice3A_79, %broadcast_in_dim3A_63 in 1 : vector<512x16xbf16>, vector<512x1xbf16> -> vector<512x17xbf16>
    %dot_general3A_81 = arith.constant dense<0.000000e+00> : vector<512x512xf32>
    %dot_general3A_82 = tpu.matmul %slice3A_77, %slice3A_78, %dot_general3A_81 {dimension_numbers = #tpu.dot_dimension_numbers<[1], [1], [0], [0], [0, 0, 1, 0], [], []>, transpose_lhs_hint = false} : vector<512x16xbf16>, vector<512x16xbf16>, vector<512x512xf32> -> vector<512x512xf32>
    %exp23A_83 = math.exp2 %dot_general3A_82 : vector<512x512xf32>
    %convert_element_type3A_84 = arith.truncf %exp23A_83 : vector<512x512xf32> to vector<512x512xbf16>
    %dot_general3A_85 = arith.constant dense<0.000000e+00> : vector<512x17xf32>
    %dot_general3A_86 = tpu.matmul %convert_element_type3A_84, %concatenate3A_80, %dot_general3A_85 {dimension_numbers = #tpu.dot_dimension_numbers<[1], [0], [0], [1], [0, 0, 1, 1], [], []>, transpose_lhs_hint = false} : vector<512x512xbf16>, vector<512x17xbf16>, vector<512x17xf32> -> vector<512x17xf32>
    %slice3A_87 = vector.extract_strided_slice %dot_general3A_86 {offsets = [0, 0], sizes = [512, 16], strides = [1, 1]} : vector<512x17xf32> to vector<512x16xf32>
    %slice3A_88 = vector.extract_strided_slice %dot_general3A_86 {offsets = [0, 16], sizes = [512, 1], strides = [1, 1]} : vector<512x17xf32> to vector<512x1xf32>
    %div3A_89 = vector.broadcast %slice3A_88 : vector<512x1xf32> to vector<512x16xf32>
    %div3A_90 = arith.divf %slice3A_87, %div3A_89 : vector<512x16xf32>
    %swap3A_91 = arith.constant 0 : index
    %swap3A_92 = arith.constant 16 : index
    %swap3A_93 = vector.load %arg29[%swap3A_91, %swap3A_92] : memref<512x128xf32, #tpu.memory_space<vmem>>, vector<512x16xf32>
    tpu.vector_store %arg29[%swap3A_91, %swap3A_92], %div3A_90 {strides = array<i32>} : memref<512x128xf32, #tpu.memory_space<vmem>>, vector<512x16xf32>,
    %slice3A_94 = vector.extract_strided_slice %convert_element_type3A_60 {offsets = [0, 32], sizes = [512, 16], strides = [1, 1]} : vector<512x128xbf16> to vector<512x16xbf16>
    %slice3A_95 = vector.extract_strided_slice %convert_element_type3A_61 {offsets = [0, 32], sizes = [512, 16], strides = [1, 1]} : vector<512x128xbf16> to vector<512x16xbf16>
    %slice3A_96 = vector.extract_strided_slice %convert_element_type3A_62 {offsets = [0, 32], sizes = [512, 16], strides = [1, 1]} : vector<512x128xbf16> to vector<512x16xbf16>
    %concatenate3A_97 = tpu.concatenate %slice3A_96, %broadcast_in_dim3A_63 in 1 : vector<512x16xbf16>, vector<512x1xbf16> -> vector<512x17xbf16>
    %dot_general3A_98 = arith.constant dense<0.000000e+00> : vector<512x512xf32>
    %dot_general3A_99 = tpu.matmul %slice3A_94, %slice3A_95, %dot_general3A_98 {dimension_numbers = #tpu.dot_dimension_numbers<[1], [1], [0], [0], [0, 0, 1, 0], [], []>, transpose_lhs_hint = false} : vector<512x16xbf16>, vector<512x16xbf16>, vector<512x512xf32> -> vector<512x512xf32>
    %exp23A_100 = math.exp2 %dot_general3A_99 : vector<512x512xf32>
    %convert_element_type3A_101 = arith.truncf %exp23A_100 : vector<512x512xf32> to vector<512x512xbf16>
    %dot_general3A_102 = arith.constant dense<0.000000e+00> : vector<512x17xf32>
    %dot_general3A_103 = tpu.matmul %convert_element_type3A_101, %concatenate3A_97, %dot_general3A_102 {dimension_numbers = #tpu.dot_dimension_numbers<[1], [0], [0], [1], [0, 0, 1, 1], [], []>, transpose_lhs_hint = false} : vector<512x512xbf16>, vector<512x17xbf16>, vector<512x17xf32> -> vector<512x17xf32>
    %slice3A_104 = vector.extract_strided_slice %dot_general3A_103 {offsets = [0, 0], sizes = [512, 16], strides = [1, 1]} : vector<512x17xf32> to vector<512x16xf32>
    %slice3A_105 = vector.extract_strided_slice %dot_general3A_103 {offsets = [0, 16], sizes = [512, 1], strides = [1, 1]} : vector<512x17xf32> to vector<512x1xf32>
    %div3A_106 = vector.broadcast %slice3A_105 : vector<512x1xf32> to vector<512x16xf32>
    %div3A_107 = arith.divf %slice3A_104, %div3A_106 : vector<512x16xf32>
    %swap3A_108 = arith.constant 0 : index
    %swap3A_109 = arith.constant 32 : index
    %swap3A_110 = vector.load %arg29[%swap3A_108, %swap3A_109] : memref<512x128xf32, #tpu.memory_space<vmem>>, vector<512x16xf32>
    tpu.vector_store %arg29[%swap3A_108, %swap3A_109], %div3A_107 {strides = array<i32>} : memref<512x128xf32, #tpu.memory_space<vmem>>, vector<512x16xf32>,
    %slice3A_111 = vector.extract_strided_slice %convert_element_type3A_60 {offsets = [0, 48], sizes = [512, 16], strides = [1, 1]} : vector<512x128xbf16> to vector<512x16xbf16>
    %slice3A_112 = vector.extract_strided_slice %convert_element_type3A_61 {offsets = [0, 48], sizes = [512, 16], strides = [1, 1]} : vector<512x128xbf16> to vector<512x16xbf16>
    %slice3A_113 = vector.extract_strided_slice %convert_element_type3A_62 {offsets = [0, 48], sizes = [512, 16], strides = [1, 1]} : vector<512x128xbf16> to vector<512x16xbf16>
    %concatenate3A_114 = tpu.concatenate %slice3A_113, %broadcast_in_dim3A_63 in 1 : vector<512x16xbf16>, vector<512x1xbf16> -> vector<512x17xbf16>
    %dot_general3A_115 = arith.constant dense<0.000000e+00> : vector<512x512xf32>
    %dot_general3A_116 = tpu.matmul %slice3A_111, %slice3A_112, %dot_general3A_115 {dimension_numbers = #tpu.dot_dimension_numbers<[1], [1], [0], [0], [0, 0, 1, 0], [], []>, transpose_lhs_hint = false} : vector<512x16xbf16>, vector<512x16xbf16>, vector<512x512xf32> -> vector<512x512xf32>
    %exp23A_117 = math.exp2 %dot_general3A_116 : vector<512x512xf32>
    %convert_element_type3A_118 = arith.truncf %exp23A_117 : vector<512x512xf32> to vector<512x512xbf16>
    %dot_general3A_119 = arith.constant dense<0.000000e+00> : vector<512x17xf32>
    %dot_general3A_120 = tpu.matmul %convert_element_type3A_118, %concatenate3A_114, %dot_general3A_119 {dimension_numbers = #tpu.dot_dimension_numbers<[1], [0], [0], [1], [0, 0, 1, 1], [], []>, transpose_lhs_hint = false} : vector<512x512xbf16>, vector<512x17xbf16>, vector<512x17xf32> -> vector<512x17xf32>
    %slice3A_121 = vector.extract_strided_slice %dot_general3A_120 {offsets = [0, 0], sizes = [512, 16], strides = [1, 1]} : vector<512x17xf32> to vector<512x16xf32>
    %slice3A_122 = vector.extract_strided_slice %dot_general3A_120 {offsets = [0, 16], sizes = [512, 1], strides = [1, 1]} : vector<512x17xf32> to vector<512x1xf32>
    %div3A_123 = vector.broadcast %slice3A_122 : vector<512x1xf32> to vector<512x16xf32>
    %div3A_124 = arith.divf %slice3A_121, %div3A_123 : vector<512x16xf32>
    %swap3A_125 = arith.constant 0 : index
    %swap3A_126 = arith.constant 48 : index
    %swap3A_127 = vector.load %arg29[%swap3A_125, %swap3A_126] : memref<512x128xf32, #tpu.memory_space<vmem>>, vector<512x16xf32>
    tpu.vector_store %arg29[%swap3A_125, %swap3A_126], %div3A_124 {strides = array<i32>} : memref<512x128xf32, #tpu.memory_space<vmem>>, vector<512x16xf32>,
    %slice3A_128 = vector.extract_strided_slice %convert_element_type3A_60 {offsets = [0, 64], sizes = [512, 16], strides = [1, 1]} : vector<512x128xbf16> to vector<512x16xbf16>
    %slice3A_129 = vector.extract_strided_slice %convert_element_type3A_61 {offsets = [0, 64], sizes = [512, 16], strides = [1, 1]} : vector<512x128xbf16> to vector<512x16xbf16>
    %slice3A_130 = vector.extract_strided_slice %convert_element_type3A_62 {offsets = [0, 64], sizes = [512, 16], strides = [1, 1]} : vector<512x128xbf16> to vector<512x16xbf16>
    %concatenate3A_131 = tpu.concatenate %slice3A_130, %broadcast_in_dim3A_63 in 1 : vector<512x16xbf16>, vector<512x1xbf16> -> vector<512x17xbf16>
    %dot_general3A_132 = arith.constant dense<0.000000e+00> : vector<512x512xf32>
    %dot_general3A_133 = tpu.matmul %slice3A_128, %slice3A_129, %dot_general3A_132 {dimension_numbers = #tpu.dot_dimension_numbers<[1], [1], [0], [0], [0, 0, 1, 0], [], []>, transpose_lhs_hint = false} : vector<512x16xbf16>, vector<512x16xbf16>, vector<512x512xf32> -> vector<512x512xf32>
    %exp23A_134 = math.exp2 %dot_general3A_133 : vector<512x512xf32>
    %convert_element_type3A_135 = arith.truncf %exp23A_134 : vector<512x512xf32> to vector<512x512xbf16>
    %dot_general3A_136 = arith.constant dense<0.000000e+00> : vector<512x17xf32>
    %dot_general3A_137 = tpu.matmul %convert_element_type3A_135, %concatenate3A_131, %dot_general3A_136 {dimension_numbers = #tpu.dot_dimension_numbers<[1], [0], [0], [1], [0, 0, 1, 1], [], []>, transpose_lhs_hint = false} : vector<512x512xbf16>, vector<512x17xbf16>, vector<512x17xf32> -> vector<512x17xf32>
    %slice3A_138 = vector.extract_strided_slice %dot_general3A_137 {offsets = [0, 0], sizes = [512, 16], strides = [1, 1]} : vector<512x17xf32> to vector<512x16xf32>
    %slice3A_139 = vector.extract_strided_slice %dot_general3A_137 {offsets = [0, 16], sizes = [512, 1], strides = [1, 1]} : vector<512x17xf32> to vector<512x1xf32>
    %div3A_140 = vector.broadcast %slice3A_139 : vector<512x1xf32> to vector<512x16xf32>
    %div3A_141 = arith.divf %slice3A_138, %div3A_140 : vector<512x16xf32>
    %swap3A_142 = arith.constant 0 : index
    %swap3A_143 = arith.constant 64 : index
    %swap3A_144 = vector.load %arg29[%swap3A_142, %swap3A_143] : memref<512x128xf32, #tpu.memory_space<vmem>>, vector<512x16xf32>
    tpu.vector_store %arg29[%swap3A_142, %swap3A_143], %div3A_141 {strides = array<i32>} : memref<512x128xf32, #tpu.memory_space<vmem>>, vector<512x16xf32>,
    %slice3A_145 = vector.extract_strided_slice %convert_element_type3A_60 {offsets = [0, 80], sizes = [512, 16], strides = [1, 1]} : vector<512x128xbf16> to vector<512x16xbf16>
    %slice3A_146 = vector.extract_strided_slice %convert_element_type3A_61 {offsets = [0, 80], sizes = [512, 16], strides = [1, 1]} : vector<512x128xbf16> to vector<512x16xbf16>
    %slice3A_147 = vector.extract_strided_slice %convert_element_type3A_62 {offsets = [0, 80], sizes = [512, 16], strides = [1, 1]} : vector<512x128xbf16> to vector<512x16xbf16>
    %concatenate3A_148 = tpu.concatenate %slice3A_147, %broadcast_in_dim3A_63 in 1 : vector<512x16xbf16>, vector<512x1xbf16> -> vector<512x17xbf16>
    %dot_general3A_149 = arith.constant dense<0.000000e+00> : vector<512x512xf32>
    %dot_general3A_150 = tpu.matmul %slice3A_145, %slice3A_146, %dot_general3A_149 {dimension_numbers = #tpu.dot_dimension_numbers<[1], [1], [0], [0], [0, 0, 1, 0], [], []>, transpose_lhs_hint = false} : vector<512x16xbf16>, vector<512x16xbf16>, vector<512x512xf32> -> vector<512x512xf32>
    %exp23A_151 = math.exp2 %dot_general3A_150 : vector<512x512xf32>
    %convert_element_type3A_152 = arith.truncf %exp23A_151 : vector<512x512xf32> to vector<512x512xbf16>
    %dot_general3A_153 = arith.constant dense<0.000000e+00> : vector<512x17xf32>
    %dot_general3A_154 = tpu.matmul %convert_element_type3A_152, %concatenate3A_148, %dot_general3A_153 {dimension_numbers = #tpu.dot_dimension_numbers<[1], [0], [0], [1], [0, 0, 1, 1], [], []>, transpose_lhs_hint = false} : vector<512x512xbf16>, vector<512x17xbf16>, vector<512x17xf32> -> vector<512x17xf32>
    %slice3A_155 = vector.extract_strided_slice %dot_general3A_154 {offsets = [0, 0], sizes = [512, 16], strides = [1, 1]} : vector<512x17xf32> to vector<512x16xf32>
    %slice3A_156 = vector.extract_strided_slice %dot_general3A_154 {offsets = [0, 16], sizes = [512, 1], strides = [1, 1]} : vector<512x17xf32> to vector<512x1xf32>
    %div3A_157 = vector.broadcast %slice3A_156 : vector<512x1xf32> to vector<512x16xf32>
    %div3A_158 = arith.divf %slice3A_155, %div3A_157 : vector<512x16xf32>
    %swap3A_159 = arith.constant 0 : index
    %swap3A_160 = arith.constant 80 : index
    %swap3A_161 = vector.load %arg29[%swap3A_159, %swap3A_160] : memref<512x128xf32, #tpu.memory_space<vmem>>, vector<512x16xf32>
    tpu.vector_store %arg29[%swap3A_159, %swap3A_160], %div3A_158 {strides = array<i32>} : memref<512x128xf32, #tpu.memory_space<vmem>>, vector<512x16xf32>,
    %slice3A_162 = vector.extract_strided_slice %convert_element_type3A_60 {offsets = [0, 96], sizes = [512, 16], strides = [1, 1]} : vector<512x128xbf16> to vector<512x16xbf16>
    %slice3A_163 = vector.extract_strided_slice %convert_element_type3A_61 {offsets = [0, 96], sizes = [512, 16], strides = [1, 1]} : vector<512x128xbf16> to vector<512x16xbf16>
    %slice3A_164 = vector.extract_strided_slice %convert_element_type3A_62 {offsets = [0, 96], sizes = [512, 16], strides = [1, 1]} : vector<512x128xbf16> to vector<512x16xbf16>
    %concatenate3A_165 = tpu.concatenate %slice3A_164, %broadcast_in_dim3A_63 in 1 : vector<512x16xbf16>, vector<512x1xbf16> -> vector<512x17xbf16>
    %dot_general3A_166 = arith.constant dense<0.000000e+00> : vector<512x512xf32>
    %dot_general3A_167 = tpu.matmul %slice3A_162, %slice3A_163, %dot_general3A_166 {dimension_numbers = #tpu.dot_dimension_numbers<[1], [1], [0], [0], [0, 0, 1, 0], [], []>, transpose_lhs_hint = false} : vector<512x16xbf16>, vector<512x16xbf16>, vector<512x512xf32> -> vector<512x512xf32>
    %exp23A_168 = math.exp2 %dot_general3A_167 : vector<512x512xf32>
    %convert_element_type3A_169 = arith.truncf %exp23A_168 : vector<512x512xf32> to vector<512x512xbf16>
    %dot_general3A_170 = arith.constant dense<0.000000e+00> : vector<512x17xf32>
    %dot_general3A_171 = tpu.matmul %convert_element_type3A_169, %concatenate3A_165, %dot_general3A_170 {dimension_numbers = #tpu.dot_dimension_numbers<[1], [0], [0], [1], [0, 0, 1, 1], [], []>, transpose_lhs_hint = false} : vector<512x512xbf16>, vector<512x17xbf16>, vector<512x17xf32> -> vector<512x17xf32>
    %slice3A_172 = vector.extract_strided_slice %dot_general3A_171 {offsets = [0, 0], sizes = [512, 16], strides = [1, 1]} : vector<512x17xf32> to vector<512x16xf32>
    %slice3A_173 = vector.extract_strided_slice %dot_general3A_171 {offsets = [0, 16], sizes = [512, 1], strides = [1, 1]} : vector<512x17xf32> to vector<512x1xf32>
    %div3A_174 = vector.broadcast %slice3A_173 : vector<512x1xf32> to vector<512x16xf32>
    %div3A_175 = arith.divf %slice3A_172, %div3A_174 : vector<512x16xf32>
    %swap3A_176 = arith.constant 0 : index
    %swap3A_177 = arith.constant 96 : index
    %swap3A_178 = vector.load %arg29[%swap3A_176, %swap3A_177] : memref<512x128xf32, #tpu.memory_space<vmem>>, vector<512x16xf32>
    tpu.vector_store %arg29[%swap3A_176, %swap3A_177], %div3A_175 {strides = array<i32>} : memref<512x128xf32, #tpu.memory_space<vmem>>, vector<512x16xf32>,
    %slice3A_179 = vector.extract_strided_slice %convert_element_type3A_60 {offsets = [0, 112], sizes = [512, 16], strides = [1, 1]} : vector<512x128xbf16> to vector<512x16xbf16>
    %slice3A_180 = vector.extract_strided_slice %convert_element_type3A_61 {offsets = [0, 112], sizes = [512, 16], strides = [1, 1]} : vector<512x128xbf16> to vector<512x16xbf16>
    %slice3A_181 = vector.extract_strided_slice %convert_element_type3A_62 {offsets = [0, 112], sizes = [512, 16], strides = [1, 1]} : vector<512x128xbf16> to vector<512x16xbf16>
    %concatenate3A_182 = tpu.concatenate %slice3A_181, %broadcast_in_dim3A_63 in 1 : vector<512x16xbf16>, vector<512x1xbf16> -> vector<512x17xbf16>
    %dot_general3A_183 = arith.constant dense<0.000000e+00> : vector<512x512xf32>
    %dot_general3A_184 = tpu.matmul %slice3A_179, %slice3A_180, %dot_general3A_183 {dimension_numbers = #tpu.dot_dimension_numbers<[1], [1], [0], [0], [0, 0, 1, 0], [], []>, transpose_lhs_hint = false} : vector<512x16xbf16>, vector<512x16xbf16>, vector<512x512xf32> -> vector<512x512xf32>
    %exp23A_185 = math.exp2 %dot_general3A_184 : vector<512x512xf32>
    %convert_element_type3A_186 = arith.truncf %exp23A_185 : vector<512x512xf32> to vector<512x512xbf16>
    %dot_general3A_187 = arith.constant dense<0.000000e+00> : vector<512x17xf32>
    %dot_general3A_188 = tpu.matmul %convert_element_type3A_186, %concatenate3A_182, %dot_general3A_187 {dimension_numbers = #tpu.dot_dimension_numbers<[1], [0], [0], [1], [0, 0, 1, 1], [], []>, transpose_lhs_hint = false} : vector<512x512xbf16>, vector<512x17xbf16>, vector<512x17xf32> -> vector<512x17xf32>
    %slice3A_189 = vector.extract_strided_slice %dot_general3A_188 {offsets = [0, 0], sizes = [512, 16], strides = [1, 1]} : vector<512x17xf32> to vector<512x16xf32>
    %slice3A_190 = vector.extract_strided_slice %dot_general3A_188 {offsets = [0, 16], sizes = [512, 1], strides = [1, 1]} : vector<512x17xf32> to vector<512x1xf32>
    %div3A_191 = vector.broadcast %slice3A_190 : vector<512x1xf32> to vector<512x16xf32>
    %div3A_192 = arith.divf %slice3A_189, %div3A_191 : vector<512x16xf32>
    %swap3A_193 = arith.constant 0 : index
    %swap3A_194 = arith.constant 112 : index
    %swap3A_195 = vector.load %arg29[%swap3A_193, %swap3A_194] : memref<512x128xf32, #tpu.memory_space<vmem>>, vector<512x16xf32>
    tpu.vector_store %arg29[%swap3A_193, %swap3A_194], %div3A_192 {strides = array<i32>} : memref<512x128xf32, #tpu.memory_space<vmem>>, vector<512x16xf32>,
    %get3A_196 = arith.constant 0 : index
    %get3A_197 = arith.constant 0 : index
    %get3A_198 = vector.load %arg29[%get3A_196, %get3A_197] : memref<512x128xf32, #tpu.memory_space<vmem>>, vector<512x128xf32>
    %get3A_199 = arith.constant 0 : index
    %get3A_200 = arith.constant 0 : index
    %get3A_201 = arith.constant 0 : index
    %get3A_202 = arith.constant 0 : index
    %get3A_203 = vector.load %arg9[%get3A_199, %get3A_200, %get3A_201, %get3A_202] : memref<2x2x128x128xbf16, #tpu.memory_space<vmem>>, vector<1x1x128x128xbf16>
    %get3A_204 = vector.shape_cast %get3A_203 : vector<1x1x128x128xbf16> to vector<128x128xbf16>
    %convert_element_type3A_205 = arith.truncf %get3A_198 : vector<512x128xf32> to vector<512x128xbf16>
    %dot_general3A_206 = arith.constant dense<0.000000e+00> : vector<512x128xf32>
    %dot_general3A_207 = tpu.matmul %convert_element_type3A_205, %get3A_204, %dot_general3A_206 {dimension_numbers = #tpu.dot_dimension_numbers<[1], [0], [0], [1], [0, 0, 1, 1], [], []>, transpose_lhs_hint = false} : vector<512x128xbf16>, vector<128x128xbf16>, vector<512x128xf32> -> vector<512x128xf32>
    %get3A_208 = arith.constant 0 : index
    %get3A_209 = arith.constant 0 : index
    %get3A_210 = arith.constant 0 : index
    %get3A_211 = arith.constant 0 : index
    %get3A_212 = vector.load %arg10[%get3A_208, %get3A_209, %get3A_210, %get3A_211] : memref<2x2x1x128xf32, #tpu.memory_space<vmem>>, vector<1x1x1x128xf32>
    %get3A_213 = vector.shape_cast %get3A_212 : vector<1x1x1x128xf32> to vector<1x128xf32>
    %add3A_214 = vector.broadcast %get3A_213 : vector<1x128xf32> to vector<512x128xf32>
    %add3A_215 = arith.addf %dot_general3A_207, %add3A_214 : vector<512x128xf32>
    %get3A_216 = arith.constant 0 : index
    %get3A_217 = arith.constant 1 : index
    %get3A_218 = arith.constant 0 : index
    %get3A_219 = arith.constant 0 : index
    %get3A_220 = vector.load %arg9[%get3A_216, %get3A_217, %get3A_218, %get3A_219] : memref<2x2x128x128xbf16, #tpu.memory_space<vmem>>, vector<1x1x128x128xbf16>
    %get3A_221 = vector.shape_cast %get3A_220 : vector<1x1x128x128xbf16> to vector<128x128xbf16>
    %convert_element_type3A_222 = arith.truncf %get3A_198 : vector<512x128xf32> to vector<512x128xbf16>
    %dot_general3A_223 = arith.constant dense<0.000000e+00> : vector<512x128xf32>
    %dot_general3A_224 = tpu.matmul %convert_element_type3A_222, %get3A_221, %dot_general3A_223 {dimension_numbers = #tpu.dot_dimension_numbers<[1], [0], [0], [1], [0, 0, 1, 1], [], []>, transpose_lhs_hint = false} : vector<512x128xbf16>, vector<128x128xbf16>, vector<512x128xf32> -> vector<512x128xf32>
    %get3A_225 = arith.constant 0 : index
    %get3A_226 = arith.constant 1 : index
    %get3A_227 = arith.constant 0 : index
    %get3A_228 = arith.constant 0 : index
    %get3A_229 = vector.load %arg10[%get3A_225, %get3A_226, %get3A_227, %get3A_228] : memref<2x2x1x128xf32, #tpu.memory_space<vmem>>, vector<1x1x1x128xf32>
    %get3A_230 = vector.shape_cast %get3A_229 : vector<1x1x1x128xf32> to vector<1x128xf32>
    %add3A_231 = vector.broadcast %get3A_230 : vector<1x128xf32> to vector<512x128xf32>
    %add3A_232 = arith.addf %dot_general3A_224, %add3A_231 : vector<512x128xf32>
    %sub3A_233 = arith.subf %add3A_232, %add3A_215 : vector<512x128xf32>
    %mul3A_234 = vector.broadcast %get3A_1 : vector<512x1xf32> to vector<512x128xf32>
    %mul3A_235 = arith.mulf %mul3A_234, %sub3A_233 : vector<512x128xf32>
    %add3A_236 = arith.addf %add3A_215, %mul3A_235 : vector<512x128xf32>
    %add3A_237 = arith.addf %add3A_14, %add3A_236 : vector<512x128xf32>
    %get3A_238 = arith.constant 0 : index
    %get3A_239 = arith.constant 0 : index
    %get3A_240 = arith.constant 0 : index
    %get3A_241 = vector.load %arg11[%get3A_238, %get3A_239, %get3A_240] : memref<2x1x128xf32, #tpu.memory_space<vmem>>, vector<1x1x128xf32>
    %get3A_242 = vector.shape_cast %get3A_241 : vector<1x1x128xf32> to vector<1x128xf32>
    %get3A_243 = arith.constant 0 : index
    %get3A_244 = arith.constant 0 : index
    %get3A_245 = arith.constant 0 : index
    %get3A_246 = vector.load %arg12[%get3A_243, %get3A_244, %get3A_245] : memref<2x1x128xf32, #tpu.memory_space<vmem>>, vector<1x1x128xf32>
    %get3A_247 = vector.shape_cast %get3A_246 : vector<1x1x128xf32> to vector<1x128xf32>
    %reduce_sum3A = arith.constant dense<0.000000e+00> : vector<512xf32>
    %reduce_sum3A_248 = vector.multi_reduction <add>, %add3A_237, %reduce_sum3A [1] : vector<512x128xf32> to vector<512xf32>
    %broadcast_in_dim3A_249 = vector.shape_cast %reduce_sum3A_248 : vector<512xf32> to vector<512x1xf32>
    %div3A_250 = arith.constant 1.280000e+02 : f32
    %div3A_251 = vector.broadcast %div3A_250 : f32 to vector<512x1xf32>
    %div3A_252 = arith.divf %broadcast_in_dim3A_249, %div3A_251 : vector<512x1xf32>
    %sub3A_253 = vector.broadcast %div3A_252 : vector<512x1xf32> to vector<512x128xf32>
    %sub3A_254 = arith.subf %add3A_237, %sub3A_253 : vector<512x128xf32>
    %integer_pow3A = arith.mulf %sub3A_254, %sub3A_254 : vector<512x128xf32>
    %reduce_sum3A_255 = arith.constant dense<0.000000e+00> : vector<512xf32>
    %reduce_sum3A_256 = vector.multi_reduction <add>, %integer_pow3A, %reduce_sum3A_255 [1] : vector<512x128xf32> to vector<512xf32>
    %broadcast_in_dim3A_257 = vector.shape_cast %reduce_sum3A_256 : vector<512xf32> to vector<512x1xf32>
    %div3A_258 = arith.constant 1.280000e+02 : f32
    %div3A_259 = vector.broadcast %div3A_258 : f32 to vector<512x1xf32>
    %div3A_260 = arith.divf %broadcast_in_dim3A_257, %div3A_259 : vector<512x1xf32>
    %sub3A_261 = vector.broadcast %div3A_252 : vector<512x1xf32> to vector<512x128xf32>
    %sub3A_262 = arith.subf %add3A_237, %sub3A_261 : vector<512x128xf32>
    %add3A_263 = arith.constant 9.99999974E-6 : f32
    %add3A_264 = vector.broadcast %add3A_263 : f32 to vector<512x1xf32>
    %add3A_265 = arith.addf %div3A_260, %add3A_264 : vector<512x1xf32>
    %sqrt3A = math.sqrt %add3A_265 : vector<512x1xf32>
    %div3A_266 = vector.broadcast %sqrt3A : vector<512x1xf32> to vector<512x128xf32>
    %div3A_267 = arith.divf %sub3A_262, %div3A_266 : vector<512x128xf32>
    %mul3A_268 = vector.broadcast %get3A_242 : vector<1x128xf32> to vector<512x128xf32>
    %mul3A_269 = arith.mulf %div3A_267, %mul3A_268 : vector<512x128xf32>
    %add3A_270 = vector.broadcast %get3A_247 : vector<1x128xf32> to vector<512x128xf32>
    %add3A_271 = arith.addf %mul3A_269, %add3A_270 : vector<512x128xf32>
    %get3A_272 = arith.constant 0 : index
    %get3A_273 = arith.constant 0 : index
    %get3A_274 = arith.constant 0 : index
    %get3A_275 = arith.constant 0 : index
    %get3A_276 = vector.load %arg4[%get3A_272, %get3A_273, %get3A_274, %get3A_275] : memref<1x2x512x128xf32, #tpu.memory_space<vmem>>, vector<1x1x512x128xf32>
    %get3A_277 = vector.shape_cast %get3A_276 : vector<1x1x512x128xf32> to vector<512x128xf32>
    %add3A_278 = arith.addf %add3A_271, %get3A_277 : vector<512x128xf32>
    %get3A_279 = arith.constant 1 : index
    %get3A_280 = arith.constant 0 : index
    %get3A_281 = arith.constant 0 : index
    %get3A_282 = arith.constant 0 : index
    %get3A_283 = vector.load %arg7[%get3A_279, %get3A_280, %get3A_281, %get3A_282] : memref<2x2x128x384xbf16, #tpu.memory_space<vmem>>, vector<1x1x128x384xbf16>
    %get3A_284 = vector.shape_cast %get3A_283 : vector<1x1x128x384xbf16> to vector<128x384xbf16>
    %convert_element_type3A_285 = arith.truncf %add3A_278 : vector<512x128xf32> to vector<512x128xbf16>
    %dot_general3A_286 = arith.constant dense<0.000000e+00> : vector<512x384xf32>
    %dot_general3A_287 = tpu.matmul %convert_element_type3A_285, %get3A_284, %dot_general3A_286 {dimension_numbers = #tpu.dot_dimension_numbers<[1], [0], [0], [1], [0, 0, 1, 1], [], []>, transpose_lhs_hint = false} : vector<512x128xbf16>, vector<128x384xbf16>, vector<512x384xf32> -> vector<512x384xf32>
    %get3A_288 = arith.constant 1 : index
    %get3A_289 = arith.constant 0 : index
    %get3A_290 = arith.constant 0 : index
    %get3A_291 = arith.constant 0 : index
    %get3A_292 = vector.load %arg8[%get3A_288, %get3A_289, %get3A_290, %get3A_291] : memref<2x2x1x384xf32, #tpu.memory_space<vmem>>, vector<1x1x1x384xf32>
    %get3A_293 = vector.shape_cast %get3A_292 : vector<1x1x1x384xf32> to vector<1x384xf32>
    %add3A_294 = vector.broadcast %get3A_293 : vector<1x384xf32> to vector<512x384xf32>
    %add3A_295 = arith.addf %dot_general3A_287, %add3A_294 : vector<512x384xf32>
    %get3A_296 = arith.constant 1 : index
    %get3A_297 = arith.constant 1 : index
    %get3A_298 = arith.constant 0 : index
    %get3A_299 = arith.constant 0 : index
    %get3A_300 = vector.load %arg7[%get3A_296, %get3A_297, %get3A_298, %get3A_299] : memref<2x2x128x384xbf16, #tpu.memory_space<vmem>>, vector<1x1x128x384xbf16>
    %get3A_301 = vector.shape_cast %get3A_300 : vector<1x1x128x384xbf16> to vector<128x384xbf16>
    %convert_element_type3A_302 = arith.truncf %add3A_278 : vector<512x128xf32> to vector<512x128xbf16>
    %dot_general3A_303 = arith.constant dense<0.000000e+00> : vector<512x384xf32>
    %dot_general3A_304 = tpu.matmul %convert_element_type3A_302, %get3A_301, %dot_general3A_303 {dimension_numbers = #tpu.dot_dimension_numbers<[1], [0], [0], [1], [0, 0, 1, 1], [], []>, transpose_lhs_hint = false} : vector<512x128xbf16>, vector<128x384xbf16>, vector<512x384xf32> -> vector<512x384xf32>
    %get3A_305 = arith.constant 1 : index
    %get3A_306 = arith.constant 1 : index
    %get3A_307 = arith.constant 0 : index
    %get3A_308 = arith.constant 0 : index
    %get3A_309 = vector.load %arg8[%get3A_305, %get3A_306, %get3A_307, %get3A_308] : memref<2x2x1x384xf32, #tpu.memory_space<vmem>>, vector<1x1x1x384xf32>
    %get3A_310 = vector.shape_cast %get3A_309 : vector<1x1x1x384xf32> to vector<1x384xf32>
    %add3A_311 = vector.broadcast %get3A_310 : vector<1x384xf32> to vector<512x384xf32>
    %add3A_312 = arith.addf %dot_general3A_304, %add3A_311 : vector<512x384xf32>
    %sub3A_313 = arith.subf %add3A_312, %add3A_295 : vector<512x384xf32>
    %mul3A_314 = vector.broadcast %get3A_1 : vector<512x1xf32> to vector<512x384xf32>
    %mul3A_315 = arith.mulf %mul3A_314, %sub3A_313 : vector<512x384xf32>
    %add3A_316 = arith.addf %add3A_295, %mul3A_315 : vector<512x384xf32>
    %slice3A_317 = vector.extract_strided_slice %add3A_316 {offsets = [0, 0], sizes = [512, 128], strides = [1, 1]} : vector<512x384xf32> to vector<512x128xf32>
    %slice3A_318 = vector.extract_strided_slice %add3A_316 {offsets = [0, 128], sizes = [512, 128], strides = [1, 1]} : vector<512x384xf32> to vector<512x128xf32>
    %slice3A_319 = vector.extract_strided_slice %add3A_316 {offsets = [0, 256], sizes = [512, 128], strides = [1, 1]} : vector<512x384xf32> to vector<512x128xf32>
    %convert_element_type3A_320 = arith.truncf %slice3A_317 : vector<512x128xf32> to vector<512x128xbf16>
    %convert_element_type3A_321 = arith.truncf %slice3A_318 : vector<512x128xf32> to vector<512x128xbf16>
    %convert_element_type3A_322 = arith.truncf %slice3A_319 : vector<512x128xf32> to vector<512x128xbf16>
    %broadcast_in_dim3A_323 = arith.constant 1.000000e+00 : bf16
    %broadcast_in_dim3A_324 = vector.broadcast %broadcast_in_dim3A_323 : bf16 to vector<512x1xbf16>
    %slice3A_325 = vector.extract_strided_slice %convert_element_type3A_320 {offsets = [0, 0], sizes = [512, 16], strides = [1, 1]} : vector<512x128xbf16> to vector<512x16xbf16>
    %slice3A_326 = vector.extract_strided_slice %convert_element_type3A_321 {offsets = [0, 0], sizes = [512, 16], strides = [1, 1]} : vector<512x128xbf16> to vector<512x16xbf16>
    %slice3A_327 = vector.extract_strided_slice %convert_element_type3A_322 {offsets = [0, 0], sizes = [512, 16], strides = [1, 1]} : vector<512x128xbf16> to vector<512x16xbf16>
    %concatenate3A_328 = tpu.concatenate %slice3A_327, %broadcast_in_dim3A_324 in 1 : vector<512x16xbf16>, vector<512x1xbf16> -> vector<512x17xbf16>
    %dot_general3A_329 = arith.constant dense<0.000000e+00> : vector<512x512xf32>
    %dot_general3A_330 = tpu.matmul %slice3A_325, %slice3A_326, %dot_general3A_329 {dimension_numbers = #tpu.dot_dimension_numbers<[1], [1], [0], [0], [0, 0, 1, 0], [], []>, transpose_lhs_hint = false} : vector<512x16xbf16>, vector<512x16xbf16>, vector<512x512xf32> -> vector<512x512xf32>
    %exp23A_331 = math.exp2 %dot_general3A_330 : vector<512x512xf32>
    %convert_element_type3A_332 = arith.truncf %exp23A_331 : vector<512x512xf32> to vector<512x512xbf16>
    %dot_general3A_333 = arith.constant dense<0.000000e+00> : vector<512x17xf32>
    %dot_general3A_334 = tpu.matmul %convert_element_type3A_332, %concatenate3A_328, %dot_general3A_333 {dimension_numbers = #tpu.dot_dimension_numbers<[1], [0], [0], [1], [0, 0, 1, 1], [], []>, transpose_lhs_hint = false} : vector<512x512xbf16>, vector<512x17xbf16>, vector<512x17xf32> -> vector<512x17xf32>
    %slice3A_335 = vector.extract_strided_slice %dot_general3A_334 {offsets = [0, 0], sizes = [512, 16], strides = [1, 1]} : vector<512x17xf32> to vector<512x16xf32>
    %slice3A_336 = vector.extract_strided_slice %dot_general3A_334 {offsets = [0, 16], sizes = [512, 1], strides = [1, 1]} : vector<512x17xf32> to vector<512x1xf32>
    %div3A_337 = vector.broadcast %slice3A_336 : vector<512x1xf32> to vector<512x16xf32>
    %div3A_338 = arith.divf %slice3A_335, %div3A_337 : vector<512x16xf32>
    %swap3A_339 = arith.constant 0 : index
    %swap3A_340 = arith.constant 0 : index
    %swap3A_341 = vector.load %arg29[%swap3A_339, %swap3A_340] : memref<512x128xf32, #tpu.memory_space<vmem>>, vector<512x16xf32>
    tpu.vector_store %arg29[%swap3A_339, %swap3A_340], %div3A_338 {strides = array<i32>} : memref<512x128xf32, #tpu.memory_space<vmem>>, vector<512x16xf32>,
    %slice3A_342 = vector.extract_strided_slice %convert_element_type3A_320 {offsets = [0, 16], sizes = [512, 16], strides = [1, 1]} : vector<512x128xbf16> to vector<512x16xbf16>
    %slice3A_343 = vector.extract_strided_slice %convert_element_type3A_321 {offsets = [0, 16], sizes = [512, 16], strides = [1, 1]} : vector<512x128xbf16> to vector<512x16xbf16>
    %slice3A_344 = vector.extract_strided_slice %convert_element_type3A_322 {offsets = [0, 16], sizes = [512, 16], strides = [1, 1]} : vector<512x128xbf16> to vector<512x16xbf16>
    %concatenate3A_345 = tpu.concatenate %slice3A_344, %broadcast_in_dim3A_324 in 1 : vector<512x16xbf16>, vector<512x1xbf16> -> vector<512x17xbf16>
    %dot_general3A_346 = arith.constant dense<0.000000e+00> : vector<512x512xf32>
    %dot_general3A_347 = tpu.matmul %slice3A_342, %slice3A_343, %dot_general3A_346 {dimension_numbers = #tpu.dot_dimension_numbers<[1], [1], [0], [0], [0, 0, 1, 0], [], []>, transpose_lhs_hint = false} : vector<512x16xbf16>, vector<512x16xbf16>, vector<512x512xf32> -> vector<512x512xf32>
    %exp23A_348 = math.exp2 %dot_general3A_347 : vector<512x512xf32>
    %convert_element_type3A_349 = arith.truncf %exp23A_348 : vector<512x512xf32> to vector<512x512xbf16>
    %dot_general3A_350 = arith.constant dense<0.000000e+00> : vector<512x17xf32>
    %dot_general3A_351 = tpu.matmul %convert_element_type3A_349, %concatenate3A_345, %dot_general3A_350 {dimension_numbers = #tpu.dot_dimension_numbers<[1], [0], [0], [1], [0, 0, 1, 1], [], []>, transpose_lhs_hint = false} : vector<512x512xbf16>, vector<512x17xbf16>, vector<512x17xf32> -> vector<512x17xf32>
    %slice3A_352 = vector.extract_strided_slice %dot_general3A_351 {offsets = [0, 0], sizes = [512, 16], strides = [1, 1]} : vector<512x17xf32> to vector<512x16xf32>
    %slice3A_353 = vector.extract_strided_slice %dot_general3A_351 {offsets = [0, 16], sizes = [512, 1], strides = [1, 1]} : vector<512x17xf32> to vector<512x1xf32>
    %div3A_354 = vector.broadcast %slice3A_353 : vector<512x1xf32> to vector<512x16xf32>
    %div3A_355 = arith.divf %slice3A_352, %div3A_354 : vector<512x16xf32>
    %swap3A_356 = arith.constant 0 : index
    %swap3A_357 = arith.constant 16 : index
    %swap3A_358 = vector.load %arg29[%swap3A_356, %swap3A_357] : memref<512x128xf32, #tpu.memory_space<vmem>>, vector<512x16xf32>
    tpu.vector_store %arg29[%swap3A_356, %swap3A_357], %div3A_355 {strides = array<i32>} : memref<512x128xf32, #tpu.memory_space<vmem>>, vector<512x16xf32>,
    %slice3A_359 = vector.extract_strided_slice %convert_element_type3A_320 {offsets = [0, 32], sizes = [512, 16], strides = [1, 1]} : vector<512x128xbf16> to vector<512x16xbf16>
    %slice3A_360 = vector.extract_strided_slice %convert_element_type3A_321 {offsets = [0, 32], sizes = [512, 16], strides = [1, 1]} : vector<512x128xbf16> to vector<512x16xbf16>
    %slice3A_361 = vector.extract_strided_slice %convert_element_type3A_322 {offsets = [0, 32], sizes = [512, 16], strides = [1, 1]} : vector<512x128xbf16> to vector<512x16xbf16>
    %concatenate3A_362 = tpu.concatenate %slice3A_361, %broadcast_in_dim3A_324 in 1 : vector<512x16xbf16>, vector<512x1xbf16> -> vector<512x17xbf16>
    %dot_general3A_363 = arith.constant dense<0.000000e+00> : vector<512x512xf32>
    %dot_general3A_364 = tpu.matmul %slice3A_359, %slice3A_360, %dot_general3A_363 {dimension_numbers = #tpu.dot_dimension_numbers<[1], [1], [0], [0], [0, 0, 1, 0], [], []>, transpose_lhs_hint = false} : vector<512x16xbf16>, vector<512x16xbf16>, vector<512x512xf32> -> vector<512x512xf32>
    %exp23A_365 = math.exp2 %dot_general3A_364 : vector<512x512xf32>
    %convert_element_type3A_366 = arith.truncf %exp23A_365 : vector<512x512xf32> to vector<512x512xbf16>
    %dot_general3A_367 = arith.constant dense<0.000000e+00> : vector<512x17xf32>
    %dot_general3A_368 = tpu.matmul %convert_element_type3A_366, %concatenate3A_362, %dot_general3A_367 {dimension_numbers = #tpu.dot_dimension_numbers<[1], [0], [0], [1], [0, 0, 1, 1], [], []>, transpose_lhs_hint = false} : vector<512x512xbf16>, vector<512x17xbf16>, vector<512x17xf32> -> vector<512x17xf32>
    %slice3A_369 = vector.extract_strided_slice %dot_general3A_368 {offsets = [0, 0], sizes = [512, 16], strides = [1, 1]} : vector<512x17xf32> to vector<512x16xf32>
    %slice3A_370 = vector.extract_strided_slice %dot_general3A_368 {offsets = [0, 16], sizes = [512, 1], strides = [1, 1]} : vector<512x17xf32> to vector<512x1xf32>
    %div3A_371 = vector.broadcast %slice3A_370 : vector<512x1xf32> to vector<512x16xf32>
    %div3A_372 = arith.divf %slice3A_369, %div3A_371 : vector<512x16xf32>
    %swap3A_373 = arith.constant 0 : index
    %swap3A_374 = arith.constant 32 : index
    %swap3A_375 = vector.load %arg29[%swap3A_373, %swap3A_374] : memref<512x128xf32, #tpu.memory_space<vmem>>, vector<512x16xf32>
    tpu.vector_store %arg29[%swap3A_373, %swap3A_374], %div3A_372 {strides = array<i32>} : memref<512x128xf32, #tpu.memory_space<vmem>>, vector<512x16xf32>,
    %slice3A_376 = vector.extract_strided_slice %convert_element_type3A_320 {offsets = [0, 48], sizes = [512, 16], strides = [1, 1]} : vector<512x128xbf16> to vector<512x16xbf16>
    %slice3A_377 = vector.extract_strided_slice %convert_element_type3A_321 {offsets = [0, 48], sizes = [512, 16], strides = [1, 1]} : vector<512x128xbf16> to vector<512x16xbf16>
    %slice3A_378 = vector.extract_strided_slice %convert_element_type3A_322 {offsets = [0, 48], sizes = [512, 16], strides = [1, 1]} : vector<512x128xbf16> to vector<512x16xbf16>
    %concatenate3A_379 = tpu.concatenate %slice3A_378, %broadcast_in_dim3A_324 in 1 : vector<512x16xbf16>, vector<512x1xbf16> -> vector<512x17xbf16>
    %dot_general3A_380 = arith.constant dense<0.000000e+00> : vector<512x512xf32>
    %dot_general3A_381 = tpu.matmul %slice3A_376, %slice3A_377, %dot_general3A_380 {dimension_numbers = #tpu.dot_dimension_numbers<[1], [1], [0], [0], [0, 0, 1, 0], [], []>, transpose_lhs_hint = false} : vector<512x16xbf16>, vector<512x16xbf16>, vector<512x512xf32> -> vector<512x512xf32>
    %exp23A_382 = math.exp2 %dot_general3A_381 : vector<512x512xf32>
    %convert_element_type3A_383 = arith.truncf %exp23A_382 : vector<512x512xf32> to vector<512x512xbf16>
    %dot_general3A_384 = arith.constant dense<0.000000e+00> : vector<512x17xf32>
    %dot_general3A_385 = tpu.matmul %convert_element_type3A_383, %concatenate3A_379, %dot_general3A_384 {dimension_numbers = #tpu.dot_dimension_numbers<[1], [0], [0], [1], [0, 0, 1, 1], [], []>, transpose_lhs_hint = false} : vector<512x512xbf16>, vector<512x17xbf16>, vector<512x17xf32> -> vector<512x17xf32>
    %slice3A_386 = vector.extract_strided_slice %dot_general3A_385 {offsets = [0, 0], sizes = [512, 16], strides = [1, 1]} : vector<512x17xf32> to vector<512x16xf32>
    %slice3A_387 = vector.extract_strided_slice %dot_general3A_385 {offsets = [0, 16], sizes = [512, 1], strides = [1, 1]} : vector<512x17xf32> to vector<512x1xf32>
    %div3A_388 = vector.broadcast %slice3A_387 : vector<512x1xf32> to vector<512x16xf32>
    %div3A_389 = arith.divf %slice3A_386, %div3A_388 : vector<512x16xf32>
    %swap3A_390 = arith.constant 0 : index
    %swap3A_391 = arith.constant 48 : index
    %swap3A_392 = vector.load %arg29[%swap3A_390, %swap3A_391] : memref<512x128xf32, #tpu.memory_space<vmem>>, vector<512x16xf32>
    tpu.vector_store %arg29[%swap3A_390, %swap3A_391], %div3A_389 {strides = array<i32>} : memref<512x128xf32, #tpu.memory_space<vmem>>, vector<512x16xf32>,
    %slice3A_393 = vector.extract_strided_slice %convert_element_type3A_320 {offsets = [0, 64], sizes = [512, 16], strides = [1, 1]} : vector<512x128xbf16> to vector<512x16xbf16>
    %slice3A_394 = vector.extract_strided_slice %convert_element_type3A_321 {offsets = [0, 64], sizes = [512, 16], strides = [1, 1]} : vector<512x128xbf16> to vector<512x16xbf16>
    %slice3A_395 = vector.extract_strided_slice %convert_element_type3A_322 {offsets = [0, 64], sizes = [512, 16], strides = [1, 1]} : vector<512x128xbf16> to vector<512x16xbf16>
    %concatenate3A_396 = tpu.concatenate %slice3A_395, %broadcast_in_dim3A_324 in 1 : vector<512x16xbf16>, vector<512x1xbf16> -> vector<512x17xbf16>
    %dot_general3A_397 = arith.constant dense<0.000000e+00> : vector<512x512xf32>
    %dot_general3A_398 = tpu.matmul %slice3A_393, %slice3A_394, %dot_general3A_397 {dimension_numbers = #tpu.dot_dimension_numbers<[1], [1], [0], [0], [0, 0, 1, 0], [], []>, transpose_lhs_hint = false} : vector<512x16xbf16>, vector<512x16xbf16>, vector<512x512xf32> -> vector<512x512xf32>
    %exp23A_399 = math.exp2 %dot_general3A_398 : vector<512x512xf32>
    %convert_element_type3A_400 = arith.truncf %exp23A_399 : vector<512x512xf32> to vector<512x512xbf16>
    %dot_general3A_401 = arith.constant dense<0.000000e+00> : vector<512x17xf32>
    %dot_general3A_402 = tpu.matmul %convert_element_type3A_400, %concatenate3A_396, %dot_general3A_401 {dimension_numbers = #tpu.dot_dimension_numbers<[1], [0], [0], [1], [0, 0, 1, 1], [], []>, transpose_lhs_hint = false} : vector<512x512xbf16>, vector<512x17xbf16>, vector<512x17xf32> -> vector<512x17xf32>
    %slice3A_403 = vector.extract_strided_slice %dot_general3A_402 {offsets = [0, 0], sizes = [512, 16], strides = [1, 1]} : vector<512x17xf32> to vector<512x16xf32>
    %slice3A_404 = vector.extract_strided_slice %dot_general3A_402 {offsets = [0, 16], sizes = [512, 1], strides = [1, 1]} : vector<512x17xf32> to vector<512x1xf32>
    %div3A_405 = vector.broadcast %slice3A_404 : vector<512x1xf32> to vector<512x16xf32>
    %div3A_406 = arith.divf %slice3A_403, %div3A_405 : vector<512x16xf32>
    %swap3A_407 = arith.constant 0 : index
    %swap3A_408 = arith.constant 64 : index
    %swap3A_409 = vector.load %arg29[%swap3A_407, %swap3A_408] : memref<512x128xf32, #tpu.memory_space<vmem>>, vector<512x16xf32>
    tpu.vector_store %arg29[%swap3A_407, %swap3A_408], %div3A_406 {strides = array<i32>} : memref<512x128xf32, #tpu.memory_space<vmem>>, vector<512x16xf32>,
    %slice3A_410 = vector.extract_strided_slice %convert_element_type3A_320 {offsets = [0, 80], sizes = [512, 16], strides = [1, 1]} : vector<512x128xbf16> to vector<512x16xbf16>
    %slice3A_411 = vector.extract_strided_slice %convert_element_type3A_321 {offsets = [0, 80], sizes = [512, 16], strides = [1, 1]} : vector<512x128xbf16> to vector<512x16xbf16>
    %slice3A_412 = vector.extract_strided_slice %convert_element_type3A_322 {offsets = [0, 80], sizes = [512, 16], strides = [1, 1]} : vector<512x128xbf16> to vector<512x16xbf16>
    %concatenate3A_413 = tpu.concatenate %slice3A_412, %broadcast_in_dim3A_324 in 1 : vector<512x16xbf16>, vector<512x1xbf16> -> vector<512x17xbf16>
    %dot_general3A_414 = arith.constant dense<0.000000e+00> : vector<512x512xf32>
    %dot_general3A_415 = tpu.matmul %slice3A_410, %slice3A_411, %dot_general3A_414 {dimension_numbers = #tpu.dot_dimension_numbers<[1], [1], [0], [0], [0, 0, 1, 0], [], []>, transpose_lhs_hint = false} : vector<512x16xbf16>, vector<512x16xbf16>, vector<512x512xf32> -> vector<512x512xf32>
    %exp23A_416 = math.exp2 %dot_general3A_415 : vector<512x512xf32>
    %convert_element_type3A_417 = arith.truncf %exp23A_416 : vector<512x512xf32> to vector<512x512xbf16>
    %dot_general3A_418 = arith.constant dense<0.000000e+00> : vector<512x17xf32>
    %dot_general3A_419 = tpu.matmul %convert_element_type3A_417, %concatenate3A_413, %dot_general3A_418 {dimension_numbers = #tpu.dot_dimension_numbers<[1], [0], [0], [1], [0, 0, 1, 1], [], []>, transpose_lhs_hint = false} : vector<512x512xbf16>, vector<512x17xbf16>, vector<512x17xf32> -> vector<512x17xf32>
    %slice3A_420 = vector.extract_strided_slice %dot_general3A_419 {offsets = [0, 0], sizes = [512, 16], strides = [1, 1]} : vector<512x17xf32> to vector<512x16xf32>
    %slice3A_421 = vector.extract_strided_slice %dot_general3A_419 {offsets = [0, 16], sizes = [512, 1], strides = [1, 1]} : vector<512x17xf32> to vector<512x1xf32>
    %div3A_422 = vector.broadcast %slice3A_421 : vector<512x1xf32> to vector<512x16xf32>
    %div3A_423 = arith.divf %slice3A_420, %div3A_422 : vector<512x16xf32>
    %swap3A_424 = arith.constant 0 : index
    %swap3A_425 = arith.constant 80 : index
    %swap3A_426 = vector.load %arg29[%swap3A_424, %swap3A_425] : memref<512x128xf32, #tpu.memory_space<vmem>>, vector<512x16xf32>
    tpu.vector_store %arg29[%swap3A_424, %swap3A_425], %div3A_423 {strides = array<i32>} : memref<512x128xf32, #tpu.memory_space<vmem>>, vector<512x16xf32>,
    %slice3A_427 = vector.extract_strided_slice %convert_element_type3A_320 {offsets = [0, 96], sizes = [512, 16], strides = [1, 1]} : vector<512x128xbf16> to vector<512x16xbf16>
    %slice3A_428 = vector.extract_strided_slice %convert_element_type3A_321 {offsets = [0, 96], sizes = [512, 16], strides = [1, 1]} : vector<512x128xbf16> to vector<512x16xbf16>
    %slice3A_429 = vector.extract_strided_slice %convert_element_type3A_322 {offsets = [0, 96], sizes = [512, 16], strides = [1, 1]} : vector<512x128xbf16> to vector<512x16xbf16>
    %concatenate3A_430 = tpu.concatenate %slice3A_429, %broadcast_in_dim3A_324 in 1 : vector<512x16xbf16>, vector<512x1xbf16> -> vector<512x17xbf16>
    %dot_general3A_431 = arith.constant dense<0.000000e+00> : vector<512x512xf32>
    %dot_general3A_432 = tpu.matmul %slice3A_427, %slice3A_428, %dot_general3A_431 {dimension_numbers = #tpu.dot_dimension_numbers<[1], [1], [0], [0], [0, 0, 1, 0], [], []>, transpose_lhs_hint = false} : vector<512x16xbf16>, vector<512x16xbf16>, vector<512x512xf32> -> vector<512x512xf32>
    %exp23A_433 = math.exp2 %dot_general3A_432 : vector<512x512xf32>
    %convert_element_type3A_434 = arith.truncf %exp23A_433 : vector<512x512xf32> to vector<512x512xbf16>
    %dot_general3A_435 = arith.constant dense<0.000000e+00> : vector<512x17xf32>
    %dot_general3A_436 = tpu.matmul %convert_element_type3A_434, %concatenate3A_430, %dot_general3A_435 {dimension_numbers = #tpu.dot_dimension_numbers<[1], [0], [0], [1], [0, 0, 1, 1], [], []>, transpose_lhs_hint = false} : vector<512x512xbf16>, vector<512x17xbf16>, vector<512x17xf32> -> vector<512x17xf32>
    %slice3A_437 = vector.extract_strided_slice %dot_general3A_436 {offsets = [0, 0], sizes = [512, 16], strides = [1, 1]} : vector<512x17xf32> to vector<512x16xf32>
    %slice3A_438 = vector.extract_strided_slice %dot_general3A_436 {offsets = [0, 16], sizes = [512, 1], strides = [1, 1]} : vector<512x17xf32> to vector<512x1xf32>
    %div3A_439 = vector.broadcast %slice3A_438 : vector<512x1xf32> to vector<512x16xf32>
    %div3A_440 = arith.divf %slice3A_437, %div3A_439 : vector<512x16xf32>
    %swap3A_441 = arith.constant 0 : index
    %swap3A_442 = arith.constant 96 : index
    %swap3A_443 = vector.load %arg29[%swap3A_441, %swap3A_442] : memref<512x128xf32, #tpu.memory_space<vmem>>, vector<512x16xf32>
    tpu.vector_store %arg29[%swap3A_441, %swap3A_442], %div3A_440 {strides = array<i32>} : memref<512x128xf32, #tpu.memory_space<vmem>>, vector<512x16xf32>,
    %slice3A_444 = vector.extract_strided_slice %convert_element_type3A_320 {offsets = [0, 112], sizes = [512, 16], strides = [1, 1]} : vector<512x128xbf16> to vector<512x16xbf16>
    %slice3A_445 = vector.extract_strided_slice %convert_element_type3A_321 {offsets = [0, 112], sizes = [512, 16], strides = [1, 1]} : vector<512x128xbf16> to vector<512x16xbf16>
    %slice3A_446 = vector.extract_strided_slice %convert_element_type3A_322 {offsets = [0, 112], sizes = [512, 16], strides = [1, 1]} : vector<512x128xbf16> to vector<512x16xbf16>
    %concatenate3A_447 = tpu.concatenate %slice3A_446, %broadcast_in_dim3A_324 in 1 : vector<512x16xbf16>, vector<512x1xbf16> -> vector<512x17xbf16>
    %dot_general3A_448 = arith.constant dense<0.000000e+00> : vector<512x512xf32>
    %dot_general3A_449 = tpu.matmul %slice3A_444, %slice3A_445, %dot_general3A_448 {dimension_numbers = #tpu.dot_dimension_numbers<[1], [1], [0], [0], [0, 0, 1, 0], [], []>, transpose_lhs_hint = false} : vector<512x16xbf16>, vector<512x16xbf16>, vector<512x512xf32> -> vector<512x512xf32>
    %exp23A_450 = math.exp2 %dot_general3A_449 : vector<512x512xf32>
    %convert_element_type3A_451 = arith.truncf %exp23A_450 : vector<512x512xf32> to vector<512x512xbf16>
    %dot_general3A_452 = arith.constant dense<0.000000e+00> : vector<512x17xf32>
    %dot_general3A_453 = tpu.matmul %convert_element_type3A_451, %concatenate3A_447, %dot_general3A_452 {dimension_numbers = #tpu.dot_dimension_numbers<[1], [0], [0], [1], [0, 0, 1, 1], [], []>, transpose_lhs_hint = false} : vector<512x512xbf16>, vector<512x17xbf16>, vector<512x17xf32> -> vector<512x17xf32>
    %slice3A_454 = vector.extract_strided_slice %dot_general3A_453 {offsets = [0, 0], sizes = [512, 16], strides = [1, 1]} : vector<512x17xf32> to vector<512x16xf32>
    %slice3A_455 = vector.extract_strided_slice %dot_general3A_453 {offsets = [0, 16], sizes = [512, 1], strides = [1, 1]} : vector<512x17xf32> to vector<512x1xf32>
    %div3A_456 = vector.broadcast %slice3A_455 : vector<512x1xf32> to vector<512x16xf32>
    %div3A_457 = arith.divf %slice3A_454, %div3A_456 : vector<512x16xf32>
    %swap3A_458 = arith.constant 0 : index
    %swap3A_459 = arith.constant 112 : index
    %swap3A_460 = vector.load %arg29[%swap3A_458, %swap3A_459] : memref<512x128xf32, #tpu.memory_space<vmem>>, vector<512x16xf32>
    tpu.vector_store %arg29[%swap3A_458, %swap3A_459], %div3A_457 {strides = array<i32>} : memref<512x128xf32, #tpu.memory_space<vmem>>, vector<512x16xf32>,
    %get3A_461 = arith.constant 0 : index
    %get3A_462 = arith.constant 0 : index
    %get3A_463 = vector.load %arg29[%get3A_461, %get3A_462] : memref<512x128xf32, #tpu.memory_space<vmem>>, vector<512x128xf32>
    %get3A_464 = arith.constant 1 : index
    %get3A_465 = arith.constant 0 : index
    %get3A_466 = arith.constant 0 : index
    %get3A_467 = arith.constant 0 : index
    %get3A_468 = vector.load %arg9[%get3A_464, %get3A_465, %get3A_466, %get3A_467] : memref<2x2x128x128xbf16, #tpu.memory_space<vmem>>, vector<1x1x128x128xbf16>
    %get3A_469 = vector.shape_cast %get3A_468 : vector<1x1x128x128xbf16> to vector<128x128xbf16>
    %convert_element_type3A_470 = arith.truncf %get3A_463 : vector<512x128xf32> to vector<512x128xbf16>
    %dot_general3A_471 = arith.constant dense<0.000000e+00> : vector<512x128xf32>
    %dot_general3A_472 = tpu.matmul %convert_element_type3A_470, %get3A_469, %dot_general3A_471 {dimension_numbers = #tpu.dot_dimension_numbers<[1], [0], [0], [1], [0, 0, 1, 1], [], []>, transpose_lhs_hint = false} : vector<512x128xbf16>, vector<128x128xbf16>, vector<512x128xf32> -> vector<512x128xf32>
    %get3A_473 = arith.constant 1 : index
    %get3A_474 = arith.constant 0 : index
    %get3A_475 = arith.constant 0 : index
    %get3A_476 = arith.constant 0 : index
    %get3A_477 = vector.load %arg10[%get3A_473, %get3A_474, %get3A_475, %get3A_476] : memref<2x2x1x128xf32, #tpu.memory_space<vmem>>, vector<1x1x1x128xf32>
    %get3A_478 = vector.shape_cast %get3A_477 : vector<1x1x1x128xf32> to vector<1x128xf32>
    %add3A_479 = vector.broadcast %get3A_478 : vector<1x128xf32> to vector<512x128xf32>
    %add3A_480 = arith.addf %dot_general3A_472, %add3A_479 : vector<512x128xf32>
    %get3A_481 = arith.constant 1 : index
    %get3A_482 = arith.constant 1 : index
    %get3A_483 = arith.constant 0 : index
    %get3A_484 = arith.constant 0 : index
    %get3A_485 = vector.load %arg9[%get3A_481, %get3A_482, %get3A_483, %get3A_484] : memref<2x2x128x128xbf16, #tpu.memory_space<vmem>>, vector<1x1x128x128xbf16>
    %get3A_486 = vector.shape_cast %get3A_485 : vector<1x1x128x128xbf16> to vector<128x128xbf16>
    %convert_element_type3A_487 = arith.truncf %get3A_463 : vector<512x128xf32> to vector<512x128xbf16>
    %dot_general3A_488 = arith.constant dense<0.000000e+00> : vector<512x128xf32>
    %dot_general3A_489 = tpu.matmul %convert_element_type3A_487, %get3A_486, %dot_general3A_488 {dimension_numbers = #tpu.dot_dimension_numbers<[1], [0], [0], [1], [0, 0, 1, 1], [], []>, transpose_lhs_hint = false} : vector<512x128xbf16>, vector<128x128xbf16>, vector<512x128xf32> -> vector<512x128xf32>
    %get3A_490 = arith.constant 1 : index
    %get3A_491 = arith.constant 1 : index
    %get3A_492 = arith.constant 0 : index
    %get3A_493 = arith.constant 0 : index
    %get3A_494 = vector.load %arg10[%get3A_490, %get3A_491, %get3A_492, %get3A_493] : memref<2x2x1x128xf32, #tpu.memory_space<vmem>>, vector<1x1x1x128xf32>
    %get3A_495 = vector.shape_cast %get3A_494 : vector<1x1x1x128xf32> to vector<1x128xf32>
    %add3A_496 = vector.broadcast %get3A_495 : vector<1x128xf32> to vector<512x128xf32>
    %add3A_497 = arith.addf %dot_general3A_489, %add3A_496 : vector<512x128xf32>
    %sub3A_498 = arith.subf %add3A_497, %add3A_480 : vector<512x128xf32>
    %mul3A_499 = vector.broadcast %get3A_1 : vector<512x1xf32> to vector<512x128xf32>
    %mul3A_500 = arith.mulf %mul3A_499, %sub3A_498 : vector<512x128xf32>
    %add3A_501 = arith.addf %add3A_480, %mul3A_500 : vector<512x128xf32>
    %add3A_502 = arith.addf %add3A_271, %add3A_501 : vector<512x128xf32>
    %get3A_503 = arith.constant 1 : index
    %get3A_504 = arith.constant 0 : index
    %get3A_505 = arith.constant 0 : index
    %get3A_506 = vector.load %arg11[%get3A_503, %get3A_504, %get3A_505] : memref<2x1x128xf32, #tpu.memory_space<vmem>>, vector<1x1x128xf32>
    %get3A_507 = vector.shape_cast %get3A_506 : vector<1x1x128xf32> to vector<1x128xf32>
    %get3A_508 = arith.constant 1 : index
    %get3A_509 = arith.constant 0 : index
    %get3A_510 = arith.constant 0 : index
    %get3A_511 = vector.load %arg12[%get3A_508, %get3A_509, %get3A_510] : memref<2x1x128xf32, #tpu.memory_space<vmem>>, vector<1x1x128xf32>
    %get3A_512 = vector.shape_cast %get3A_511 : vector<1x1x128xf32> to vector<1x128xf32>
    %reduce_sum3A_513 = arith.constant dense<0.000000e+00> : vector<512xf32>
    %reduce_sum3A_514 = vector.multi_reduction <add>, %add3A_502, %reduce_sum3A_513 [1] : vector<512x128xf32> to vector<512xf32>
    %broadcast_in_dim3A_515 = vector.shape_cast %reduce_sum3A_514 : vector<512xf32> to vector<512x1xf32>
    %div3A_516 = arith.constant 1.280000e+02 : f32
    %div3A_517 = vector.broadcast %div3A_516 : f32 to vector<512x1xf32>
    %div3A_518 = arith.divf %broadcast_in_dim3A_515, %div3A_517 : vector<512x1xf32>
    %sub3A_519 = vector.broadcast %div3A_518 : vector<512x1xf32> to vector<512x128xf32>
    %sub3A_520 = arith.subf %add3A_502, %sub3A_519 : vector<512x128xf32>
    %integer_pow3A_521 = arith.mulf %sub3A_520, %sub3A_520 : vector<512x128xf32>
    %reduce_sum3A_522 = arith.constant dense<0.000000e+00> : vector<512xf32>
    %reduce_sum3A_523 = vector.multi_reduction <add>, %integer_pow3A_521, %reduce_sum3A_522 [1] : vector<512x128xf32> to vector<512xf32>
    %broadcast_in_dim3A_524 = vector.shape_cast %reduce_sum3A_523 : vector<512xf32> to vector<512x1xf32>
    %div3A_525 = arith.constant 1.280000e+02 : f32
    %div3A_526 = vector.broadcast %div3A_525 : f32 to vector<512x1xf32>
    %div3A_527 = arith.divf %broadcast_in_dim3A_524, %div3A_526 : vector<512x1xf32>
    %sub3A_528 = vector.broadcast %div3A_518 : vector<512x1xf32> to vector<512x128xf32>
    %sub3A_529 = arith.subf %add3A_502, %sub3A_528 : vector<512x128xf32>
    %add3A_530 = arith.constant 9.99999974E-6 : f32
    %add3A_531 = vector.broadcast %add3A_530 : f32 to vector<512x1xf32>
    %add3A_532 = arith.addf %div3A_527, %add3A_531 : vector<512x1xf32>
    %sqrt3A_533 = math.sqrt %add3A_532 : vector<512x1xf32>
    %div3A_534 = vector.broadcast %sqrt3A_533 : vector<512x1xf32> to vector<512x128xf32>
    %div3A_535 = arith.divf %sub3A_529, %div3A_534 : vector<512x128xf32>
    %mul3A_536 = vector.broadcast %get3A_507 : vector<1x128xf32> to vector<512x128xf32>
    %mul3A_537 = arith.mulf %div3A_535, %mul3A_536 : vector<512x128xf32>
    %add3A_538 = vector.broadcast %get3A_512 : vector<1x128xf32> to vector<512x128xf32>
    %add3A_539 = arith.addf %mul3A_537, %add3A_538 : vector<512x128xf32>
    %get3A_540 = arith.constant 0 : index
    %get3A_541 = arith.constant 0 : index
    %get3A_542 = vector.load %arg13[%get3A_540, %get3A_541] : memref<128x384xbf16, #tpu.memory_space<vmem>>, vector<128x384xbf16>
    %convert_element_type3A_543 = arith.truncf %add3A_539 : vector<512x128xf32> to vector<512x128xbf16>
    %dot_general3A_544 = arith.constant dense<0.000000e+00> : vector<512x384xf32>
    %dot_general3A_545 = tpu.matmul %convert_element_type3A_543, %get3A_542, %dot_general3A_544 {dimension_numbers = #tpu.dot_dimension_numbers<[1], [0], [0], [1], [0, 0, 1, 1], [], []>, transpose_lhs_hint = false} : vector<512x128xbf16>, vector<128x384xbf16>, vector<512x384xf32> -> vector<512x384xf32>
    %get3A_546 = arith.constant 0 : index
    %get3A_547 = arith.constant 0 : index
    %get3A_548 = vector.load %arg14[%get3A_546, %get3A_547] : memref<1x384xf32, #tpu.memory_space<vmem>>, vector<1x384xf32>
    %add3A_549 = vector.broadcast %get3A_548 : vector<1x384xf32> to vector<512x384xf32>
    %add3A_550 = arith.addf %dot_general3A_545, %add3A_549 : vector<512x384xf32>
    %slice3A_551 = vector.extract_strided_slice %add3A_550 {offsets = [0, 0], sizes = [512, 128], strides = [1, 1]} : vector<512x384xf32> to vector<512x128xf32>
    %slice3A_552 = vector.extract_strided_slice %add3A_550 {offsets = [0, 128], sizes = [512, 128], strides = [1, 1]} : vector<512x384xf32> to vector<512x128xf32>
    %slice3A_553 = vector.extract_strided_slice %add3A_550 {offsets = [0, 256], sizes = [512, 128], strides = [1, 1]} : vector<512x384xf32> to vector<512x128xf32>
    %convert_element_type3A_554 = arith.truncf %slice3A_551 : vector<512x128xf32> to vector<512x128xbf16>
    %convert_element_type3A_555 = arith.truncf %slice3A_552 : vector<512x128xf32> to vector<512x128xbf16>
    %convert_element_type3A_556 = arith.truncf %slice3A_553 : vector<512x128xf32> to vector<512x128xbf16>
    %broadcast_in_dim3A_557 = arith.constant 1.000000e+00 : bf16
    %broadcast_in_dim3A_558 = vector.broadcast %broadcast_in_dim3A_557 : bf16 to vector<512x1xbf16>
    %slice3A_559 = vector.extract_strided_slice %convert_element_type3A_554 {offsets = [0, 0], sizes = [512, 16], strides = [1, 1]} : vector<512x128xbf16> to vector<512x16xbf16>
    %slice3A_560 = vector.extract_strided_slice %convert_element_type3A_555 {offsets = [0, 0], sizes = [512, 16], strides = [1, 1]} : vector<512x128xbf16> to vector<512x16xbf16>
    %slice3A_561 = vector.extract_strided_slice %convert_element_type3A_556 {offsets = [0, 0], sizes = [512, 16], strides = [1, 1]} : vector<512x128xbf16> to vector<512x16xbf16>
    %concatenate3A_562 = tpu.concatenate %slice3A_561, %broadcast_in_dim3A_558 in 1 : vector<512x16xbf16>, vector<512x1xbf16> -> vector<512x17xbf16>
    %dot_general3A_563 = arith.constant dense<0.000000e+00> : vector<512x512xf32>
    %dot_general3A_564 = tpu.matmul %slice3A_559, %slice3A_560, %dot_general3A_563 {dimension_numbers = #tpu.dot_dimension_numbers<[1], [1], [0], [0], [0, 0, 1, 0], [], []>, transpose_lhs_hint = false} : vector<512x16xbf16>, vector<512x16xbf16>, vector<512x512xf32> -> vector<512x512xf32>
    %exp23A_565 = math.exp2 %dot_general3A_564 : vector<512x512xf32>
    %convert_element_type3A_566 = arith.truncf %exp23A_565 : vector<512x512xf32> to vector<512x512xbf16>
    %dot_general3A_567 = arith.constant dense<0.000000e+00> : vector<512x17xf32>
    %dot_general3A_568 = tpu.matmul %convert_element_type3A_566, %concatenate3A_562, %dot_general3A_567 {dimension_numbers = #tpu.dot_dimension_numbers<[1], [0], [0], [1], [0, 0, 1, 1], [], []>, transpose_lhs_hint = false} : vector<512x512xbf16>, vector<512x17xbf16>, vector<512x17xf32> -> vector<512x17xf32>
    %slice3A_569 = vector.extract_strided_slice %dot_general3A_568 {offsets = [0, 0], sizes = [512, 16], strides = [1, 1]} : vector<512x17xf32> to vector<512x16xf32>
    %slice3A_570 = vector.extract_strided_slice %dot_general3A_568 {offsets = [0, 16], sizes = [512, 1], strides = [1, 1]} : vector<512x17xf32> to vector<512x1xf32>
    %div3A_571 = vector.broadcast %slice3A_570 : vector<512x1xf32> to vector<512x16xf32>
    %div3A_572 = arith.divf %slice3A_569, %div3A_571 : vector<512x16xf32>
    %swap3A_573 = arith.constant 0 : index
    %swap3A_574 = arith.constant 0 : index
    %swap3A_575 = vector.load %arg29[%swap3A_573, %swap3A_574] : memref<512x128xf32, #tpu.memory_space<vmem>>, vector<512x16xf32>
    tpu.vector_store %arg29[%swap3A_573, %swap3A_574], %div3A_572 {strides = array<i32>} : memref<512x128xf32, #tpu.memory_space<vmem>>, vector<512x16xf32>,
    %slice3A_576 = vector.extract_strided_slice %convert_element_type3A_554 {offsets = [0, 16], sizes = [512, 16], strides = [1, 1]} : vector<512x128xbf16> to vector<512x16xbf16>
    %slice3A_577 = vector.extract_strided_slice %convert_element_type3A_555 {offsets = [0, 16], sizes = [512, 16], strides = [1, 1]} : vector<512x128xbf16> to vector<512x16xbf16>
    %slice3A_578 = vector.extract_strided_slice %convert_element_type3A_556 {offsets = [0, 16], sizes = [512, 16], strides = [1, 1]} : vector<512x128xbf16> to vector<512x16xbf16>
    %concatenate3A_579 = tpu.concatenate %slice3A_578, %broadcast_in_dim3A_558 in 1 : vector<512x16xbf16>, vector<512x1xbf16> -> vector<512x17xbf16>
    %dot_general3A_580 = arith.constant dense<0.000000e+00> : vector<512x512xf32>
    %dot_general3A_581 = tpu.matmul %slice3A_576, %slice3A_577, %dot_general3A_580 {dimension_numbers = #tpu.dot_dimension_numbers<[1], [1], [0], [0], [0, 0, 1, 0], [], []>, transpose_lhs_hint = false} : vector<512x16xbf16>, vector<512x16xbf16>, vector<512x512xf32> -> vector<512x512xf32>
    %exp23A_582 = math.exp2 %dot_general3A_581 : vector<512x512xf32>
    %convert_element_type3A_583 = arith.truncf %exp23A_582 : vector<512x512xf32> to vector<512x512xbf16>
    %dot_general3A_584 = arith.constant dense<0.000000e+00> : vector<512x17xf32>
    %dot_general3A_585 = tpu.matmul %convert_element_type3A_583, %concatenate3A_579, %dot_general3A_584 {dimension_numbers = #tpu.dot_dimension_numbers<[1], [0], [0], [1], [0, 0, 1, 1], [], []>, transpose_lhs_hint = false} : vector<512x512xbf16>, vector<512x17xbf16>, vector<512x17xf32> -> vector<512x17xf32>
    %slice3A_586 = vector.extract_strided_slice %dot_general3A_585 {offsets = [0, 0], sizes = [512, 16], strides = [1, 1]} : vector<512x17xf32> to vector<512x16xf32>
    %slice3A_587 = vector.extract_strided_slice %dot_general3A_585 {offsets = [0, 16], sizes = [512, 1], strides = [1, 1]} : vector<512x17xf32> to vector<512x1xf32>
    %div3A_588 = vector.broadcast %slice3A_587 : vector<512x1xf32> to vector<512x16xf32>
    %div3A_589 = arith.divf %slice3A_586, %div3A_588 : vector<512x16xf32>
    %swap3A_590 = arith.constant 0 : index
    %swap3A_591 = arith.constant 16 : index
    %swap3A_592 = vector.load %arg29[%swap3A_590, %swap3A_591] : memref<512x128xf32, #tpu.memory_space<vmem>>, vector<512x16xf32>
    tpu.vector_store %arg29[%swap3A_590, %swap3A_591], %div3A_589 {strides = array<i32>} : memref<512x128xf32, #tpu.memory_space<vmem>>, vector<512x16xf32>,
    %slice3A_593 = vector.extract_strided_slice %convert_element_type3A_554 {offsets = [0, 32], sizes = [512, 16], strides = [1, 1]} : vector<512x128xbf16> to vector<512x16xbf16>
    %slice3A_594 = vector.extract_strided_slice %convert_element_type3A_555 {offsets = [0, 32], sizes = [512, 16], strides = [1, 1]} : vector<512x128xbf16> to vector<512x16xbf16>
    %slice3A_595 = vector.extract_strided_slice %convert_element_type3A_556 {offsets = [0, 32], sizes = [512, 16], strides = [1, 1]} : vector<512x128xbf16> to vector<512x16xbf16>
    %concatenate3A_596 = tpu.concatenate %slice3A_595, %broadcast_in_dim3A_558 in 1 : vector<512x16xbf16>, vector<512x1xbf16> -> vector<512x17xbf16>
    %dot_general3A_597 = arith.constant dense<0.000000e+00> : vector<512x512xf32>
    %dot_general3A_598 = tpu.matmul %slice3A_593, %slice3A_594, %dot_general3A_597 {dimension_numbers = #tpu.dot_dimension_numbers<[1], [1], [0], [0], [0, 0, 1, 0], [], []>, transpose_lhs_hint = false} : vector<512x16xbf16>, vector<512x16xbf16>, vector<512x512xf32> -> vector<512x512xf32>
    %exp23A_599 = math.exp2 %dot_general3A_598 : vector<512x512xf32>
    %convert_element_type3A_600 = arith.truncf %exp23A_599 : vector<512x512xf32> to vector<512x512xbf16>
    %dot_general3A_601 = arith.constant dense<0.000000e+00> : vector<512x17xf32>
    %dot_general3A_602 = tpu.matmul %convert_element_type3A_600, %concatenate3A_596, %dot_general3A_601 {dimension_numbers = #tpu.dot_dimension_numbers<[1], [0], [0], [1], [0, 0, 1, 1], [], []>, transpose_lhs_hint = false} : vector<512x512xbf16>, vector<512x17xbf16>, vector<512x17xf32> -> vector<512x17xf32>
    %slice3A_603 = vector.extract_strided_slice %dot_general3A_602 {offsets = [0, 0], sizes = [512, 16], strides = [1, 1]} : vector<512x17xf32> to vector<512x16xf32>
    %slice3A_604 = vector.extract_strided_slice %dot_general3A_602 {offsets = [0, 16], sizes = [512, 1], strides = [1, 1]} : vector<512x17xf32> to vector<512x1xf32>
    %div3A_605 = vector.broadcast %slice3A_604 : vector<512x1xf32> to vector<512x16xf32>
    %div3A_606 = arith.divf %slice3A_603, %div3A_605 : vector<512x16xf32>
    %swap3A_607 = arith.constant 0 : index
    %swap3A_608 = arith.constant 32 : index
    %swap3A_609 = vector.load %arg29[%swap3A_607, %swap3A_608] : memref<512x128xf32, #tpu.memory_space<vmem>>, vector<512x16xf32>
    tpu.vector_store %arg29[%swap3A_607, %swap3A_608], %div3A_606 {strides = array<i32>} : memref<512x128xf32, #tpu.memory_space<vmem>>, vector<512x16xf32>,
    %slice3A_610 = vector.extract_strided_slice %convert_element_type3A_554 {offsets = [0, 48], sizes = [512, 16], strides = [1, 1]} : vector<512x128xbf16> to vector<512x16xbf16>
    %slice3A_611 = vector.extract_strided_slice %convert_element_type3A_555 {offsets = [0, 48], sizes = [512, 16], strides = [1, 1]} : vector<512x128xbf16> to vector<512x16xbf16>
    %slice3A_612 = vector.extract_strided_slice %convert_element_type3A_556 {offsets = [0, 48], sizes = [512, 16], strides = [1, 1]} : vector<512x128xbf16> to vector<512x16xbf16>
    %concatenate3A_613 = tpu.concatenate %slice3A_612, %broadcast_in_dim3A_558 in 1 : vector<512x16xbf16>, vector<512x1xbf16> -> vector<512x17xbf16>
    %dot_general3A_614 = arith.constant dense<0.000000e+00> : vector<512x512xf32>
    %dot_general3A_615 = tpu.matmul %slice3A_610, %slice3A_611, %dot_general3A_614 {dimension_numbers = #tpu.dot_dimension_numbers<[1], [1], [0], [0], [0, 0, 1, 0], [], []>, transpose_lhs_hint = false} : vector<512x16xbf16>, vector<512x16xbf16>, vector<512x512xf32> -> vector<512x512xf32>
    %exp23A_616 = math.exp2 %dot_general3A_615 : vector<512x512xf32>
    %convert_element_type3A_617 = arith.truncf %exp23A_616 : vector<512x512xf32> to vector<512x512xbf16>
    %dot_general3A_618 = arith.constant dense<0.000000e+00> : vector<512x17xf32>
    %dot_general3A_619 = tpu.matmul %convert_element_type3A_617, %concatenate3A_613, %dot_general3A_618 {dimension_numbers = #tpu.dot_dimension_numbers<[1], [0], [0], [1], [0, 0, 1, 1], [], []>, transpose_lhs_hint = false} : vector<512x512xbf16>, vector<512x17xbf16>, vector<512x17xf32> -> vector<512x17xf32>
    %slice3A_620 = vector.extract_strided_slice %dot_general3A_619 {offsets = [0, 0], sizes = [512, 16], strides = [1, 1]} : vector<512x17xf32> to vector<512x16xf32>
    %slice3A_621 = vector.extract_strided_slice %dot_general3A_619 {offsets = [0, 16], sizes = [512, 1], strides = [1, 1]} : vector<512x17xf32> to vector<512x1xf32>
    %div3A_622 = vector.broadcast %slice3A_621 : vector<512x1xf32> to vector<512x16xf32>
    %div3A_623 = arith.divf %slice3A_620, %div3A_622 : vector<512x16xf32>
    %swap3A_624 = arith.constant 0 : index
    %swap3A_625 = arith.constant 48 : index
    %swap3A_626 = vector.load %arg29[%swap3A_624, %swap3A_625] : memref<512x128xf32, #tpu.memory_space<vmem>>, vector<512x16xf32>
    tpu.vector_store %arg29[%swap3A_624, %swap3A_625], %div3A_623 {strides = array<i32>} : memref<512x128xf32, #tpu.memory_space<vmem>>, vector<512x16xf32>,
    %slice3A_627 = vector.extract_strided_slice %convert_element_type3A_554 {offsets = [0, 64], sizes = [512, 16], strides = [1, 1]} : vector<512x128xbf16> to vector<512x16xbf16>
    %slice3A_628 = vector.extract_strided_slice %convert_element_type3A_555 {offsets = [0, 64], sizes = [512, 16], strides = [1, 1]} : vector<512x128xbf16> to vector<512x16xbf16>
    %slice3A_629 = vector.extract_strided_slice %convert_element_type3A_556 {offsets = [0, 64], sizes = [512, 16], strides = [1, 1]} : vector<512x128xbf16> to vector<512x16xbf16>
    %concatenate3A_630 = tpu.concatenate %slice3A_629, %broadcast_in_dim3A_558 in 1 : vector<512x16xbf16>, vector<512x1xbf16> -> vector<512x17xbf16>
    %dot_general3A_631 = arith.constant dense<0.000000e+00> : vector<512x512xf32>
    %dot_general3A_632 = tpu.matmul %slice3A_627, %slice3A_628, %dot_general3A_631 {dimension_numbers = #tpu.dot_dimension_numbers<[1], [1], [0], [0], [0, 0, 1, 0], [], []>, transpose_lhs_hint = false} : vector<512x16xbf16>, vector<512x16xbf16>, vector<512x512xf32> -> vector<512x512xf32>
    %exp23A_633 = math.exp2 %dot_general3A_632 : vector<512x512xf32>
    %convert_element_type3A_634 = arith.truncf %exp23A_633 : vector<512x512xf32> to vector<512x512xbf16>
    %dot_general3A_635 = arith.constant dense<0.000000e+00> : vector<512x17xf32>
    %dot_general3A_636 = tpu.matmul %convert_element_type3A_634, %concatenate3A_630, %dot_general3A_635 {dimension_numbers = #tpu.dot_dimension_numbers<[1], [0], [0], [1], [0, 0, 1, 1], [], []>, transpose_lhs_hint = false} : vector<512x512xbf16>, vector<512x17xbf16>, vector<512x17xf32> -> vector<512x17xf32>
    %slice3A_637 = vector.extract_strided_slice %dot_general3A_636 {offsets = [0, 0], sizes = [512, 16], strides = [1, 1]} : vector<512x17xf32> to vector<512x16xf32>
    %slice3A_638 = vector.extract_strided_slice %dot_general3A_636 {offsets = [0, 16], sizes = [512, 1], strides = [1, 1]} : vector<512x17xf32> to vector<512x1xf32>
    %div3A_639 = vector.broadcast %slice3A_638 : vector<512x1xf32> to vector<512x16xf32>
    %div3A_640 = arith.divf %slice3A_637, %div3A_639 : vector<512x16xf32>
    %swap3A_641 = arith.constant 0 : index
    %swap3A_642 = arith.constant 64 : index
    %swap3A_643 = vector.load %arg29[%swap3A_641, %swap3A_642] : memref<512x128xf32, #tpu.memory_space<vmem>>, vector<512x16xf32>
    tpu.vector_store %arg29[%swap3A_641, %swap3A_642], %div3A_640 {strides = array<i32>} : memref<512x128xf32, #tpu.memory_space<vmem>>, vector<512x16xf32>,
    %slice3A_644 = vector.extract_strided_slice %convert_element_type3A_554 {offsets = [0, 80], sizes = [512, 16], strides = [1, 1]} : vector<512x128xbf16> to vector<512x16xbf16>
    %slice3A_645 = vector.extract_strided_slice %convert_element_type3A_555 {offsets = [0, 80], sizes = [512, 16], strides = [1, 1]} : vector<512x128xbf16> to vector<512x16xbf16>
    %slice3A_646 = vector.extract_strided_slice %convert_element_type3A_556 {offsets = [0, 80], sizes = [512, 16], strides = [1, 1]} : vector<512x128xbf16> to vector<512x16xbf16>
    %concatenate3A_647 = tpu.concatenate %slice3A_646, %broadcast_in_dim3A_558 in 1 : vector<512x16xbf16>, vector<512x1xbf16> -> vector<512x17xbf16>
    %dot_general3A_648 = arith.constant dense<0.000000e+00> : vector<512x512xf32>
    %dot_general3A_649 = tpu.matmul %slice3A_644, %slice3A_645, %dot_general3A_648 {dimension_numbers = #tpu.dot_dimension_numbers<[1], [1], [0], [0], [0, 0, 1, 0], [], []>, transpose_lhs_hint = false} : vector<512x16xbf16>, vector<512x16xbf16>, vector<512x512xf32> -> vector<512x512xf32>
    %exp23A_650 = math.exp2 %dot_general3A_649 : vector<512x512xf32>
    %convert_element_type3A_651 = arith.truncf %exp23A_650 : vector<512x512xf32> to vector<512x512xbf16>
    %dot_general3A_652 = arith.constant dense<0.000000e+00> : vector<512x17xf32>
    %dot_general3A_653 = tpu.matmul %convert_element_type3A_651, %concatenate3A_647, %dot_general3A_652 {dimension_numbers = #tpu.dot_dimension_numbers<[1], [0], [0], [1], [0, 0, 1, 1], [], []>, transpose_lhs_hint = false} : vector<512x512xbf16>, vector<512x17xbf16>, vector<512x17xf32> -> vector<512x17xf32>
    %slice3A_654 = vector.extract_strided_slice %dot_general3A_653 {offsets = [0, 0], sizes = [512, 16], strides = [1, 1]} : vector<512x17xf32> to vector<512x16xf32>
    %slice3A_655 = vector.extract_strided_slice %dot_general3A_653 {offsets = [0, 16], sizes = [512, 1], strides = [1, 1]} : vector<512x17xf32> to vector<512x1xf32>
    %div3A_656 = vector.broadcast %slice3A_655 : vector<512x1xf32> to vector<512x16xf32>
    %div3A_657 = arith.divf %slice3A_654, %div3A_656 : vector<512x16xf32>
    %swap3A_658 = arith.constant 0 : index
    %swap3A_659 = arith.constant 80 : index
    %swap3A_660 = vector.load %arg29[%swap3A_658, %swap3A_659] : memref<512x128xf32, #tpu.memory_space<vmem>>, vector<512x16xf32>
    tpu.vector_store %arg29[%swap3A_658, %swap3A_659], %div3A_657 {strides = array<i32>} : memref<512x128xf32, #tpu.memory_space<vmem>>, vector<512x16xf32>,
    %slice3A_661 = vector.extract_strided_slice %convert_element_type3A_554 {offsets = [0, 96], sizes = [512, 16], strides = [1, 1]} : vector<512x128xbf16> to vector<512x16xbf16>
    %slice3A_662 = vector.extract_strided_slice %convert_element_type3A_555 {offsets = [0, 96], sizes = [512, 16], strides = [1, 1]} : vector<512x128xbf16> to vector<512x16xbf16>
    %slice3A_663 = vector.extract_strided_slice %convert_element_type3A_556 {offsets = [0, 96], sizes = [512, 16], strides = [1, 1]} : vector<512x128xbf16> to vector<512x16xbf16>
    %concatenate3A_664 = tpu.concatenate %slice3A_663, %broadcast_in_dim3A_558 in 1 : vector<512x16xbf16>, vector<512x1xbf16> -> vector<512x17xbf16>
    %dot_general3A_665 = arith.constant dense<0.000000e+00> : vector<512x512xf32>
    %dot_general3A_666 = tpu.matmul %slice3A_661, %slice3A_662, %dot_general3A_665 {dimension_numbers = #tpu.dot_dimension_numbers<[1], [1], [0], [0], [0, 0, 1, 0], [], []>, transpose_lhs_hint = false} : vector<512x16xbf16>, vector<512x16xbf16>, vector<512x512xf32> -> vector<512x512xf32>
    %exp23A_667 = math.exp2 %dot_general3A_666 : vector<512x512xf32>
    %convert_element_type3A_668 = arith.truncf %exp23A_667 : vector<512x512xf32> to vector<512x512xbf16>
    %dot_general3A_669 = arith.constant dense<0.000000e+00> : vector<512x17xf32>
    %dot_general3A_670 = tpu.matmul %convert_element_type3A_668, %concatenate3A_664, %dot_general3A_669 {dimension_numbers = #tpu.dot_dimension_numbers<[1], [0], [0], [1], [0, 0, 1, 1], [], []>, transpose_lhs_hint = false} : vector<512x512xbf16>, vector<512x17xbf16>, vector<512x17xf32> -> vector<512x17xf32>
    %slice3A_671 = vector.extract_strided_slice %dot_general3A_670 {offsets = [0, 0], sizes = [512, 16], strides = [1, 1]} : vector<512x17xf32> to vector<512x16xf32>
    %slice3A_672 = vector.extract_strided_slice %dot_general3A_670 {offsets = [0, 16], sizes = [512, 1], strides = [1, 1]} : vector<512x17xf32> to vector<512x1xf32>
    %div3A_673 = vector.broadcast %slice3A_672 : vector<512x1xf32> to vector<512x16xf32>
    %div3A_674 = arith.divf %slice3A_671, %div3A_673 : vector<512x16xf32>
    %swap3A_675 = arith.constant 0 : index
    %swap3A_676 = arith.constant 96 : index
    %swap3A_677 = vector.load %arg29[%swap3A_675, %swap3A_676] : memref<512x128xf32, #tpu.memory_space<vmem>>, vector<512x16xf32>
    tpu.vector_store %arg29[%swap3A_675, %swap3A_676], %div3A_674 {strides = array<i32>} : memref<512x128xf32, #tpu.memory_space<vmem>>, vector<512x16xf32>,
    %slice3A_678 = vector.extract_strided_slice %convert_element_type3A_554 {offsets = [0, 112], sizes = [512, 16], strides = [1, 1]} : vector<512x128xbf16> to vector<512x16xbf16>
    %slice3A_679 = vector.extract_strided_slice %convert_element_type3A_555 {offsets = [0, 112], sizes = [512, 16], strides = [1, 1]} : vector<512x128xbf16> to vector<512x16xbf16>
    %slice3A_680 = vector.extract_strided_slice %convert_element_type3A_556 {offsets = [0, 112], sizes = [512, 16], strides = [1, 1]} : vector<512x128xbf16> to vector<512x16xbf16>
    %concatenate3A_681 = tpu.concatenate %slice3A_680, %broadcast_in_dim3A_558 in 1 : vector<512x16xbf16>, vector<512x1xbf16> -> vector<512x17xbf16>
    %dot_general3A_682 = arith.constant dense<0.000000e+00> : vector<512x512xf32>
    %dot_general3A_683 = tpu.matmul %slice3A_678, %slice3A_679, %dot_general3A_682 {dimension_numbers = #tpu.dot_dimension_numbers<[1], [1], [0], [0], [0, 0, 1, 0], [], []>, transpose_lhs_hint = false} : vector<512x16xbf16>, vector<512x16xbf16>, vector<512x512xf32> -> vector<512x512xf32>
    %exp23A_684 = math.exp2 %dot_general3A_683 : vector<512x512xf32>
    %convert_element_type3A_685 = arith.truncf %exp23A_684 : vector<512x512xf32> to vector<512x512xbf16>
    %dot_general3A_686 = arith.constant dense<0.000000e+00> : vector<512x17xf32>
    %dot_general3A_687 = tpu.matmul %convert_element_type3A_685, %concatenate3A_681, %dot_general3A_686 {dimension_numbers = #tpu.dot_dimension_numbers<[1], [0], [0], [1], [0, 0, 1, 1], [], []>, transpose_lhs_hint = false} : vector<512x512xbf16>, vector<512x17xbf16>, vector<512x17xf32> -> vector<512x17xf32>
    %slice3A_688 = vector.extract_strided_slice %dot_general3A_687 {offsets = [0, 0], sizes = [512, 16], strides = [1, 1]} : vector<512x17xf32> to vector<512x16xf32>
    %slice3A_689 = vector.extract_strided_slice %dot_general3A_687 {offsets = [0, 16], sizes = [512, 1], strides = [1, 1]} : vector<512x17xf32> to vector<512x1xf32>
    %div3A_690 = vector.broadcast %slice3A_689 : vector<512x1xf32> to vector<512x16xf32>
    %div3A_691 = arith.divf %slice3A_688, %div3A_690 : vector<512x16xf32>
    %swap3A_692 = arith.constant 0 : index
    %swap3A_693 = arith.constant 112 : index
    %swap3A_694 = vector.load %arg29[%swap3A_692, %swap3A_693] : memref<512x128xf32, #tpu.memory_space<vmem>>, vector<512x16xf32>
    tpu.vector_store %arg29[%swap3A_692, %swap3A_693], %div3A_691 {strides = array<i32>} : memref<512x128xf32, #tpu.memory_space<vmem>>, vector<512x16xf32>,
    %get3A_695 = arith.constant 0 : index
    %get3A_696 = arith.constant 0 : index
    %get3A_697 = vector.load %arg29[%get3A_695, %get3A_696] : memref<512x128xf32, #tpu.memory_space<vmem>>, vector<512x128xf32>
    %get3A_698 = arith.constant 0 : index
    %get3A_699 = arith.constant 0 : index
    %get3A_700 = vector.load %arg15[%get3A_698, %get3A_699] : memref<128x128xbf16, #tpu.memory_space<vmem>>, vector<128x128xbf16>
    %convert_element_type3A_701 = arith.truncf %get3A_697 : vector<512x128xf32> to vector<512x128xbf16>
    %dot_general3A_702 = arith.constant dense<0.000000e+00> : vector<512x128xf32>
    %dot_general3A_703 = tpu.matmul %convert_element_type3A_701, %get3A_700, %dot_general3A_702 {dimension_numbers = #tpu.dot_dimension_numbers<[1], [0], [0], [1], [0, 0, 1, 1], [], []>, transpose_lhs_hint = false} : vector<512x128xbf16>, vector<128x128xbf16>, vector<512x128xf32> -> vector<512x128xf32>
    %get3A_704 = arith.constant 0 : index
    %get3A_705 = arith.constant 0 : index
    %get3A_706 = vector.load %arg16[%get3A_704, %get3A_705] : memref<1x128xf32, #tpu.memory_space<vmem>>, vector<1x128xf32>
    %add3A_707 = vector.broadcast %get3A_706 : vector<1x128xf32> to vector<512x128xf32>
    %add3A_708 = arith.addf %dot_general3A_703, %add3A_707 : vector<512x128xf32>
    %add3A_709 = arith.addf %add3A_539, %add3A_708 : vector<512x128xf32>
    %get3A_710 = arith.constant 0 : index
    %get3A_711 = arith.constant 0 : index
    %get3A_712 = vector.load %arg17[%get3A_710, %get3A_711] : memref<1x128xf32, #tpu.memory_space<vmem>>, vector<1x128xf32>
    %get3A_713 = arith.constant 0 : index
    %get3A_714 = arith.constant 0 : index
    %get3A_715 = vector.load %arg18[%get3A_713, %get3A_714] : memref<1x128xf32, #tpu.memory_space<vmem>>, vector<1x128xf32>
    %reduce_sum3A_716 = arith.constant dense<0.000000e+00> : vector<512xf32>
    %reduce_sum3A_717 = vector.multi_reduction <add>, %add3A_709, %reduce_sum3A_716 [1] : vector<512x128xf32> to vector<512xf32>
    %broadcast_in_dim3A_718 = vector.shape_cast %reduce_sum3A_717 : vector<512xf32> to vector<512x1xf32>
    %div3A_719 = arith.constant 1.280000e+02 : f32
    %div3A_720 = vector.broadcast %div3A_719 : f32 to vector<512x1xf32>
    %div3A_721 = arith.divf %broadcast_in_dim3A_718, %div3A_720 : vector<512x1xf32>
    %sub3A_722 = vector.broadcast %div3A_721 : vector<512x1xf32> to vector<512x128xf32>
    %sub3A_723 = arith.subf %add3A_709, %sub3A_722 : vector<512x128xf32>
    %integer_pow3A_724 = arith.mulf %sub3A_723, %sub3A_723 : vector<512x128xf32>
    %reduce_sum3A_725 = arith.constant dense<0.000000e+00> : vector<512xf32>
    %reduce_sum3A_726 = vector.multi_reduction <add>, %integer_pow3A_724, %reduce_sum3A_725 [1] : vector<512x128xf32> to vector<512xf32>
    %broadcast_in_dim3A_727 = vector.shape_cast %reduce_sum3A_726 : vector<512xf32> to vector<512x1xf32>
    %div3A_728 = arith.constant 1.280000e+02 : f32
    %div3A_729 = vector.broadcast %div3A_728 : f32 to vector<512x1xf32>
    %div3A_730 = arith.divf %broadcast_in_dim3A_727, %div3A_729 : vector<512x1xf32>
    %sub3A_731 = vector.broadcast %div3A_721 : vector<512x1xf32> to vector<512x128xf32>
    %sub3A_732 = arith.subf %add3A_709, %sub3A_731 : vector<512x128xf32>
    %add3A_733 = arith.constant 9.99999974E-6 : f32
    %add3A_734 = vector.broadcast %add3A_733 : f32 to vector<512x1xf32>
    %add3A_735 = arith.addf %div3A_730, %add3A_734 : vector<512x1xf32>
    %sqrt3A_736 = math.sqrt %add3A_735 : vector<512x1xf32>
    %div3A_737 = vector.broadcast %sqrt3A_736 : vector<512x1xf32> to vector<512x128xf32>
    %div3A_738 = arith.divf %sub3A_732, %div3A_737 : vector<512x128xf32>
    %mul3A_739 = vector.broadcast %get3A_712 : vector<1x128xf32> to vector<512x128xf32>
    %mul3A_740 = arith.mulf %div3A_738, %mul3A_739 : vector<512x128xf32>
    %add3A_741 = vector.broadcast %get3A_715 : vector<1x128xf32> to vector<512x128xf32>
    %add3A_742 = arith.addf %mul3A_740, %add3A_741 : vector<512x128xf32>
    %get3A_743 = arith.constant 0 : index
    %get3A_744 = arith.constant 0 : index
    %get3A_745 = vector.load %arg19[%get3A_743, %get3A_744] : memref<128x2048xbf16, #tpu.memory_space<vmem>>, vector<128x2048xbf16>
    %convert_element_type3A_746 = arith.truncf %add3A_742 : vector<512x128xf32> to vector<512x128xbf16>
    %dot_general3A_747 = arith.constant dense<0.000000e+00> : vector<512x2048xf32>
    %dot_general3A_748 = tpu.matmul %convert_element_type3A_746, %get3A_745, %dot_general3A_747 {dimension_numbers = #tpu.dot_dimension_numbers<[1], [0], [0], [1], [0, 0, 1, 1], [], []>, transpose_lhs_hint = false} : vector<512x128xbf16>, vector<128x2048xbf16>, vector<512x2048xf32> -> vector<512x2048xf32>
    %get3A_749 = arith.constant 0 : index
    %get3A_750 = arith.constant 0 : index
    %get3A_751 = vector.load %arg20[%get3A_749, %get3A_750] : memref<1x2048xf32, #tpu.memory_space<vmem>>, vector<1x2048xf32>
    %add3A_752 = vector.broadcast %get3A_751 : vector<1x2048xf32> to vector<512x2048xf32>
    %add3A_753 = arith.addf %dot_general3A_748, %add3A_752 : vector<512x2048xf32>
    %max3A = arith.constant 0.000000e+00 : f32
    %max3A_754 = vector.broadcast %max3A : f32 to vector<512x2048xf32>
    %max3A_755 = arith.maximumf %add3A_753, %max3A_754 : vector<512x2048xf32>
    %get3A_756 = arith.constant 0 : index
    %get3A_757 = arith.constant 0 : index
    %get3A_758 = vector.load %arg21[%get3A_756, %get3A_757] : memref<2048x128xbf16, #tpu.memory_space<vmem>>, vector<2048x128xbf16>
    %convert_element_type3A_759 = arith.truncf %max3A_755 : vector<512x2048xf32> to vector<512x2048xbf16>
    %dot_general3A_760 = arith.constant dense<0.000000e+00> : vector<512x128xf32>
    %dot_general3A_761 = tpu.matmul %convert_element_type3A_759, %get3A_758, %dot_general3A_760 {dimension_numbers = #tpu.dot_dimension_numbers<[1], [0], [0], [1], [0, 0, 1, 1], [], []>, transpose_lhs_hint = false} : vector<512x2048xbf16>, vector<2048x128xbf16>, vector<512x128xf32> -> vector<512x128xf32>
    %get3A_762 = arith.constant 0 : index
    %get3A_763 = arith.constant 0 : index
    %get3A_764 = vector.load %arg22[%get3A_762, %get3A_763] : memref<1x128xf32, #tpu.memory_space<vmem>>, vector<1x128xf32>
    %add3A_765 = vector.broadcast %get3A_764 : vector<1x128xf32> to vector<512x128xf32>
    %add3A_766 = arith.addf %dot_general3A_761, %add3A_765 : vector<512x128xf32>
    %add3A_767 = arith.addf %add3A_742, %add3A_766 : vector<512x128xf32>
    %get3A_768 = arith.constant 0 : index
    %get3A_769 = arith.constant 0 : index
    %get3A_770 = vector.load %arg23[%get3A_768, %get3A_769] : memref<1x128xf32, #tpu.memory_space<vmem>>, vector<1x128xf32>
    %get3A_771 = arith.constant 0 : index
    %get3A_772 = arith.constant 0 : index
    %get3A_773 = vector.load %arg24[%get3A_771, %get3A_772] : memref<1x128xf32, #tpu.memory_space<vmem>>, vector<1x128xf32>
    %reduce_sum3A_774 = arith.constant dense<0.000000e+00> : vector<512xf32>
    %reduce_sum3A_775 = vector.multi_reduction <add>, %add3A_767, %reduce_sum3A_774 [1] : vector<512x128xf32> to vector<512xf32>
    %broadcast_in_dim3A_776 = vector.shape_cast %reduce_sum3A_775 : vector<512xf32> to vector<512x1xf32>
    %div3A_777 = arith.constant 1.280000e+02 : f32
    %div3A_778 = vector.broadcast %div3A_777 : f32 to vector<512x1xf32>
    %div3A_779 = arith.divf %broadcast_in_dim3A_776, %div3A_778 : vector<512x1xf32>
    %sub3A_780 = vector.broadcast %div3A_779 : vector<512x1xf32> to vector<512x128xf32>
    %sub3A_781 = arith.subf %add3A_767, %sub3A_780 : vector<512x128xf32>
    %integer_pow3A_782 = arith.mulf %sub3A_781, %sub3A_781 : vector<512x128xf32>
    %reduce_sum3A_783 = arith.constant dense<0.000000e+00> : vector<512xf32>
    %reduce_sum3A_784 = vector.multi_reduction <add>, %integer_pow3A_782, %reduce_sum3A_783 [1] : vector<512x128xf32> to vector<512xf32>
    %broadcast_in_dim3A_785 = vector.shape_cast %reduce_sum3A_784 : vector<512xf32> to vector<512x1xf32>
    %div3A_786 = arith.constant 1.280000e+02 : f32
    %div3A_787 = vector.broadcast %div3A_786 : f32 to vector<512x1xf32>
    %div3A_788 = arith.divf %broadcast_in_dim3A_785, %div3A_787 : vector<512x1xf32>
    %sub3A_789 = vector.broadcast %div3A_779 : vector<512x1xf32> to vector<512x128xf32>
    %sub3A_790 = arith.subf %add3A_767, %sub3A_789 : vector<512x128xf32>
    %add3A_791 = arith.constant 9.99999974E-6 : f32
    %add3A_792 = vector.broadcast %add3A_791 : f32 to vector<512x1xf32>
    %add3A_793 = arith.addf %div3A_788, %add3A_792 : vector<512x1xf32>
    %sqrt3A_794 = math.sqrt %add3A_793 : vector<512x1xf32>
    %div3A_795 = vector.broadcast %sqrt3A_794 : vector<512x1xf32> to vector<512x128xf32>
    %div3A_796 = arith.divf %sub3A_790, %div3A_795 : vector<512x128xf32>
    %mul3A_797 = vector.broadcast %get3A_770 : vector<1x128xf32> to vector<512x128xf32>
    %mul3A_798 = arith.mulf %div3A_796, %mul3A_797 : vector<512x128xf32>
    %add3A_799 = vector.broadcast %get3A_773 : vector<1x128xf32> to vector<512x128xf32>
    %add3A_800 = arith.addf %mul3A_798, %add3A_799 : vector<512x128xf32>
    %swap3A_801 = arith.constant 0 : index
    %swap3A_802 = arith.constant 0 : index
    %swap3A_803 = arith.constant 0 : index
    %swap3A_804 = vector.load %arg28[%swap3A_801, %swap3A_802, %swap3A_803] : memref<2x512x128xf32, #tpu.memory_space<vmem>>, vector<1x512x128xf32>
    %swap3A_805 = vector.shape_cast %swap3A_804 : vector<1x512x128xf32> to vector<512x128xf32>
    %swap3A_806 = vector.shape_cast %add3A_800 : vector<512x128xf32> to vector<1x512x128xf32>
    tpu.vector_store %arg28[%swap3A_801, %swap3A_802, %swap3A_803], %swap3A_806 {strides = array<i32>} : memref<2x512x128xf32, #tpu.memory_space<vmem>>, vector<1x512x128xf32>,
    %get3A_807 = arith.constant 0 : index
    %get3A_808 = arith.constant 0 : index
    %get3A_809 = vector.load %arg25[%get3A_807, %get3A_808] : memref<128x10xf32, #tpu.memory_space<vmem>>, vector<128x10xf32>
    %dot_general3A_810 = arith.constant dense<0.000000e+00> : vector<512x10xf32>
    %dot_general3A_811 = tpu.matmul %add3A_800, %get3A_809, %dot_general3A_810 {dimension_numbers = #tpu.dot_dimension_numbers<[1], [0], [0], [1], [0, 0, 1, 1], [], []>, transpose_lhs_hint = false} : vector<512x128xf32>, vector<128x10xf32>, vector<512x10xf32> -> vector<512x10xf32>
    %get3A_812 = arith.constant 0 : index
    %get3A_813 = arith.constant 0 : index
    %get3A_814 = vector.load %arg26[%get3A_812, %get3A_813] : memref<1x10xf32, #tpu.memory_space<vmem>>, vector<1x10xf32>
    %add3A_815 = vector.broadcast %get3A_814 : vector<1x10xf32> to vector<512x10xf32>
    %add3A_816 = arith.addf %dot_general3A_811, %add3A_815 : vector<512x10xf32>
    %swap3A_817 = arith.constant 0 : index
    %swap3A_818 = arith.constant 0 : index
    %swap3A_819 = arith.constant 0 : index
    %swap3A_820 = vector.load %arg27[%swap3A_817, %swap3A_818, %swap3A_819] : memref<2x512x10xf32, #tpu.memory_space<vmem>>, vector<1x512x10xf32>
    %swap3A_821 = vector.shape_cast %swap3A_820 : vector<1x512x10xf32> to vector<512x10xf32>
    %swap3A_822 = vector.shape_cast %add3A_816 : vector<512x10xf32> to vector<1x512x10xf32>
    tpu.vector_store %arg27[%swap3A_817, %swap3A_818, %swap3A_819], %swap3A_822 {strides = array<i32>} : memref<2x512x10xf32, #tpu.memory_space<vmem>>, vector<1x512x10xf32>,
    %get3A_823 = arith.constant 1 : index
    %get3A_824 = arith.constant 0 : index
    %get3A_825 = arith.constant 0 : index
    %get3A_826 = vector.load %arg1[%get3A_823, %get3A_824, %get3A_825] : memref<2x512x128xf32, #tpu.memory_space<vmem>>, vector<1x512x128xf32>
    %get3A_827 = vector.shape_cast %get3A_826 : vector<1x512x128xf32> to vector<512x128xf32>
    %get3A_828 = arith.constant 0 : index
    %get3A_829 = arith.constant 0 : index
    %get3A_830 = vector.load %arg5[%get3A_828, %get3A_829] : memref<128x128xbf16, #tpu.memory_space<vmem>>, vector<128x128xbf16>
    %convert_element_type3A_831 = arith.truncf %get3A_827 : vector<512x128xf32> to vector<512x128xbf16>
    %dot_general3A_832 = arith.constant dense<0.000000e+00> : vector<512x128xf32>
    %dot_general3A_833 = tpu.matmul %convert_element_type3A_831, %get3A_830, %dot_general3A_832 {dimension_numbers = #tpu.dot_dimension_numbers<[1], [0], [0], [1], [0, 0, 1, 1], [], []>, transpose_lhs_hint = false} : vector<512x128xbf16>, vector<128x128xbf16>, vector<512x128xf32> -> vector<512x128xf32>
    %get3A_834 = arith.constant 0 : index
    %get3A_835 = arith.constant 0 : index
    %get3A_836 = vector.load %arg6[%get3A_834, %get3A_835] : memref<1x128xf32, #tpu.memory_space<vmem>>, vector<1x128xf32>
    %add3A_837 = vector.broadcast %get3A_836 : vector<1x128xf32> to vector<512x128xf32>
    %add3A_838 = arith.addf %dot_general3A_833, %add3A_837 : vector<512x128xf32>
    %get3A_839 = arith.constant 0 : index
    %get3A_840 = arith.constant 1 : index
    %get3A_841 = arith.constant 0 : index
    %get3A_842 = arith.constant 0 : index
    %get3A_843 = vector.load %arg3[%get3A_839, %get3A_840, %get3A_841, %get3A_842] : memref<1x2x512x128xf32, #tpu.memory_space<vmem>>, vector<1x1x512x128xf32>
    %get3A_844 = vector.shape_cast %get3A_843 : vector<1x1x512x128xf32> to vector<512x128xf32>
    %add3A_845 = arith.addf %add3A_838, %get3A_844 : vector<512x128xf32>
    %get3A_846 = arith.constant 0 : index
    %get3A_847 = arith.constant 0 : index
    %get3A_848 = arith.constant 0 : index
    %get3A_849 = arith.constant 0 : index
    %get3A_850 = vector.load %arg7[%get3A_846, %get3A_847, %get3A_848, %get3A_849] : memref<2x2x128x384xbf16, #tpu.memory_space<vmem>>, vector<1x1x128x384xbf16>
    %get3A_851 = vector.shape_cast %get3A_850 : vector<1x1x128x384xbf16> to vector<128x384xbf16>
    %convert_element_type3A_852 = arith.truncf %add3A_845 : vector<512x128xf32> to vector<512x128xbf16>
    %dot_general3A_853 = arith.constant dense<0.000000e+00> : vector<512x384xf32>
    %dot_general3A_854 = tpu.matmul %convert_element_type3A_852, %get3A_851, %dot_general3A_853 {dimension_numbers = #tpu.dot_dimension_numbers<[1], [0], [0], [1], [0, 0, 1, 1], [], []>, transpose_lhs_hint = false} : vector<512x128xbf16>, vector<128x384xbf16>, vector<512x384xf32> -> vector<512x384xf32>
    %get3A_855 = arith.constant 0 : index
    %get3A_856 = arith.constant 0 : index
    %get3A_857 = arith.constant 0 : index
    %get3A_858 = arith.constant 0 : index
    %get3A_859 = vector.load %arg8[%get3A_855, %get3A_856, %get3A_857, %get3A_858] : memref<2x2x1x384xf32, #tpu.memory_space<vmem>>, vector<1x1x1x384xf32>
    %get3A_860 = vector.shape_cast %get3A_859 : vector<1x1x1x384xf32> to vector<1x384xf32>
    %add3A_861 = vector.broadcast %get3A_860 : vector<1x384xf32> to vector<512x384xf32>
    %add3A_862 = arith.addf %dot_general3A_854, %add3A_861 : vector<512x384xf32>
    %get3A_863 = arith.constant 0 : index
    %get3A_864 = arith.constant 1 : index
    %get3A_865 = arith.constant 0 : index
    %get3A_866 = arith.constant 0 : index
    %get3A_867 = vector.load %arg7[%get3A_863, %get3A_864, %get3A_865, %get3A_866] : memref<2x2x128x384xbf16, #tpu.memory_space<vmem>>, vector<1x1x128x384xbf16>
    %get3A_868 = vector.shape_cast %get3A_867 : vector<1x1x128x384xbf16> to vector<128x384xbf16>
    %convert_element_type3A_869 = arith.truncf %add3A_845 : vector<512x128xf32> to vector<512x128xbf16>
    %dot_general3A_870 = arith.constant dense<0.000000e+00> : vector<512x384xf32>
    %dot_general3A_871 = tpu.matmul %convert_element_type3A_869, %get3A_868, %dot_general3A_870 {dimension_numbers = #tpu.dot_dimension_numbers<[1], [0], [0], [1], [0, 0, 1, 1], [], []>, transpose_lhs_hint = false} : vector<512x128xbf16>, vector<128x384xbf16>, vector<512x384xf32> -> vector<512x384xf32>
    %get3A_872 = arith.constant 0 : index
    %get3A_873 = arith.constant 1 : index
    %get3A_874 = arith.constant 0 : index
    %get3A_875 = arith.constant 0 : index
    %get3A_876 = vector.load %arg8[%get3A_872, %get3A_873, %get3A_874, %get3A_875] : memref<2x2x1x384xf32, #tpu.memory_space<vmem>>, vector<1x1x1x384xf32>
    %get3A_877 = vector.shape_cast %get3A_876 : vector<1x1x1x384xf32> to vector<1x384xf32>
    %add3A_878 = vector.broadcast %get3A_877 : vector<1x384xf32> to vector<512x384xf32>
    %add3A_879 = arith.addf %dot_general3A_871, %add3A_878 : vector<512x384xf32>
    %sub3A_880 = arith.subf %add3A_879, %add3A_862 : vector<512x384xf32>
    %mul3A_881 = vector.broadcast %get3A_1 : vector<512x1xf32> to vector<512x384xf32>
    %mul3A_882 = arith.mulf %mul3A_881, %sub3A_880 : vector<512x384xf32>
    %add3A_883 = arith.addf %add3A_862, %mul3A_882 : vector<512x384xf32>
    %slice3A_884 = vector.extract_strided_slice %add3A_883 {offsets = [0, 0], sizes = [512, 128], strides = [1, 1]} : vector<512x384xf32> to vector<512x128xf32>
    %slice3A_885 = vector.extract_strided_slice %add3A_883 {offsets = [0, 128], sizes = [512, 128], strides = [1, 1]} : vector<512x384xf32> to vector<512x128xf32>
    %slice3A_886 = vector.extract_strided_slice %add3A_883 {offsets = [0, 256], sizes = [512, 128], strides = [1, 1]} : vector<512x384xf32> to vector<512x128xf32>
    %convert_element_type3A_887 = arith.truncf %slice3A_884 : vector<512x128xf32> to vector<512x128xbf16>
    %convert_element_type3A_888 = arith.truncf %slice3A_885 : vector<512x128xf32> to vector<512x128xbf16>
    %convert_element_type3A_889 = arith.truncf %slice3A_886 : vector<512x128xf32> to vector<512x128xbf16>
    %broadcast_in_dim3A_890 = arith.constant 1.000000e+00 : bf16
    %broadcast_in_dim3A_891 = vector.broadcast %broadcast_in_dim3A_890 : bf16 to vector<512x1xbf16>
    %slice3A_892 = vector.extract_strided_slice %convert_element_type3A_887 {offsets = [0, 0], sizes = [512, 16], strides = [1, 1]} : vector<512x128xbf16> to vector<512x16xbf16>
    %slice3A_893 = vector.extract_strided_slice %convert_element_type3A_888 {offsets = [0, 0], sizes = [512, 16], strides = [1, 1]} : vector<512x128xbf16> to vector<512x16xbf16>
    %slice3A_894 = vector.extract_strided_slice %convert_element_type3A_889 {offsets = [0, 0], sizes = [512, 16], strides = [1, 1]} : vector<512x128xbf16> to vector<512x16xbf16>
    %concatenate3A_895 = tpu.concatenate %slice3A_894, %broadcast_in_dim3A_891 in 1 : vector<512x16xbf16>, vector<512x1xbf16> -> vector<512x17xbf16>
    %dot_general3A_896 = arith.constant dense<0.000000e+00> : vector<512x512xf32>
    %dot_general3A_897 = tpu.matmul %slice3A_892, %slice3A_893, %dot_general3A_896 {dimension_numbers = #tpu.dot_dimension_numbers<[1], [1], [0], [0], [0, 0, 1, 0], [], []>, transpose_lhs_hint = false} : vector<512x16xbf16>, vector<512x16xbf16>, vector<512x512xf32> -> vector<512x512xf32>
    %exp23A_898 = math.exp2 %dot_general3A_897 : vector<512x512xf32>
    %convert_element_type3A_899 = arith.truncf %exp23A_898 : vector<512x512xf32> to vector<512x512xbf16>
    %dot_general3A_900 = arith.constant dense<0.000000e+00> : vector<512x17xf32>
    %dot_general3A_901 = tpu.matmul %convert_element_type3A_899, %concatenate3A_895, %dot_general3A_900 {dimension_numbers = #tpu.dot_dimension_numbers<[1], [0], [0], [1], [0, 0, 1, 1], [], []>, transpose_lhs_hint = false} : vector<512x512xbf16>, vector<512x17xbf16>, vector<512x17xf32> -> vector<512x17xf32>
    %slice3A_902 = vector.extract_strided_slice %dot_general3A_901 {offsets = [0, 0], sizes = [512, 16], strides = [1, 1]} : vector<512x17xf32> to vector<512x16xf32>
    %slice3A_903 = vector.extract_strided_slice %dot_general3A_901 {offsets = [0, 16], sizes = [512, 1], strides = [1, 1]} : vector<512x17xf32> to vector<512x1xf32>
    %div3A_904 = vector.broadcast %slice3A_903 : vector<512x1xf32> to vector<512x16xf32>
    %div3A_905 = arith.divf %slice3A_902, %div3A_904 : vector<512x16xf32>
    %swap3A_906 = arith.constant 0 : index
    %swap3A_907 = arith.constant 0 : index
    %swap3A_908 = vector.load %arg29[%swap3A_906, %swap3A_907] : memref<512x128xf32, #tpu.memory_space<vmem>>, vector<512x16xf32>
    tpu.vector_store %arg29[%swap3A_906, %swap3A_907], %div3A_905 {strides = array<i32>} : memref<512x128xf32, #tpu.memory_space<vmem>>, vector<512x16xf32>,
    %slice3A_909 = vector.extract_strided_slice %convert_element_type3A_887 {offsets = [0, 16], sizes = [512, 16], strides = [1, 1]} : vector<512x128xbf16> to vector<512x16xbf16>
    %slice3A_910 = vector.extract_strided_slice %convert_element_type3A_888 {offsets = [0, 16], sizes = [512, 16], strides = [1, 1]} : vector<512x128xbf16> to vector<512x16xbf16>
    %slice3A_911 = vector.extract_strided_slice %convert_element_type3A_889 {offsets = [0, 16], sizes = [512, 16], strides = [1, 1]} : vector<512x128xbf16> to vector<512x16xbf16>
    %concatenate3A_912 = tpu.concatenate %slice3A_911, %broadcast_in_dim3A_891 in 1 : vector<512x16xbf16>, vector<512x1xbf16> -> vector<512x17xbf16>
    %dot_general3A_913 = arith.constant dense<0.000000e+00> : vector<512x512xf32>
    %dot_general3A_914 = tpu.matmul %slice3A_909, %slice3A_910, %dot_general3A_913 {dimension_numbers = #tpu.dot_dimension_numbers<[1], [1], [0], [0], [0, 0, 1, 0], [], []>, transpose_lhs_hint = false} : vector<512x16xbf16>, vector<512x16xbf16>, vector<512x512xf32> -> vector<512x512xf32>
    %exp23A_915 = math.exp2 %dot_general3A_914 : vector<512x512xf32>
    %convert_element_type3A_916 = arith.truncf %exp23A_915 : vector<512x512xf32> to vector<512x512xbf16>
    %dot_general3A_917 = arith.constant dense<0.000000e+00> : vector<512x17xf32>
    %dot_general3A_918 = tpu.matmul %convert_element_type3A_916, %concatenate3A_912, %dot_general3A_917 {dimension_numbers = #tpu.dot_dimension_numbers<[1], [0], [0], [1], [0, 0, 1, 1], [], []>, transpose_lhs_hint = false} : vector<512x512xbf16>, vector<512x17xbf16>, vector<512x17xf32> -> vector<512x17xf32>
    %slice3A_919 = vector.extract_strided_slice %dot_general3A_918 {offsets = [0, 0], sizes = [512, 16], strides = [1, 1]} : vector<512x17xf32> to vector<512x16xf32>
    %slice3A_920 = vector.extract_strided_slice %dot_general3A_918 {offsets = [0, 16], sizes = [512, 1], strides = [1, 1]} : vector<512x17xf32> to vector<512x1xf32>
    %div3A_921 = vector.broadcast %slice3A_920 : vector<512x1xf32> to vector<512x16xf32>
    %div3A_922 = arith.divf %slice3A_919, %div3A_921 : vector<512x16xf32>
    %swap3A_923 = arith.constant 0 : index
    %swap3A_924 = arith.constant 16 : index
    %swap3A_925 = vector.load %arg29[%swap3A_923, %swap3A_924] : memref<512x128xf32, #tpu.memory_space<vmem>>, vector<512x16xf32>
    tpu.vector_store %arg29[%swap3A_923, %swap3A_924], %div3A_922 {strides = array<i32>} : memref<512x128xf32, #tpu.memory_space<vmem>>, vector<512x16xf32>,
    %slice3A_926 = vector.extract_strided_slice %convert_element_type3A_887 {offsets = [0, 32], sizes = [512, 16], strides = [1, 1]} : vector<512x128xbf16> to vector<512x16xbf16>
    %slice3A_927 = vector.extract_strided_slice %convert_element_type3A_888 {offsets = [0, 32], sizes = [512, 16], strides = [1, 1]} : vector<512x128xbf16> to vector<512x16xbf16>
    %slice3A_928 = vector.extract_strided_slice %convert_element_type3A_889 {offsets = [0, 32], sizes = [512, 16], strides = [1, 1]} : vector<512x128xbf16> to vector<512x16xbf16>
    %concatenate3A_929 = tpu.concatenate %slice3A_928, %broadcast_in_dim3A_891 in 1 : vector<512x16xbf16>, vector<512x1xbf16> -> vector<512x17xbf16>
    %dot_general3A_930 = arith.constant dense<0.000000e+00> : vector<512x512xf32>
    %dot_general3A_931 = tpu.matmul %slice3A_926, %slice3A_927, %dot_general3A_930 {dimension_numbers = #tpu.dot_dimension_numbers<[1], [1], [0], [0], [0, 0, 1, 0], [], []>, transpose_lhs_hint = false} : vector<512x16xbf16>, vector<512x16xbf16>, vector<512x512xf32> -> vector<512x512xf32>
    %exp23A_932 = math.exp2 %dot_general3A_931 : vector<512x512xf32>
    %convert_element_type3A_933 = arith.truncf %exp23A_932 : vector<512x512xf32> to vector<512x512xbf16>
    %dot_general3A_934 = arith.constant dense<0.000000e+00> : vector<512x17xf32>
    %dot_general3A_935 = tpu.matmul %convert_element_type3A_933, %concatenate3A_929, %dot_general3A_934 {dimension_numbers = #tpu.dot_dimension_numbers<[1], [0], [0], [1], [0, 0, 1, 1], [], []>, transpose_lhs_hint = false} : vector<512x512xbf16>, vector<512x17xbf16>, vector<512x17xf32> -> vector<512x17xf32>
    %slice3A_936 = vector.extract_strided_slice %dot_general3A_935 {offsets = [0, 0], sizes = [512, 16], strides = [1, 1]} : vector<512x17xf32> to vector<512x16xf32>
    %slice3A_937 = vector.extract_strided_slice %dot_general3A_935 {offsets = [0, 16], sizes = [512, 1], strides = [1, 1]} : vector<512x17xf32> to vector<512x1xf32>
    %div3A_938 = vector.broadcast %slice3A_937 : vector<512x1xf32> to vector<512x16xf32>
    %div3A_939 = arith.divf %slice3A_936, %div3A_938 : vector<512x16xf32>
    %swap3A_940 = arith.constant 0 : index
    %swap3A_941 = arith.constant 32 : index
    %swap3A_942 = vector.load %arg29[%swap3A_940, %swap3A_941] : memref<512x128xf32, #tpu.memory_space<vmem>>, vector<512x16xf32>
    tpu.vector_store %arg29[%swap3A_940, %swap3A_941], %div3A_939 {strides = array<i32>} : memref<512x128xf32, #tpu.memory_space<vmem>>, vector<512x16xf32>,
    %slice3A_943 = vector.extract_strided_slice %convert_element_type3A_887 {offsets = [0, 48], sizes = [512, 16], strides = [1, 1]} : vector<512x128xbf16> to vector<512x16xbf16>
    %slice3A_944 = vector.extract_strided_slice %convert_element_type3A_888 {offsets = [0, 48], sizes = [512, 16], strides = [1, 1]} : vector<512x128xbf16> to vector<512x16xbf16>
    %slice3A_945 = vector.extract_strided_slice %convert_element_type3A_889 {offsets = [0, 48], sizes = [512, 16], strides = [1, 1]} : vector<512x128xbf16> to vector<512x16xbf16>
    %concatenate3A_946 = tpu.concatenate %slice3A_945, %broadcast_in_dim3A_891 in 1 : vector<512x16xbf16>, vector<512x1xbf16> -> vector<512x17xbf16>
    %dot_general3A_947 = arith.constant dense<0.000000e+00> : vector<512x512xf32>
    %dot_general3A_948 = tpu.matmul %slice3A_943, %slice3A_944, %dot_general3A_947 {dimension_numbers = #tpu.dot_dimension_numbers<[1], [1], [0], [0], [0, 0, 1, 0], [], []>, transpose_lhs_hint = false} : vector<512x16xbf16>, vector<512x16xbf16>, vector<512x512xf32> -> vector<512x512xf32>
    %exp23A_949 = math.exp2 %dot_general3A_948 : vector<512x512xf32>
    %convert_element_type3A_950 = arith.truncf %exp23A_949 : vector<512x512xf32> to vector<512x512xbf16>
    %dot_general3A_951 = arith.constant dense<0.000000e+00> : vector<512x17xf32>
    %dot_general3A_952 = tpu.matmul %convert_element_type3A_950, %concatenate3A_946, %dot_general3A_951 {dimension_numbers = #tpu.dot_dimension_numbers<[1], [0], [0], [1], [0, 0, 1, 1], [], []>, transpose_lhs_hint = false} : vector<512x512xbf16>, vector<512x17xbf16>, vector<512x17xf32> -> vector<512x17xf32>
    %slice3A_953 = vector.extract_strided_slice %dot_general3A_952 {offsets = [0, 0], sizes = [512, 16], strides = [1, 1]} : vector<512x17xf32> to vector<512x16xf32>
    %slice3A_954 = vector.extract_strided_slice %dot_general3A_952 {offsets = [0, 16], sizes = [512, 1], strides = [1, 1]} : vector<512x17xf32> to vector<512x1xf32>
    %div3A_955 = vector.broadcast %slice3A_954 : vector<512x1xf32> to vector<512x16xf32>
    %div3A_956 = arith.divf %slice3A_953, %div3A_955 : vector<512x16xf32>
    %swap3A_957 = arith.constant 0 : index
    %swap3A_958 = arith.constant 48 : index
    %swap3A_959 = vector.load %arg29[%swap3A_957, %swap3A_958] : memref<512x128xf32, #tpu.memory_space<vmem>>, vector<512x16xf32>
    tpu.vector_store %arg29[%swap3A_957, %swap3A_958], %div3A_956 {strides = array<i32>} : memref<512x128xf32, #tpu.memory_space<vmem>>, vector<512x16xf32>,
    %slice3A_960 = vector.extract_strided_slice %convert_element_type3A_887 {offsets = [0, 64], sizes = [512, 16], strides = [1, 1]} : vector<512x128xbf16> to vector<512x16xbf16>
    %slice3A_961 = vector.extract_strided_slice %convert_element_type3A_888 {offsets = [0, 64], sizes = [512, 16], strides = [1, 1]} : vector<512x128xbf16> to vector<512x16xbf16>
    %slice3A_962 = vector.extract_strided_slice %convert_element_type3A_889 {offsets = [0, 64], sizes = [512, 16], strides = [1, 1]} : vector<512x128xbf16> to vector<512x16xbf16>
    %concatenate3A_963 = tpu.concatenate %slice3A_962, %broadcast_in_dim3A_891 in 1 : vector<512x16xbf16>, vector<512x1xbf16> -> vector<512x17xbf16>
    %dot_general3A_964 = arith.constant dense<0.000000e+00> : vector<512x512xf32>
    %dot_general3A_965 = tpu.matmul %slice3A_960, %slice3A_961, %dot_general3A_964 {dimension_numbers = #tpu.dot_dimension_numbers<[1], [1], [0], [0], [0, 0, 1, 0], [], []>, transpose_lhs_hint = false} : vector<512x16xbf16>, vector<512x16xbf16>, vector<512x512xf32> -> vector<512x512xf32>
    %exp23A_966 = math.exp2 %dot_general3A_965 : vector<512x512xf32>
    %convert_element_type3A_967 = arith.truncf %exp23A_966 : vector<512x512xf32> to vector<512x512xbf16>
    %dot_general3A_968 = arith.constant dense<0.000000e+00> : vector<512x17xf32>
    %dot_general3A_969 = tpu.matmul %convert_element_type3A_967, %concatenate3A_963, %dot_general3A_968 {dimension_numbers = #tpu.dot_dimension_numbers<[1], [0], [0], [1], [0, 0, 1, 1], [], []>, transpose_lhs_hint = false} : vector<512x512xbf16>, vector<512x17xbf16>, vector<512x17xf32> -> vector<512x17xf32>
    %slice3A_970 = vector.extract_strided_slice %dot_general3A_969 {offsets = [0, 0], sizes = [512, 16], strides = [1, 1]} : vector<512x17xf32> to vector<512x16xf32>
    %slice3A_971 = vector.extract_strided_slice %dot_general3A_969 {offsets = [0, 16], sizes = [512, 1], strides = [1, 1]} : vector<512x17xf32> to vector<512x1xf32>
    %div3A_972 = vector.broadcast %slice3A_971 : vector<512x1xf32> to vector<512x16xf32>
    %div3A_973 = arith.divf %slice3A_970, %div3A_972 : vector<512x16xf32>
    %swap3A_974 = arith.constant 0 : index
    %swap3A_975 = arith.constant 64 : index
    %swap3A_976 = vector.load %arg29[%swap3A_974, %swap3A_975] : memref<512x128xf32, #tpu.memory_space<vmem>>, vector<512x16xf32>
    tpu.vector_store %arg29[%swap3A_974, %swap3A_975], %div3A_973 {strides = array<i32>} : memref<512x128xf32, #tpu.memory_space<vmem>>, vector<512x16xf32>,
    %slice3A_977 = vector.extract_strided_slice %convert_element_type3A_887 {offsets = [0, 80], sizes = [512, 16], strides = [1, 1]} : vector<512x128xbf16> to vector<512x16xbf16>
    %slice3A_978 = vector.extract_strided_slice %convert_element_type3A_888 {offsets = [0, 80], sizes = [512, 16], strides = [1, 1]} : vector<512x128xbf16> to vector<512x16xbf16>
    %slice3A_979 = vector.extract_strided_slice %convert_element_type3A_889 {offsets = [0, 80], sizes = [512, 16], strides = [1, 1]} : vector<512x128xbf16> to vector<512x16xbf16>
    %concatenate3A_980 = tpu.concatenate %slice3A_979, %broadcast_in_dim3A_891 in 1 : vector<512x16xbf16>, vector<512x1xbf16> -> vector<512x17xbf16>
    %dot_general3A_981 = arith.constant dense<0.000000e+00> : vector<512x512xf32>
    %dot_general3A_982 = tpu.matmul %slice3A_977, %slice3A_978, %dot_general3A_981 {dimension_numbers = #tpu.dot_dimension_numbers<[1], [1], [0], [0], [0, 0, 1, 0], [], []>, transpose_lhs_hint = false} : vector<512x16xbf16>, vector<512x16xbf16>, vector<512x512xf32> -> vector<512x512xf32>
    %exp23A_983 = math.exp2 %dot_general3A_982 : vector<512x512xf32>
    %convert_element_type3A_984 = arith.truncf %exp23A_983 : vector<512x512xf32> to vector<512x512xbf16>
    %dot_general3A_985 = arith.constant dense<0.000000e+00> : vector<512x17xf32>
    %dot_general3A_986 = tpu.matmul %convert_element_type3A_984, %concatenate3A_980, %dot_general3A_985 {dimension_numbers = #tpu.dot_dimension_numbers<[1], [0], [0], [1], [0, 0, 1, 1], [], []>, transpose_lhs_hint = false} : vector<512x512xbf16>, vector<512x17xbf16>, vector<512x17xf32> -> vector<512x17xf32>
    %slice3A_987 = vector.extract_strided_slice %dot_general3A_986 {offsets = [0, 0], sizes = [512, 16], strides = [1, 1]} : vector<512x17xf32> to vector<512x16xf32>
    %slice3A_988 = vector.extract_strided_slice %dot_general3A_986 {offsets = [0, 16], sizes = [512, 1], strides = [1, 1]} : vector<512x17xf32> to vector<512x1xf32>
    %div3A_989 = vector.broadcast %slice3A_988 : vector<512x1xf32> to vector<512x16xf32>
    %div3A_990 = arith.divf %slice3A_987, %div3A_989 : vector<512x16xf32>
    %swap3A_991 = arith.constant 0 : index
    %swap3A_992 = arith.constant 80 : index
    %swap3A_993 = vector.load %arg29[%swap3A_991, %swap3A_992] : memref<512x128xf32, #tpu.memory_space<vmem>>, vector<512x16xf32>
    tpu.vector_store %arg29[%swap3A_991, %swap3A_992], %div3A_990 {strides = array<i32>} : memref<512x128xf32, #tpu.memory_space<vmem>>, vector<512x16xf32>,
    %slice3A_994 = vector.extract_strided_slice %convert_element_type3A_887 {offsets = [0, 96], sizes = [512, 16], strides = [1, 1]} : vector<512x128xbf16> to vector<512x16xbf16>
    %slice3A_995 = vector.extract_strided_slice %convert_element_type3A_888 {offsets = [0, 96], sizes = [512, 16], strides = [1, 1]} : vector<512x128xbf16> to vector<512x16xbf16>
    %slice3A_996 = vector.extract_strided_slice %convert_element_type3A_889 {offsets = [0, 96], sizes = [512, 16], strides = [1, 1]} : vector<512x128xbf16> to vector<512x16xbf16>
    %concatenate3A_997 = tpu.concatenate %slice3A_996, %broadcast_in_dim3A_891 in 1 : vector<512x16xbf16>, vector<512x1xbf16> -> vector<512x17xbf16>
    %dot_general3A_998 = arith.constant dense<0.000000e+00> : vector<512x512xf32>
    %dot_general3A_999 = tpu.matmul %slice3A_994, %slice3A_995, %dot_general3A_998 {dimension_numbers = #tpu.dot_dimension_numbers<[1], [1], [0], [0], [0, 0, 1, 0], [], []>, transpose_lhs_hint = false} : vector<512x16xbf16>, vector<512x16xbf16>, vector<512x512xf32> -> vector<512x512xf32>
    %exp23A_1000 = math.exp2 %dot_general3A_999 : vector<512x512xf32>
    %convert_element_type3A_1001 = arith.truncf %exp23A_1000 : vector<512x512xf32> to vector<512x512xbf16>
    %dot_general3A_1002 = arith.constant dense<0.000000e+00> : vector<512x17xf32>
    %dot_general3A_1003 = tpu.matmul %convert_element_type3A_1001, %concatenate3A_997, %dot_general3A_1002 {dimension_numbers = #tpu.dot_dimension_numbers<[1], [0], [0], [1], [0, 0, 1, 1], [], []>, transpose_lhs_hint = false} : vector<512x512xbf16>, vector<512x17xbf16>, vector<512x17xf32> -> vector<512x17xf32>
    %slice3A_1004 = vector.extract_strided_slice %dot_general3A_1003 {offsets = [0, 0], sizes = [512, 16], strides = [1, 1]} : vector<512x17xf32> to vector<512x16xf32>
    %slice3A_1005 = vector.extract_strided_slice %dot_general3A_1003 {offsets = [0, 16], sizes = [512, 1], strides = [1, 1]} : vector<512x17xf32> to vector<512x1xf32>
    %div3A_1006 = vector.broadcast %slice3A_1005 : vector<512x1xf32> to vector<512x16xf32>
    %div3A_1007 = arith.divf %slice3A_1004, %div3A_1006 : vector<512x16xf32>
    %swap3A_1008 = arith.constant 0 : index
    %swap3A_1009 = arith.constant 96 : index
    %swap3A_1010 = vector.load %arg29[%swap3A_1008, %swap3A_1009] : memref<512x128xf32, #tpu.memory_space<vmem>>, vector<512x16xf32>
    tpu.vector_store %arg29[%swap3A_1008, %swap3A_1009], %div3A_1007 {strides = array<i32>} : memref<512x128xf32, #tpu.memory_space<vmem>>, vector<512x16xf32>,
    %slice3A_1011 = vector.extract_strided_slice %convert_element_type3A_887 {offsets = [0, 112], sizes = [512, 16], strides = [1, 1]} : vector<512x128xbf16> to vector<512x16xbf16>
    %slice3A_1012 = vector.extract_strided_slice %convert_element_type3A_888 {offsets = [0, 112], sizes = [512, 16], strides = [1, 1]} : vector<512x128xbf16> to vector<512x16xbf16>
    %slice3A_1013 = vector.extract_strided_slice %convert_element_type3A_889 {offsets = [0, 112], sizes = [512, 16], strides = [1, 1]} : vector<512x128xbf16> to vector<512x16xbf16>
    %concatenate3A_1014 = tpu.concatenate %slice3A_1013, %broadcast_in_dim3A_891 in 1 : vector<512x16xbf16>, vector<512x1xbf16> -> vector<512x17xbf16>
    %dot_general3A_1015 = arith.constant dense<0.000000e+00> : vector<512x512xf32>
    %dot_general3A_1016 = tpu.matmul %slice3A_1011, %slice3A_1012, %dot_general3A_1015 {dimension_numbers = #tpu.dot_dimension_numbers<[1], [1], [0], [0], [0, 0, 1, 0], [], []>, transpose_lhs_hint = false} : vector<512x16xbf16>, vector<512x16xbf16>, vector<512x512xf32> -> vector<512x512xf32>
    %exp23A_1017 = math.exp2 %dot_general3A_1016 : vector<512x512xf32>
    %convert_element_type3A_1018 = arith.truncf %exp23A_1017 : vector<512x512xf32> to vector<512x512xbf16>
    %dot_general3A_1019 = arith.constant dense<0.000000e+00> : vector<512x17xf32>
    %dot_general3A_1020 = tpu.matmul %convert_element_type3A_1018, %concatenate3A_1014, %dot_general3A_1019 {dimension_numbers = #tpu.dot_dimension_numbers<[1], [0], [0], [1], [0, 0, 1, 1], [], []>, transpose_lhs_hint = false} : vector<512x512xbf16>, vector<512x17xbf16>, vector<512x17xf32> -> vector<512x17xf32>
    %slice3A_1021 = vector.extract_strided_slice %dot_general3A_1020 {offsets = [0, 0], sizes = [512, 16], strides = [1, 1]} : vector<512x17xf32> to vector<512x16xf32>
    %slice3A_1022 = vector.extract_strided_slice %dot_general3A_1020 {offsets = [0, 16], sizes = [512, 1], strides = [1, 1]} : vector<512x17xf32> to vector<512x1xf32>
    %div3A_1023 = vector.broadcast %slice3A_1022 : vector<512x1xf32> to vector<512x16xf32>
    %div3A_1024 = arith.divf %slice3A_1021, %div3A_1023 : vector<512x16xf32>
    %swap3A_1025 = arith.constant 0 : index
    %swap3A_1026 = arith.constant 112 : index
    %swap3A_1027 = vector.load %arg29[%swap3A_1025, %swap3A_1026] : memref<512x128xf32, #tpu.memory_space<vmem>>, vector<512x16xf32>
    tpu.vector_store %arg29[%swap3A_1025, %swap3A_1026], %div3A_1024 {strides = array<i32>} : memref<512x128xf32, #tpu.memory_space<vmem>>, vector<512x16xf32>,
    %get3A_1028 = arith.constant 0 : index
    %get3A_1029 = arith.constant 0 : index
    %get3A_1030 = vector.load %arg29[%get3A_1028, %get3A_1029] : memref<512x128xf32, #tpu.memory_space<vmem>>, vector<512x128xf32>
    %get3A_1031 = arith.constant 0 : index
    %get3A_1032 = arith.constant 0 : index
    %get3A_1033 = arith.constant 0 : index
    %get3A_1034 = arith.constant 0 : index
    %get3A_1035 = vector.load %arg9[%get3A_1031, %get3A_1032, %get3A_1033, %get3A_1034] : memref<2x2x128x128xbf16, #tpu.memory_space<vmem>>, vector<1x1x128x128xbf16>
    %get3A_1036 = vector.shape_cast %get3A_1035 : vector<1x1x128x128xbf16> to vector<128x128xbf16>
    %convert_element_type3A_1037 = arith.truncf %get3A_1030 : vector<512x128xf32> to vector<512x128xbf16>
    %dot_general3A_1038 = arith.constant dense<0.000000e+00> : vector<512x128xf32>
    %dot_general3A_1039 = tpu.matmul %convert_element_type3A_1037, %get3A_1036, %dot_general3A_1038 {dimension_numbers = #tpu.dot_dimension_numbers<[1], [0], [0], [1], [0, 0, 1, 1], [], []>, transpose_lhs_hint = false} : vector<512x128xbf16>, vector<128x128xbf16>, vector<512x128xf32> -> vector<512x128xf32>
    %get3A_1040 = arith.constant 0 : index
    %get3A_1041 = arith.constant 0 : index
    %get3A_1042 = arith.constant 0 : index
    %get3A_1043 = arith.constant 0 : index
    %get3A_1044 = vector.load %arg10[%get3A_1040, %get3A_1041, %get3A_1042, %get3A_1043] : memref<2x2x1x128xf32, #tpu.memory_space<vmem>>, vector<1x1x1x128xf32>
    %get3A_1045 = vector.shape_cast %get3A_1044 : vector<1x1x1x128xf32> to vector<1x128xf32>
    %add3A_1046 = vector.broadcast %get3A_1045 : vector<1x128xf32> to vector<512x128xf32>
    %add3A_1047 = arith.addf %dot_general3A_1039, %add3A_1046 : vector<512x128xf32>
    %get3A_1048 = arith.constant 0 : index
    %get3A_1049 = arith.constant 1 : index
    %get3A_1050 = arith.constant 0 : index
    %get3A_1051 = arith.constant 0 : index
    %get3A_1052 = vector.load %arg9[%get3A_1048, %get3A_1049, %get3A_1050, %get3A_1051] : memref<2x2x128x128xbf16, #tpu.memory_space<vmem>>, vector<1x1x128x128xbf16>
    %get3A_1053 = vector.shape_cast %get3A_1052 : vector<1x1x128x128xbf16> to vector<128x128xbf16>
    %convert_element_type3A_1054 = arith.truncf %get3A_1030 : vector<512x128xf32> to vector<512x128xbf16>
    %dot_general3A_1055 = arith.constant dense<0.000000e+00> : vector<512x128xf32>
    %dot_general3A_1056 = tpu.matmul %convert_element_type3A_1054, %get3A_1053, %dot_general3A_1055 {dimension_numbers = #tpu.dot_dimension_numbers<[1], [0], [0], [1], [0, 0, 1, 1], [], []>, transpose_lhs_hint = false} : vector<512x128xbf16>, vector<128x128xbf16>, vector<512x128xf32> -> vector<512x128xf32>
    %get3A_1057 = arith.constant 0 : index
    %get3A_1058 = arith.constant 1 : index
    %get3A_1059 = arith.constant 0 : index
    %get3A_1060 = arith.constant 0 : index
    %get3A_1061 = vector.load %arg10[%get3A_1057, %get3A_1058, %get3A_1059, %get3A_1060] : memref<2x2x1x128xf32, #tpu.memory_space<vmem>>, vector<1x1x1x128xf32>
    %get3A_1062 = vector.shape_cast %get3A_1061 : vector<1x1x1x128xf32> to vector<1x128xf32>
    %add3A_1063 = vector.broadcast %get3A_1062 : vector<1x128xf32> to vector<512x128xf32>
    %add3A_1064 = arith.addf %dot_general3A_1056, %add3A_1063 : vector<512x128xf32>
    %sub3A_1065 = arith.subf %add3A_1064, %add3A_1047 : vector<512x128xf32>
    %mul3A_1066 = vector.broadcast %get3A_1 : vector<512x1xf32> to vector<512x128xf32>
    %mul3A_1067 = arith.mulf %mul3A_1066, %sub3A_1065 : vector<512x128xf32>
    %add3A_1068 = arith.addf %add3A_1047, %mul3A_1067 : vector<512x128xf32>
    %add3A_1069 = arith.addf %add3A_838, %add3A_1068 : vector<512x128xf32>
    %get3A_1070 = arith.constant 0 : index
    %get3A_1071 = arith.constant 0 : index
    %get3A_1072 = arith.constant 0 : index
    %get3A_1073 = vector.load %arg11[%get3A_1070, %get3A_1071, %get3A_1072] : memref<2x1x128xf32, #tpu.memory_space<vmem>>, vector<1x1x128xf32>
    %get3A_1074 = vector.shape_cast %get3A_1073 : vector<1x1x128xf32> to vector<1x128xf32>
    %get3A_1075 = arith.constant 0 : index
    %get3A_1076 = arith.constant 0 : index
    %get3A_1077 = arith.constant 0 : index
    %get3A_1078 = vector.load %arg12[%get3A_1075, %get3A_1076, %get3A_1077] : memref<2x1x128xf32, #tpu.memory_space<vmem>>, vector<1x1x128xf32>
    %get3A_1079 = vector.shape_cast %get3A_1078 : vector<1x1x128xf32> to vector<1x128xf32>
    %reduce_sum3A_1080 = arith.constant dense<0.000000e+00> : vector<512xf32>
    %reduce_sum3A_1081 = vector.multi_reduction <add>, %add3A_1069, %reduce_sum3A_1080 [1] : vector<512x128xf32> to vector<512xf32>
    %broadcast_in_dim3A_1082 = vector.shape_cast %reduce_sum3A_1081 : vector<512xf32> to vector<512x1xf32>
    %div3A_1083 = arith.constant 1.280000e+02 : f32
    %div3A_1084 = vector.broadcast %div3A_1083 : f32 to vector<512x1xf32>
    %div3A_1085 = arith.divf %broadcast_in_dim3A_1082, %div3A_1084 : vector<512x1xf32>
    %sub3A_1086 = vector.broadcast %div3A_1085 : vector<512x1xf32> to vector<512x128xf32>
    %sub3A_1087 = arith.subf %add3A_1069, %sub3A_1086 : vector<512x128xf32>
    %integer_pow3A_1088 = arith.mulf %sub3A_1087, %sub3A_1087 : vector<512x128xf32>
    %reduce_sum3A_1089 = arith.constant dense<0.000000e+00> : vector<512xf32>
    %reduce_sum3A_1090 = vector.multi_reduction <add>, %integer_pow3A_1088, %reduce_sum3A_1089 [1] : vector<512x128xf32> to vector<512xf32>
    %broadcast_in_dim3A_1091 = vector.shape_cast %reduce_sum3A_1090 : vector<512xf32> to vector<512x1xf32>
    %div3A_1092 = arith.constant 1.280000e+02 : f32
    %div3A_1093 = vector.broadcast %div3A_1092 : f32 to vector<512x1xf32>
    %div3A_1094 = arith.divf %broadcast_in_dim3A_1091, %div3A_1093 : vector<512x1xf32>
    %sub3A_1095 = vector.broadcast %div3A_1085 : vector<512x1xf32> to vector<512x128xf32>
    %sub3A_1096 = arith.subf %add3A_1069, %sub3A_1095 : vector<512x128xf32>
    %add3A_1097 = arith.constant 9.99999974E-6 : f32
    %add3A_1098 = vector.broadcast %add3A_1097 : f32 to vector<512x1xf32>
    %add3A_1099 = arith.addf %div3A_1094, %add3A_1098 : vector<512x1xf32>
    %sqrt3A_1100 = math.sqrt %add3A_1099 : vector<512x1xf32>
    %div3A_1101 = vector.broadcast %sqrt3A_1100 : vector<512x1xf32> to vector<512x128xf32>
    %div3A_1102 = arith.divf %sub3A_1096, %div3A_1101 : vector<512x128xf32>
    %mul3A_1103 = vector.broadcast %get3A_1074 : vector<1x128xf32> to vector<512x128xf32>
    %mul3A_1104 = arith.mulf %div3A_1102, %mul3A_1103 : vector<512x128xf32>
    %add3A_1105 = vector.broadcast %get3A_1079 : vector<1x128xf32> to vector<512x128xf32>
    %add3A_1106 = arith.addf %mul3A_1104, %add3A_1105 : vector<512x128xf32>
    %get3A_1107 = arith.constant 0 : index
    %get3A_1108 = arith.constant 1 : index
    %get3A_1109 = arith.constant 0 : index
    %get3A_1110 = arith.constant 0 : index
    %get3A_1111 = vector.load %arg4[%get3A_1107, %get3A_1108, %get3A_1109, %get3A_1110] : memref<1x2x512x128xf32, #tpu.memory_space<vmem>>, vector<1x1x512x128xf32>
    %get3A_1112 = vector.shape_cast %get3A_1111 : vector<1x1x512x128xf32> to vector<512x128xf32>
    %add3A_1113 = arith.addf %add3A_1106, %get3A_1112 : vector<512x128xf32>
    %get3A_1114 = arith.constant 1 : index
    %get3A_1115 = arith.constant 0 : index
    %get3A_1116 = arith.constant 0 : index
    %get3A_1117 = arith.constant 0 : index
    %get3A_1118 = vector.load %arg7[%get3A_1114, %get3A_1115, %get3A_1116, %get3A_1117] : memref<2x2x128x384xbf16, #tpu.memory_space<vmem>>, vector<1x1x128x384xbf16>
    %get3A_1119 = vector.shape_cast %get3A_1118 : vector<1x1x128x384xbf16> to vector<128x384xbf16>
    %convert_element_type3A_1120 = arith.truncf %add3A_1113 : vector<512x128xf32> to vector<512x128xbf16>
    %dot_general3A_1121 = arith.constant dense<0.000000e+00> : vector<512x384xf32>
    %dot_general3A_1122 = tpu.matmul %convert_element_type3A_1120, %get3A_1119, %dot_general3A_1121 {dimension_numbers = #tpu.dot_dimension_numbers<[1], [0], [0], [1], [0, 0, 1, 1], [], []>, transpose_lhs_hint = false} : vector<512x128xbf16>, vector<128x384xbf16>, vector<512x384xf32> -> vector<512x384xf32>
    %get3A_1123 = arith.constant 1 : index
    %get3A_1124 = arith.constant 0 : index
    %get3A_1125 = arith.constant 0 : index
    %get3A_1126 = arith.constant 0 : index
    %get3A_1127 = vector.load %arg8[%get3A_1123, %get3A_1124, %get3A_1125, %get3A_1126] : memref<2x2x1x384xf32, #tpu.memory_space<vmem>>, vector<1x1x1x384xf32>
    %get3A_1128 = vector.shape_cast %get3A_1127 : vector<1x1x1x384xf32> to vector<1x384xf32>
    %add3A_1129 = vector.broadcast %get3A_1128 : vector<1x384xf32> to vector<512x384xf32>
    %add3A_1130 = arith.addf %dot_general3A_1122, %add3A_1129 : vector<512x384xf32>
    %get3A_1131 = arith.constant 1 : index
    %get3A_1132 = arith.constant 1 : index
    %get3A_1133 = arith.constant 0 : index
    %get3A_1134 = arith.constant 0 : index
    %get3A_1135 = vector.load %arg7[%get3A_1131, %get3A_1132, %get3A_1133, %get3A_1134] : memref<2x2x128x384xbf16, #tpu.memory_space<vmem>>, vector<1x1x128x384xbf16>
    %get3A_1136 = vector.shape_cast %get3A_1135 : vector<1x1x128x384xbf16> to vector<128x384xbf16>
    %convert_element_type3A_1137 = arith.truncf %add3A_1113 : vector<512x128xf32> to vector<512x128xbf16>
    %dot_general3A_1138 = arith.constant dense<0.000000e+00> : vector<512x384xf32>
    %dot_general3A_1139 = tpu.matmul %convert_element_type3A_1137, %get3A_1136, %dot_general3A_1138 {dimension_numbers = #tpu.dot_dimension_numbers<[1], [0], [0], [1], [0, 0, 1, 1], [], []>, transpose_lhs_hint = false} : vector<512x128xbf16>, vector<128x384xbf16>, vector<512x384xf32> -> vector<512x384xf32>
    %get3A_1140 = arith.constant 1 : index
    %get3A_1141 = arith.constant 1 : index
    %get3A_1142 = arith.constant 0 : index
    %get3A_1143 = arith.constant 0 : index
    %get3A_1144 = vector.load %arg8[%get3A_1140, %get3A_1141, %get3A_1142, %get3A_1143] : memref<2x2x1x384xf32, #tpu.memory_space<vmem>>, vector<1x1x1x384xf32>
    %get3A_1145 = vector.shape_cast %get3A_1144 : vector<1x1x1x384xf32> to vector<1x384xf32>
    %add3A_1146 = vector.broadcast %get3A_1145 : vector<1x384xf32> to vector<512x384xf32>
    %add3A_1147 = arith.addf %dot_general3A_1139, %add3A_1146 : vector<512x384xf32>
    %sub3A_1148 = arith.subf %add3A_1147, %add3A_1130 : vector<512x384xf32>
    %mul3A_1149 = vector.broadcast %get3A_1 : vector<512x1xf32> to vector<512x384xf32>
    %mul3A_1150 = arith.mulf %mul3A_1149, %sub3A_1148 : vector<512x384xf32>
    %add3A_1151 = arith.addf %add3A_1130, %mul3A_1150 : vector<512x384xf32>
    %slice3A_1152 = vector.extract_strided_slice %add3A_1151 {offsets = [0, 0], sizes = [512, 128], strides = [1, 1]} : vector<512x384xf32> to vector<512x128xf32>
    %slice3A_1153 = vector.extract_strided_slice %add3A_1151 {offsets = [0, 128], sizes = [512, 128], strides = [1, 1]} : vector<512x384xf32> to vector<512x128xf32>
    %slice3A_1154 = vector.extract_strided_slice %add3A_1151 {offsets = [0, 256], sizes = [512, 128], strides = [1, 1]} : vector<512x384xf32> to vector<512x128xf32>
    %convert_element_type3A_1155 = arith.truncf %slice3A_1152 : vector<512x128xf32> to vector<512x128xbf16>
    %convert_element_type3A_1156 = arith.truncf %slice3A_1153 : vector<512x128xf32> to vector<512x128xbf16>
    %convert_element_type3A_1157 = arith.truncf %slice3A_1154 : vector<512x128xf32> to vector<512x128xbf16>
    %broadcast_in_dim3A_1158 = arith.constant 1.000000e+00 : bf16
    %broadcast_in_dim3A_1159 = vector.broadcast %broadcast_in_dim3A_1158 : bf16 to vector<512x1xbf16>
    %slice3A_1160 = vector.extract_strided_slice %convert_element_type3A_1155 {offsets = [0, 0], sizes = [512, 16], strides = [1, 1]} : vector<512x128xbf16> to vector<512x16xbf16>
    %slice3A_1161 = vector.extract_strided_slice %convert_element_type3A_1156 {offsets = [0, 0], sizes = [512, 16], strides = [1, 1]} : vector<512x128xbf16> to vector<512x16xbf16>
    %slice3A_1162 = vector.extract_strided_slice %convert_element_type3A_1157 {offsets = [0, 0], sizes = [512, 16], strides = [1, 1]} : vector<512x128xbf16> to vector<512x16xbf16>
    %concatenate3A_1163 = tpu.concatenate %slice3A_1162, %broadcast_in_dim3A_1159 in 1 : vector<512x16xbf16>, vector<512x1xbf16> -> vector<512x17xbf16>
    %dot_general3A_1164 = arith.constant dense<0.000000e+00> : vector<512x512xf32>
    %dot_general3A_1165 = tpu.matmul %slice3A_1160, %slice3A_1161, %dot_general3A_1164 {dimension_numbers = #tpu.dot_dimension_numbers<[1], [1], [0], [0], [0, 0, 1, 0], [], []>, transpose_lhs_hint = false} : vector<512x16xbf16>, vector<512x16xbf16>, vector<512x512xf32> -> vector<512x512xf32>
    %exp23A_1166 = math.exp2 %dot_general3A_1165 : vector<512x512xf32>
    %convert_element_type3A_1167 = arith.truncf %exp23A_1166 : vector<512x512xf32> to vector<512x512xbf16>
    %dot_general3A_1168 = arith.constant dense<0.000000e+00> : vector<512x17xf32>
    %dot_general3A_1169 = tpu.matmul %convert_element_type3A_1167, %concatenate3A_1163, %dot_general3A_1168 {dimension_numbers = #tpu.dot_dimension_numbers<[1], [0], [0], [1], [0, 0, 1, 1], [], []>, transpose_lhs_hint = false} : vector<512x512xbf16>, vector<512x17xbf16>, vector<512x17xf32> -> vector<512x17xf32>
    %slice3A_1170 = vector.extract_strided_slice %dot_general3A_1169 {offsets = [0, 0], sizes = [512, 16], strides = [1, 1]} : vector<512x17xf32> to vector<512x16xf32>
    %slice3A_1171 = vector.extract_strided_slice %dot_general3A_1169 {offsets = [0, 16], sizes = [512, 1], strides = [1, 1]} : vector<512x17xf32> to vector<512x1xf32>
    %div3A_1172 = vector.broadcast %slice3A_1171 : vector<512x1xf32> to vector<512x16xf32>
    %div3A_1173 = arith.divf %slice3A_1170, %div3A_1172 : vector<512x16xf32>
    %swap3A_1174 = arith.constant 0 : index
    %swap3A_1175 = arith.constant 0 : index
    %swap3A_1176 = vector.load %arg29[%swap3A_1174, %swap3A_1175] : memref<512x128xf32, #tpu.memory_space<vmem>>, vector<512x16xf32>
    tpu.vector_store %arg29[%swap3A_1174, %swap3A_1175], %div3A_1173 {strides = array<i32>} : memref<512x128xf32, #tpu.memory_space<vmem>>, vector<512x16xf32>,
    %slice3A_1177 = vector.extract_strided_slice %convert_element_type3A_1155 {offsets = [0, 16], sizes = [512, 16], strides = [1, 1]} : vector<512x128xbf16> to vector<512x16xbf16>
    %slice3A_1178 = vector.extract_strided_slice %convert_element_type3A_1156 {offsets = [0, 16], sizes = [512, 16], strides = [1, 1]} : vector<512x128xbf16> to vector<512x16xbf16>
    %slice3A_1179 = vector.extract_strided_slice %convert_element_type3A_1157 {offsets = [0, 16], sizes = [512, 16], strides = [1, 1]} : vector<512x128xbf16> to vector<512x16xbf16>
    %concatenate3A_1180 = tpu.concatenate %slice3A_1179, %broadcast_in_dim3A_1159 in 1 : vector<512x16xbf16>, vector<512x1xbf16> -> vector<512x17xbf16>
    %dot_general3A_1181 = arith.constant dense<0.000000e+00> : vector<512x512xf32>
    %dot_general3A_1182 = tpu.matmul %slice3A_1177, %slice3A_1178, %dot_general3A_1181 {dimension_numbers = #tpu.dot_dimension_numbers<[1], [1], [0], [0], [0, 0, 1, 0], [], []>, transpose_lhs_hint = false} : vector<512x16xbf16>, vector<512x16xbf16>, vector<512x512xf32> -> vector<512x512xf32>
    %exp23A_1183 = math.exp2 %dot_general3A_1182 : vector<512x512xf32>
    %convert_element_type3A_1184 = arith.truncf %exp23A_1183 : vector<512x512xf32> to vector<512x512xbf16>
    %dot_general3A_1185 = arith.constant dense<0.000000e+00> : vector<512x17xf32>
    %dot_general3A_1186 = tpu.matmul %convert_element_type3A_1184, %concatenate3A_1180, %dot_general3A_1185 {dimension_numbers = #tpu.dot_dimension_numbers<[1], [0], [0], [1], [0, 0, 1, 1], [], []>, transpose_lhs_hint = false} : vector<512x512xbf16>, vector<512x17xbf16>, vector<512x17xf32> -> vector<512x17xf32>
    %slice3A_1187 = vector.extract_strided_slice %dot_general3A_1186 {offsets = [0, 0], sizes = [512, 16], strides = [1, 1]} : vector<512x17xf32> to vector<512x16xf32>
    %slice3A_1188 = vector.extract_strided_slice %dot_general3A_1186 {offsets = [0, 16], sizes = [512, 1], strides = [1, 1]} : vector<512x17xf32> to vector<512x1xf32>
    %div3A_1189 = vector.broadcast %slice3A_1188 : vector<512x1xf32> to vector<512x16xf32>
    %div3A_1190 = arith.divf %slice3A_1187, %div3A_1189 : vector<512x16xf32>
    %swap3A_1191 = arith.constant 0 : index
    %swap3A_1192 = arith.constant 16 : index
    %swap3A_1193 = vector.load %arg29[%swap3A_1191, %swap3A_1192] : memref<512x128xf32, #tpu.memory_space<vmem>>, vector<512x16xf32>
    tpu.vector_store %arg29[%swap3A_1191, %swap3A_1192], %div3A_1190 {strides = array<i32>} : memref<512x128xf32, #tpu.memory_space<vmem>>, vector<512x16xf32>,
    %slice3A_1194 = vector.extract_strided_slice %convert_element_type3A_1155 {offsets = [0, 32], sizes = [512, 16], strides = [1, 1]} : vector<512x128xbf16> to vector<512x16xbf16>
    %slice3A_1195 = vector.extract_strided_slice %convert_element_type3A_1156 {offsets = [0, 32], sizes = [512, 16], strides = [1, 1]} : vector<512x128xbf16> to vector<512x16xbf16>
    %slice3A_1196 = vector.extract_strided_slice %convert_element_type3A_1157 {offsets = [0, 32], sizes = [512, 16], strides = [1, 1]} : vector<512x128xbf16> to vector<512x16xbf16>
    %concatenate3A_1197 = tpu.concatenate %slice3A_1196, %broadcast_in_dim3A_1159 in 1 : vector<512x16xbf16>, vector<512x1xbf16> -> vector<512x17xbf16>
    %dot_general3A_1198 = arith.constant dense<0.000000e+00> : vector<512x512xf32>
    %dot_general3A_1199 = tpu.matmul %slice3A_1194, %slice3A_1195, %dot_general3A_1198 {dimension_numbers = #tpu.dot_dimension_numbers<[1], [1], [0], [0], [0, 0, 1, 0], [], []>, transpose_lhs_hint = false} : vector<512x16xbf16>, vector<512x16xbf16>, vector<512x512xf32> -> vector<512x512xf32>
    %exp23A_1200 = math.exp2 %dot_general3A_1199 : vector<512x512xf32>
    %convert_element_type3A_1201 = arith.truncf %exp23A_1200 : vector<512x512xf32> to vector<512x512xbf16>
    %dot_general3A_1202 = arith.constant dense<0.000000e+00> : vector<512x17xf32>
    %dot_general3A_1203 = tpu.matmul %convert_element_type3A_1201, %concatenate3A_1197, %dot_general3A_1202 {dimension_numbers = #tpu.dot_dimension_numbers<[1], [0], [0], [1], [0, 0, 1, 1], [], []>, transpose_lhs_hint = false} : vector<512x512xbf16>, vector<512x17xbf16>, vector<512x17xf32> -> vector<512x17xf32>
    %slice3A_1204 = vector.extract_strided_slice %dot_general3A_1203 {offsets = [0, 0], sizes = [512, 16], strides = [1, 1]} : vector<512x17xf32> to vector<512x16xf32>
    %slice3A_1205 = vector.extract_strided_slice %dot_general3A_1203 {offsets = [0, 16], sizes = [512, 1], strides = [1, 1]} : vector<512x17xf32> to vector<512x1xf32>
    %div3A_1206 = vector.broadcast %slice3A_1205 : vector<512x1xf32> to vector<512x16xf32>
    %div3A_1207 = arith.divf %slice3A_1204, %div3A_1206 : vector<512x16xf32>
    %swap3A_1208 = arith.constant 0 : index
    %swap3A_1209 = arith.constant 32 : index
    %swap3A_1210 = vector.load %arg29[%swap3A_1208, %swap3A_1209] : memref<512x128xf32, #tpu.memory_space<vmem>>, vector<512x16xf32>
    tpu.vector_store %arg29[%swap3A_1208, %swap3A_1209], %div3A_1207 {strides = array<i32>} : memref<512x128xf32, #tpu.memory_space<vmem>>, vector<512x16xf32>,
    %slice3A_1211 = vector.extract_strided_slice %convert_element_type3A_1155 {offsets = [0, 48], sizes = [512, 16], strides = [1, 1]} : vector<512x128xbf16> to vector<512x16xbf16>
    %slice3A_1212 = vector.extract_strided_slice %convert_element_type3A_1156 {offsets = [0, 48], sizes = [512, 16], strides = [1, 1]} : vector<512x128xbf16> to vector<512x16xbf16>
    %slice3A_1213 = vector.extract_strided_slice %convert_element_type3A_1157 {offsets = [0, 48], sizes = [512, 16], strides = [1, 1]} : vector<512x128xbf16> to vector<512x16xbf16>
    %concatenate3A_1214 = tpu.concatenate %slice3A_1213, %broadcast_in_dim3A_1159 in 1 : vector<512x16xbf16>, vector<512x1xbf16> -> vector<512x17xbf16>
    %dot_general3A_1215 = arith.constant dense<0.000000e+00> : vector<512x512xf32>
    %dot_general3A_1216 = tpu.matmul %slice3A_1211, %slice3A_1212, %dot_general3A_1215 {dimension_numbers = #tpu.dot_dimension_numbers<[1], [1], [0], [0], [0, 0, 1, 0], [], []>, transpose_lhs_hint = false} : vector<512x16xbf16>, vector<512x16xbf16>, vector<512x512xf32> -> vector<512x512xf32>
    %exp23A_1217 = math.exp2 %dot_general3A_1216 : vector<512x512xf32>
    %convert_element_type3A_1218 = arith.truncf %exp23A_1217 : vector<512x512xf32> to vector<512x512xbf16>
    %dot_general3A_1219 = arith.constant dense<0.000000e+00> : vector<512x17xf32>
    %dot_general3A_1220 = tpu.matmul %convert_element_type3A_1218, %concatenate3A_1214, %dot_general3A_1219 {dimension_numbers = #tpu.dot_dimension_numbers<[1], [0], [0], [1], [0, 0, 1, 1], [], []>, transpose_lhs_hint = false} : vector<512x512xbf16>, vector<512x17xbf16>, vector<512x17xf32> -> vector<512x17xf32>
    %slice3A_1221 = vector.extract_strided_slice %dot_general3A_1220 {offsets = [0, 0], sizes = [512, 16], strides = [1, 1]} : vector<512x17xf32> to vector<512x16xf32>
    %slice3A_1222 = vector.extract_strided_slice %dot_general3A_1220 {offsets = [0, 16], sizes = [512, 1], strides = [1, 1]} : vector<512x17xf32> to vector<512x1xf32>
    %div3A_1223 = vector.broadcast %slice3A_1222 : vector<512x1xf32> to vector<512x16xf32>
    %div3A_1224 = arith.divf %slice3A_1221, %div3A_1223 : vector<512x16xf32>
    %swap3A_1225 = arith.constant 0 : index
    %swap3A_1226 = arith.constant 48 : index
    %swap3A_1227 = vector.load %arg29[%swap3A_1225, %swap3A_1226] : memref<512x128xf32, #tpu.memory_space<vmem>>, vector<512x16xf32>
    tpu.vector_store %arg29[%swap3A_1225, %swap3A_1226], %div3A_1224 {strides = array<i32>} : memref<512x128xf32, #tpu.memory_space<vmem>>, vector<512x16xf32>,
    %slice3A_1228 = vector.extract_strided_slice %convert_element_type3A_1155 {offsets = [0, 64], sizes = [512, 16], strides = [1, 1]} : vector<512x128xbf16> to vector<512x16xbf16>
    %slice3A_1229 = vector.extract_strided_slice %convert_element_type3A_1156 {offsets = [0, 64], sizes = [512, 16], strides = [1, 1]} : vector<512x128xbf16> to vector<512x16xbf16>
    %slice3A_1230 = vector.extract_strided_slice %convert_element_type3A_1157 {offsets = [0, 64], sizes = [512, 16], strides = [1, 1]} : vector<512x128xbf16> to vector<512x16xbf16>
    %concatenate3A_1231 = tpu.concatenate %slice3A_1230, %broadcast_in_dim3A_1159 in 1 : vector<512x16xbf16>, vector<512x1xbf16> -> vector<512x17xbf16>
    %dot_general3A_1232 = arith.constant dense<0.000000e+00> : vector<512x512xf32>
    %dot_general3A_1233 = tpu.matmul %slice3A_1228, %slice3A_1229, %dot_general3A_1232 {dimension_numbers = #tpu.dot_dimension_numbers<[1], [1], [0], [0], [0, 0, 1, 0], [], []>, transpose_lhs_hint = false} : vector<512x16xbf16>, vector<512x16xbf16>, vector<512x512xf32> -> vector<512x512xf32>
    %exp23A_1234 = math.exp2 %dot_general3A_1233 : vector<512x512xf32>
    %convert_element_type3A_1235 = arith.truncf %exp23A_1234 : vector<512x512xf32> to vector<512x512xbf16>
    %dot_general3A_1236 = arith.constant dense<0.000000e+00> : vector<512x17xf32>
    %dot_general3A_1237 = tpu.matmul %convert_element_type3A_1235, %concatenate3A_1231, %dot_general3A_1236 {dimension_numbers = #tpu.dot_dimension_numbers<[1], [0], [0], [1], [0, 0, 1, 1], [], []>, transpose_lhs_hint = false} : vector<512x512xbf16>, vector<512x17xbf16>, vector<512x17xf32> -> vector<512x17xf32>
    %slice3A_1238 = vector.extract_strided_slice %dot_general3A_1237 {offsets = [0, 0], sizes = [512, 16], strides = [1, 1]} : vector<512x17xf32> to vector<512x16xf32>
    %slice3A_1239 = vector.extract_strided_slice %dot_general3A_1237 {offsets = [0, 16], sizes = [512, 1], strides = [1, 1]} : vector<512x17xf32> to vector<512x1xf32>
    %div3A_1240 = vector.broadcast %slice3A_1239 : vector<512x1xf32> to vector<512x16xf32>
    %div3A_1241 = arith.divf %slice3A_1238, %div3A_1240 : vector<512x16xf32>
    %swap3A_1242 = arith.constant 0 : index
    %swap3A_1243 = arith.constant 64 : index
    %swap3A_1244 = vector.load %arg29[%swap3A_1242, %swap3A_1243] : memref<512x128xf32, #tpu.memory_space<vmem>>, vector<512x16xf32>
    tpu.vector_store %arg29[%swap3A_1242, %swap3A_1243], %div3A_1241 {strides = array<i32>} : memref<512x128xf32, #tpu.memory_space<vmem>>, vector<512x16xf32>,
    %slice3A_1245 = vector.extract_strided_slice %convert_element_type3A_1155 {offsets = [0, 80], sizes = [512, 16], strides = [1, 1]} : vector<512x128xbf16> to vector<512x16xbf16>
    %slice3A_1246 = vector.extract_strided_slice %convert_element_type3A_1156 {offsets = [0, 80], sizes = [512, 16], strides = [1, 1]} : vector<512x128xbf16> to vector<512x16xbf16>
    %slice3A_1247 = vector.extract_strided_slice %convert_element_type3A_1157 {offsets = [0, 80], sizes = [512, 16], strides = [1, 1]} : vector<512x128xbf16> to vector<512x16xbf16>
    %concatenate3A_1248 = tpu.concatenate %slice3A_1247, %broadcast_in_dim3A_1159 in 1 : vector<512x16xbf16>, vector<512x1xbf16> -> vector<512x17xbf16>
    %dot_general3A_1249 = arith.constant dense<0.000000e+00> : vector<512x512xf32>
    %dot_general3A_1250 = tpu.matmul %slice3A_1245, %slice3A_1246, %dot_general3A_1249 {dimension_numbers = #tpu.dot_dimension_numbers<[1], [1], [0], [0], [0, 0, 1, 0], [], []>, transpose_lhs_hint = false} : vector<512x16xbf16>, vector<512x16xbf16>, vector<512x512xf32> -> vector<512x512xf32>
    %exp23A_1251 = math.exp2 %dot_general3A_1250 : vector<512x512xf32>
    %convert_element_type3A_1252 = arith.truncf %exp23A_1251 : vector<512x512xf32> to vector<512x512xbf16>
    %dot_general3A_1253 = arith.constant dense<0.000000e+00> : vector<512x17xf32>
    %dot_general3A_1254 = tpu.matmul %convert_element_type3A_1252, %concatenate3A_1248, %dot_general3A_1253 {dimension_numbers = #tpu.dot_dimension_numbers<[1], [0], [0], [1], [0, 0, 1, 1], [], []>, transpose_lhs_hint = false} : vector<512x512xbf16>, vector<512x17xbf16>, vector<512x17xf32> -> vector<512x17xf32>
    %slice3A_1255 = vector.extract_strided_slice %dot_general3A_1254 {offsets = [0, 0], sizes = [512, 16], strides = [1, 1]} : vector<512x17xf32> to vector<512x16xf32>
    %slice3A_1256 = vector.extract_strided_slice %dot_general3A_1254 {offsets = [0, 16], sizes = [512, 1], strides = [1, 1]} : vector<512x17xf32> to vector<512x1xf32>
    %div3A_1257 = vector.broadcast %slice3A_1256 : vector<512x1xf32> to vector<512x16xf32>
    %div3A_1258 = arith.divf %slice3A_1255, %div3A_1257 : vector<512x16xf32>
    %swap3A_1259 = arith.constant 0 : index
    %swap3A_1260 = arith.constant 80 : index
    %swap3A_1261 = vector.load %arg29[%swap3A_1259, %swap3A_1260] : memref<512x128xf32, #tpu.memory_space<vmem>>, vector<512x16xf32>
    tpu.vector_store %arg29[%swap3A_1259, %swap3A_1260], %div3A_1258 {strides = array<i32>} : memref<512x128xf32, #tpu.memory_space<vmem>>, vector<512x16xf32>,
    %slice3A_1262 = vector.extract_strided_slice %convert_element_type3A_1155 {offsets = [0, 96], sizes = [512, 16], strides = [1, 1]} : vector<512x128xbf16> to vector<512x16xbf16>
    %slice3A_1263 = vector.extract_strided_slice %convert_element_type3A_1156 {offsets = [0, 96], sizes = [512, 16], strides = [1, 1]} : vector<512x128xbf16> to vector<512x16xbf16>
    %slice3A_1264 = vector.extract_strided_slice %convert_element_type3A_1157 {offsets = [0, 96], sizes = [512, 16], strides = [1, 1]} : vector<512x128xbf16> to vector<512x16xbf16>
    %concatenate3A_1265 = tpu.concatenate %slice3A_1264, %broadcast_in_dim3A_1159 in 1 : vector<512x16xbf16>, vector<512x1xbf16> -> vector<512x17xbf16>
    %dot_general3A_1266 = arith.constant dense<0.000000e+00> : vector<512x512xf32>
    %dot_general3A_1267 = tpu.matmul %slice3A_1262, %slice3A_1263, %dot_general3A_1266 {dimension_numbers = #tpu.dot_dimension_numbers<[1], [1], [0], [0], [0, 0, 1, 0], [], []>, transpose_lhs_hint = false} : vector<512x16xbf16>, vector<512x16xbf16>, vector<512x512xf32> -> vector<512x512xf32>
    %exp23A_1268 = math.exp2 %dot_general3A_1267 : vector<512x512xf32>
    %convert_element_type3A_1269 = arith.truncf %exp23A_1268 : vector<512x512xf32> to vector<512x512xbf16>
    %dot_general3A_1270 = arith.constant dense<0.000000e+00> : vector<512x17xf32>
    %dot_general3A_1271 = tpu.matmul %convert_element_type3A_1269, %concatenate3A_1265, %dot_general3A_1270 {dimension_numbers = #tpu.dot_dimension_numbers<[1], [0], [0], [1], [0, 0, 1, 1], [], []>, transpose_lhs_hint = false} : vector<512x512xbf16>, vector<512x17xbf16>, vector<512x17xf32> -> vector<512x17xf32>
    %slice3A_1272 = vector.extract_strided_slice %dot_general3A_1271 {offsets = [0, 0], sizes = [512, 16], strides = [1, 1]} : vector<512x17xf32> to vector<512x16xf32>
    %slice3A_1273 = vector.extract_strided_slice %dot_general3A_1271 {offsets = [0, 16], sizes = [512, 1], strides = [1, 1]} : vector<512x17xf32> to vector<512x1xf32>
    %div3A_1274 = vector.broadcast %slice3A_1273 : vector<512x1xf32> to vector<512x16xf32>
    %div3A_1275 = arith.divf %slice3A_1272, %div3A_1274 : vector<512x16xf32>
    %swap3A_1276 = arith.constant 0 : index
    %swap3A_1277 = arith.constant 96 : index
    %swap3A_1278 = vector.load %arg29[%swap3A_1276, %swap3A_1277] : memref<512x128xf32, #tpu.memory_space<vmem>>, vector<512x16xf32>
    tpu.vector_store %arg29[%swap3A_1276, %swap3A_1277], %div3A_1275 {strides = array<i32>} : memref<512x128xf32, #tpu.memory_space<vmem>>, vector<512x16xf32>,
    %slice3A_1279 = vector.extract_strided_slice %convert_element_type3A_1155 {offsets = [0, 112], sizes = [512, 16], strides = [1, 1]} : vector<512x128xbf16> to vector<512x16xbf16>
    %slice3A_1280 = vector.extract_strided_slice %convert_element_type3A_1156 {offsets = [0, 112], sizes = [512, 16], strides = [1, 1]} : vector<512x128xbf16> to vector<512x16xbf16>
    %slice3A_1281 = vector.extract_strided_slice %convert_element_type3A_1157 {offsets = [0, 112], sizes = [512, 16], strides = [1, 1]} : vector<512x128xbf16> to vector<512x16xbf16>
    %concatenate3A_1282 = tpu.concatenate %slice3A_1281, %broadcast_in_dim3A_1159 in 1 : vector<512x16xbf16>, vector<512x1xbf16> -> vector<512x17xbf16>
    %dot_general3A_1283 = arith.constant dense<0.000000e+00> : vector<512x512xf32>
    %dot_general3A_1284 = tpu.matmul %slice3A_1279, %slice3A_1280, %dot_general3A_1283 {dimension_numbers = #tpu.dot_dimension_numbers<[1], [1], [0], [0], [0, 0, 1, 0], [], []>, transpose_lhs_hint = false} : vector<512x16xbf16>, vector<512x16xbf16>, vector<512x512xf32> -> vector<512x512xf32>
    %exp23A_1285 = math.exp2 %dot_general3A_1284 : vector<512x512xf32>
    %convert_element_type3A_1286 = arith.truncf %exp23A_1285 : vector<512x512xf32> to vector<512x512xbf16>
    %dot_general3A_1287 = arith.constant dense<0.000000e+00> : vector<512x17xf32>
    %dot_general3A_1288 = tpu.matmul %convert_element_type3A_1286, %concatenate3A_1282, %dot_general3A_1287 {dimension_numbers = #tpu.dot_dimension_numbers<[1], [0], [0], [1], [0, 0, 1, 1], [], []>, transpose_lhs_hint = false} : vector<512x512xbf16>, vector<512x17xbf16>, vector<512x17xf32> -> vector<512x17xf32>
    %slice3A_1289 = vector.extract_strided_slice %dot_general3A_1288 {offsets = [0, 0], sizes = [512, 16], strides = [1, 1]} : vector<512x17xf32> to vector<512x16xf32>
    %slice3A_1290 = vector.extract_strided_slice %dot_general3A_1288 {offsets = [0, 16], sizes = [512, 1], strides = [1, 1]} : vector<512x17xf32> to vector<512x1xf32>
    %div3A_1291 = vector.broadcast %slice3A_1290 : vector<512x1xf32> to vector<512x16xf32>
    %div3A_1292 = arith.divf %slice3A_1289, %div3A_1291 : vector<512x16xf32>
    %swap3A_1293 = arith.constant 0 : index
    %swap3A_1294 = arith.constant 112 : index
    %swap3A_1295 = vector.load %arg29[%swap3A_1293, %swap3A_1294] : memref<512x128xf32, #tpu.memory_space<vmem>>, vector<512x16xf32>
    tpu.vector_store %arg29[%swap3A_1293, %swap3A_1294], %div3A_1292 {strides = array<i32>} : memref<512x128xf32, #tpu.memory_space<vmem>>, vector<512x16xf32>,
    %get3A_1296 = arith.constant 0 : index
    %get3A_1297 = arith.constant 0 : index
    %get3A_1298 = vector.load %arg29[%get3A_1296, %get3A_1297] : memref<512x128xf32, #tpu.memory_space<vmem>>, vector<512x128xf32>
    %get3A_1299 = arith.constant 1 : index
    %get3A_1300 = arith.constant 0 : index
    %get3A_1301 = arith.constant 0 : index
    %get3A_1302 = arith.constant 0 : index
    %get3A_1303 = vector.load %arg9[%get3A_1299, %get3A_1300, %get3A_1301, %get3A_1302] : memref<2x2x128x128xbf16, #tpu.memory_space<vmem>>, vector<1x1x128x128xbf16>
    %get3A_1304 = vector.shape_cast %get3A_1303 : vector<1x1x128x128xbf16> to vector<128x128xbf16>
    %convert_element_type3A_1305 = arith.truncf %get3A_1298 : vector<512x128xf32> to vector<512x128xbf16>
    %dot_general3A_1306 = arith.constant dense<0.000000e+00> : vector<512x128xf32>
    %dot_general3A_1307 = tpu.matmul %convert_element_type3A_1305, %get3A_1304, %dot_general3A_1306 {dimension_numbers = #tpu.dot_dimension_numbers<[1], [0], [0], [1], [0, 0, 1, 1], [], []>, transpose_lhs_hint = false} : vector<512x128xbf16>, vector<128x128xbf16>, vector<512x128xf32> -> vector<512x128xf32>
    %get3A_1308 = arith.constant 1 : index
    %get3A_1309 = arith.constant 0 : index
    %get3A_1310 = arith.constant 0 : index
    %get3A_1311 = arith.constant 0 : index
    %get3A_1312 = vector.load %arg10[%get3A_1308, %get3A_1309, %get3A_1310, %get3A_1311] : memref<2x2x1x128xf32, #tpu.memory_space<vmem>>, vector<1x1x1x128xf32>
    %get3A_1313 = vector.shape_cast %get3A_1312 : vector<1x1x1x128xf32> to vector<1x128xf32>
    %add3A_1314 = vector.broadcast %get3A_1313 : vector<1x128xf32> to vector<512x128xf32>
    %add3A_1315 = arith.addf %dot_general3A_1307, %add3A_1314 : vector<512x128xf32>
    %get3A_1316 = arith.constant 1 : index
    %get3A_1317 = arith.constant 1 : index
    %get3A_1318 = arith.constant 0 : index
    %get3A_1319 = arith.constant 0 : index
    %get3A_1320 = vector.load %arg9[%get3A_1316, %get3A_1317, %get3A_1318, %get3A_1319] : memref<2x2x128x128xbf16, #tpu.memory_space<vmem>>, vector<1x1x128x128xbf16>
    %get3A_1321 = vector.shape_cast %get3A_1320 : vector<1x1x128x128xbf16> to vector<128x128xbf16>
    %convert_element_type3A_1322 = arith.truncf %get3A_1298 : vector<512x128xf32> to vector<512x128xbf16>
    %dot_general3A_1323 = arith.constant dense<0.000000e+00> : vector<512x128xf32>
    %dot_general3A_1324 = tpu.matmul %convert_element_type3A_1322, %get3A_1321, %dot_general3A_1323 {dimension_numbers = #tpu.dot_dimension_numbers<[1], [0], [0], [1], [0, 0, 1, 1], [], []>, transpose_lhs_hint = false} : vector<512x128xbf16>, vector<128x128xbf16>, vector<512x128xf32> -> vector<512x128xf32>
    %get3A_1325 = arith.constant 1 : index
    %get3A_1326 = arith.constant 1 : index
    %get3A_1327 = arith.constant 0 : index
    %get3A_1328 = arith.constant 0 : index
    %get3A_1329 = vector.load %arg10[%get3A_1325, %get3A_1326, %get3A_1327, %get3A_1328] : memref<2x2x1x128xf32, #tpu.memory_space<vmem>>, vector<1x1x1x128xf32>
    %get3A_1330 = vector.shape_cast %get3A_1329 : vector<1x1x1x128xf32> to vector<1x128xf32>
    %add3A_1331 = vector.broadcast %get3A_1330 : vector<1x128xf32> to vector<512x128xf32>
    %add3A_1332 = arith.addf %dot_general3A_1324, %add3A_1331 : vector<512x128xf32>
    %sub3A_1333 = arith.subf %add3A_1332, %add3A_1315 : vector<512x128xf32>
    %mul3A_1334 = vector.broadcast %get3A_1 : vector<512x1xf32> to vector<512x128xf32>
    %mul3A_1335 = arith.mulf %mul3A_1334, %sub3A_1333 : vector<512x128xf32>
    %add3A_1336 = arith.addf %add3A_1315, %mul3A_1335 : vector<512x128xf32>
    %add3A_1337 = arith.addf %add3A_1106, %add3A_1336 : vector<512x128xf32>
    %get3A_1338 = arith.constant 1 : index
    %get3A_1339 = arith.constant 0 : index
    %get3A_1340 = arith.constant 0 : index
    %get3A_1341 = vector.load %arg11[%get3A_1338, %get3A_1339, %get3A_1340] : memref<2x1x128xf32, #tpu.memory_space<vmem>>, vector<1x1x128xf32>
    %get3A_1342 = vector.shape_cast %get3A_1341 : vector<1x1x128xf32> to vector<1x128xf32>
    %get3A_1343 = arith.constant 1 : index
    %get3A_1344 = arith.constant 0 : index
    %get3A_1345 = arith.constant 0 : index
    %get3A_1346 = vector.load %arg12[%get3A_1343, %get3A_1344, %get3A_1345] : memref<2x1x128xf32, #tpu.memory_space<vmem>>, vector<1x1x128xf32>
    %get3A_1347 = vector.shape_cast %get3A_1346 : vector<1x1x128xf32> to vector<1x128xf32>
    %reduce_sum3A_1348 = arith.constant dense<0.000000e+00> : vector<512xf32>
    %reduce_sum3A_1349 = vector.multi_reduction <add>, %add3A_1337, %reduce_sum3A_1348 [1] : vector<512x128xf32> to vector<512xf32>
    %broadcast_in_dim3A_1350 = vector.shape_cast %reduce_sum3A_1349 : vector<512xf32> to vector<512x1xf32>
    %div3A_1351 = arith.constant 1.280000e+02 : f32
    %div3A_1352 = vector.broadcast %div3A_1351 : f32 to vector<512x1xf32>
    %div3A_1353 = arith.divf %broadcast_in_dim3A_1350, %div3A_1352 : vector<512x1xf32>
    %sub3A_1354 = vector.broadcast %div3A_1353 : vector<512x1xf32> to vector<512x128xf32>
    %sub3A_1355 = arith.subf %add3A_1337, %sub3A_1354 : vector<512x128xf32>
    %integer_pow3A_1356 = arith.mulf %sub3A_1355, %sub3A_1355 : vector<512x128xf32>
    %reduce_sum3A_1357 = arith.constant dense<0.000000e+00> : vector<512xf32>
    %reduce_sum3A_1358 = vector.multi_reduction <add>, %integer_pow3A_1356, %reduce_sum3A_1357 [1] : vector<512x128xf32> to vector<512xf32>
    %broadcast_in_dim3A_1359 = vector.shape_cast %reduce_sum3A_1358 : vector<512xf32> to vector<512x1xf32>
    %div3A_1360 = arith.constant 1.280000e+02 : f32
    %div3A_1361 = vector.broadcast %div3A_1360 : f32 to vector<512x1xf32>
    %div3A_1362 = arith.divf %broadcast_in_dim3A_1359, %div3A_1361 : vector<512x1xf32>
    %sub3A_1363 = vector.broadcast %div3A_1353 : vector<512x1xf32> to vector<512x128xf32>
    %sub3A_1364 = arith.subf %add3A_1337, %sub3A_1363 : vector<512x128xf32>
    %add3A_1365 = arith.constant 9.99999974E-6 : f32
    %add3A_1366 = vector.broadcast %add3A_1365 : f32 to vector<512x1xf32>
    %add3A_1367 = arith.addf %div3A_1362, %add3A_1366 : vector<512x1xf32>
    %sqrt3A_1368 = math.sqrt %add3A_1367 : vector<512x1xf32>
    %div3A_1369 = vector.broadcast %sqrt3A_1368 : vector<512x1xf32> to vector<512x128xf32>
    %div3A_1370 = arith.divf %sub3A_1364, %div3A_1369 : vector<512x128xf32>
    %mul3A_1371 = vector.broadcast %get3A_1342 : vector<1x128xf32> to vector<512x128xf32>
    %mul3A_1372 = arith.mulf %div3A_1370, %mul3A_1371 : vector<512x128xf32>
    %add3A_1373 = vector.broadcast %get3A_1347 : vector<1x128xf32> to vector<512x128xf32>
    %add3A_1374 = arith.addf %mul3A_1372, %add3A_1373 : vector<512x128xf32>
    %get3A_1375 = arith.constant 0 : index
    %get3A_1376 = arith.constant 0 : index
    %get3A_1377 = vector.load %arg13[%get3A_1375, %get3A_1376] : memref<128x384xbf16, #tpu.memory_space<vmem>>, vector<128x384xbf16>
    %convert_element_type3A_1378 = arith.truncf %add3A_1374 : vector<512x128xf32> to vector<512x128xbf16>
    %dot_general3A_1379 = arith.constant dense<0.000000e+00> : vector<512x384xf32>
    %dot_general3A_1380 = tpu.matmul %convert_element_type3A_1378, %get3A_1377, %dot_general3A_1379 {dimension_numbers = #tpu.dot_dimension_numbers<[1], [0], [0], [1], [0, 0, 1, 1], [], []>, transpose_lhs_hint = false} : vector<512x128xbf16>, vector<128x384xbf16>, vector<512x384xf32> -> vector<512x384xf32>
    %get3A_1381 = arith.constant 0 : index
    %get3A_1382 = arith.constant 0 : index
    %get3A_1383 = vector.load %arg14[%get3A_1381, %get3A_1382] : memref<1x384xf32, #tpu.memory_space<vmem>>, vector<1x384xf32>
    %add3A_1384 = vector.broadcast %get3A_1383 : vector<1x384xf32> to vector<512x384xf32>
    %add3A_1385 = arith.addf %dot_general3A_1380, %add3A_1384 : vector<512x384xf32>
    %slice3A_1386 = vector.extract_strided_slice %add3A_1385 {offsets = [0, 0], sizes = [512, 128], strides = [1, 1]} : vector<512x384xf32> to vector<512x128xf32>
    %slice3A_1387 = vector.extract_strided_slice %add3A_1385 {offsets = [0, 128], sizes = [512, 128], strides = [1, 1]} : vector<512x384xf32> to vector<512x128xf32>
    %slice3A_1388 = vector.extract_strided_slice %add3A_1385 {offsets = [0, 256], sizes = [512, 128], strides = [1, 1]} : vector<512x384xf32> to vector<512x128xf32>
    %convert_element_type3A_1389 = arith.truncf %slice3A_1386 : vector<512x128xf32> to vector<512x128xbf16>
    %convert_element_type3A_1390 = arith.truncf %slice3A_1387 : vector<512x128xf32> to vector<512x128xbf16>
    %convert_element_type3A_1391 = arith.truncf %slice3A_1388 : vector<512x128xf32> to vector<512x128xbf16>
    %broadcast_in_dim3A_1392 = arith.constant 1.000000e+00 : bf16
    %broadcast_in_dim3A_1393 = vector.broadcast %broadcast_in_dim3A_1392 : bf16 to vector<512x1xbf16>
    %slice3A_1394 = vector.extract_strided_slice %convert_element_type3A_1389 {offsets = [0, 0], sizes = [512, 16], strides = [1, 1]} : vector<512x128xbf16> to vector<512x16xbf16>
    %slice3A_1395 = vector.extract_strided_slice %convert_element_type3A_1390 {offsets = [0, 0], sizes = [512, 16], strides = [1, 1]} : vector<512x128xbf16> to vector<512x16xbf16>
    %slice3A_1396 = vector.extract_strided_slice %convert_element_type3A_1391 {offsets = [0, 0], sizes = [512, 16], strides = [1, 1]} : vector<512x128xbf16> to vector<512x16xbf16>
    %concatenate3A_1397 = tpu.concatenate %slice3A_1396, %broadcast_in_dim3A_1393 in 1 : vector<512x16xbf16>, vector<512x1xbf16> -> vector<512x17xbf16>
    %dot_general3A_1398 = arith.constant dense<0.000000e+00> : vector<512x512xf32>
    %dot_general3A_1399 = tpu.matmul %slice3A_1394, %slice3A_1395, %dot_general3A_1398 {dimension_numbers = #tpu.dot_dimension_numbers<[1], [1], [0], [0], [0, 0, 1, 0], [], []>, transpose_lhs_hint = false} : vector<512x16xbf16>, vector<512x16xbf16>, vector<512x512xf32> -> vector<512x512xf32>
    %exp23A_1400 = math.exp2 %dot_general3A_1399 : vector<512x512xf32>
    %convert_element_type3A_1401 = arith.truncf %exp23A_1400 : vector<512x512xf32> to vector<512x512xbf16>
    %dot_general3A_1402 = arith.constant dense<0.000000e+00> : vector<512x17xf32>
    %dot_general3A_1403 = tpu.matmul %convert_element_type3A_1401, %concatenate3A_1397, %dot_general3A_1402 {dimension_numbers = #tpu.dot_dimension_numbers<[1], [0], [0], [1], [0, 0, 1, 1], [], []>, transpose_lhs_hint = false} : vector<512x512xbf16>, vector<512x17xbf16>, vector<512x17xf32> -> vector<512x17xf32>
    %slice3A_1404 = vector.extract_strided_slice %dot_general3A_1403 {offsets = [0, 0], sizes = [512, 16], strides = [1, 1]} : vector<512x17xf32> to vector<512x16xf32>
    %slice3A_1405 = vector.extract_strided_slice %dot_general3A_1403 {offsets = [0, 16], sizes = [512, 1], strides = [1, 1]} : vector<512x17xf32> to vector<512x1xf32>
    %div3A_1406 = vector.broadcast %slice3A_1405 : vector<512x1xf32> to vector<512x16xf32>
    %div3A_1407 = arith.divf %slice3A_1404, %div3A_1406 : vector<512x16xf32>
    %swap3A_1408 = arith.constant 0 : index
    %swap3A_1409 = arith.constant 0 : index
    %swap3A_1410 = vector.load %arg29[%swap3A_1408, %swap3A_1409] : memref<512x128xf32, #tpu.memory_space<vmem>>, vector<512x16xf32>
    tpu.vector_store %arg29[%swap3A_1408, %swap3A_1409], %div3A_1407 {strides = array<i32>} : memref<512x128xf32, #tpu.memory_space<vmem>>, vector<512x16xf32>,
    %slice3A_1411 = vector.extract_strided_slice %convert_element_type3A_1389 {offsets = [0, 16], sizes = [512, 16], strides = [1, 1]} : vector<512x128xbf16> to vector<512x16xbf16>
    %slice3A_1412 = vector.extract_strided_slice %convert_element_type3A_1390 {offsets = [0, 16], sizes = [512, 16], strides = [1, 1]} : vector<512x128xbf16> to vector<512x16xbf16>
    %slice3A_1413 = vector.extract_strided_slice %convert_element_type3A_1391 {offsets = [0, 16], sizes = [512, 16], strides = [1, 1]} : vector<512x128xbf16> to vector<512x16xbf16>
    %concatenate3A_1414 = tpu.concatenate %slice3A_1413, %broadcast_in_dim3A_1393 in 1 : vector<512x16xbf16>, vector<512x1xbf16> -> vector<512x17xbf16>
    %dot_general3A_1415 = arith.constant dense<0.000000e+00> : vector<512x512xf32>
    %dot_general3A_1416 = tpu.matmul %slice3A_1411, %slice3A_1412, %dot_general3A_1415 {dimension_numbers = #tpu.dot_dimension_numbers<[1], [1], [0], [0], [0, 0, 1, 0], [], []>, transpose_lhs_hint = false} : vector<512x16xbf16>, vector<512x16xbf16>, vector<512x512xf32> -> vector<512x512xf32>
    %exp23A_1417 = math.exp2 %dot_general3A_1416 : vector<512x512xf32>
    %convert_element_type3A_1418 = arith.truncf %exp23A_1417 : vector<512x512xf32> to vector<512x512xbf16>
    %dot_general3A_1419 = arith.constant dense<0.000000e+00> : vector<512x17xf32>
    %dot_general3A_1420 = tpu.matmul %convert_element_type3A_1418, %concatenate3A_1414, %dot_general3A_1419 {dimension_numbers = #tpu.dot_dimension_numbers<[1], [0], [0], [1], [0, 0, 1, 1], [], []>, transpose_lhs_hint = false} : vector<512x512xbf16>, vector<512x17xbf16>, vector<512x17xf32> -> vector<512x17xf32>
    %slice3A_1421 = vector.extract_strided_slice %dot_general3A_1420 {offsets = [0, 0], sizes = [512, 16], strides = [1, 1]} : vector<512x17xf32> to vector<512x16xf32>
    %slice3A_1422 = vector.extract_strided_slice %dot_general3A_1420 {offsets = [0, 16], sizes = [512, 1], strides = [1, 1]} : vector<512x17xf32> to vector<512x1xf32>
    %div3A_1423 = vector.broadcast %slice3A_1422 : vector<512x1xf32> to vector<512x16xf32>
    %div3A_1424 = arith.divf %slice3A_1421, %div3A_1423 : vector<512x16xf32>
    %swap3A_1425 = arith.constant 0 : index
    %swap3A_1426 = arith.constant 16 : index
    %swap3A_1427 = vector.load %arg29[%swap3A_1425, %swap3A_1426] : memref<512x128xf32, #tpu.memory_space<vmem>>, vector<512x16xf32>
    tpu.vector_store %arg29[%swap3A_1425, %swap3A_1426], %div3A_1424 {strides = array<i32>} : memref<512x128xf32, #tpu.memory_space<vmem>>, vector<512x16xf32>,
    %slice3A_1428 = vector.extract_strided_slice %convert_element_type3A_1389 {offsets = [0, 32], sizes = [512, 16], strides = [1, 1]} : vector<512x128xbf16> to vector<512x16xbf16>
    %slice3A_1429 = vector.extract_strided_slice %convert_element_type3A_1390 {offsets = [0, 32], sizes = [512, 16], strides = [1, 1]} : vector<512x128xbf16> to vector<512x16xbf16>
    %slice3A_1430 = vector.extract_strided_slice %convert_element_type3A_1391 {offsets = [0, 32], sizes = [512, 16], strides = [1, 1]} : vector<512x128xbf16> to vector<512x16xbf16>
    %concatenate3A_1431 = tpu.concatenate %slice3A_1430, %broadcast_in_dim3A_1393 in 1 : vector<512x16xbf16>, vector<512x1xbf16> -> vector<512x17xbf16>
    %dot_general3A_1432 = arith.constant dense<0.000000e+00> : vector<512x512xf32>
    %dot_general3A_1433 = tpu.matmul %slice3A_1428, %slice3A_1429, %dot_general3A_1432 {dimension_numbers = #tpu.dot_dimension_numbers<[1], [1], [0], [0], [0, 0, 1, 0], [], []>, transpose_lhs_hint = false} : vector<512x16xbf16>, vector<512x16xbf16>, vector<512x512xf32> -> vector<512x512xf32>
    %exp23A_1434 = math.exp2 %dot_general3A_1433 : vector<512x512xf32>
    %convert_element_type3A_1435 = arith.truncf %exp23A_1434 : vector<512x512xf32> to vector<512x512xbf16>
    %dot_general3A_1436 = arith.constant dense<0.000000e+00> : vector<512x17xf32>
    %dot_general3A_1437 = tpu.matmul %convert_element_type3A_1435, %concatenate3A_1431, %dot_general3A_1436 {dimension_numbers = #tpu.dot_dimension_numbers<[1], [0], [0], [1], [0, 0, 1, 1], [], []>, transpose_lhs_hint = false} : vector<512x512xbf16>, vector<512x17xbf16>, vector<512x17xf32> -> vector<512x17xf32>
    %slice3A_1438 = vector.extract_strided_slice %dot_general3A_1437 {offsets = [0, 0], sizes = [512, 16], strides = [1, 1]} : vector<512x17xf32> to vector<512x16xf32>
    %slice3A_1439 = vector.extract_strided_slice %dot_general3A_1437 {offsets = [0, 16], sizes = [512, 1], strides = [1, 1]} : vector<512x17xf32> to vector<512x1xf32>
    %div3A_1440 = vector.broadcast %slice3A_1439 : vector<512x1xf32> to vector<512x16xf32>
    %div3A_1441 = arith.divf %slice3A_1438, %div3A_1440 : vector<512x16xf32>
    %swap3A_1442 = arith.constant 0 : index
    %swap3A_1443 = arith.constant 32 : index
    %swap3A_1444 = vector.load %arg29[%swap3A_1442, %swap3A_1443] : memref<512x128xf32, #tpu.memory_space<vmem>>, vector<512x16xf32>
    tpu.vector_store %arg29[%swap3A_1442, %swap3A_1443], %div3A_1441 {strides = array<i32>} : memref<512x128xf32, #tpu.memory_space<vmem>>, vector<512x16xf32>,
    %slice3A_1445 = vector.extract_strided_slice %convert_element_type3A_1389 {offsets = [0, 48], sizes = [512, 16], strides = [1, 1]} : vector<512x128xbf16> to vector<512x16xbf16>
    %slice3A_1446 = vector.extract_strided_slice %convert_element_type3A_1390 {offsets = [0, 48], sizes = [512, 16], strides = [1, 1]} : vector<512x128xbf16> to vector<512x16xbf16>
    %slice3A_1447 = vector.extract_strided_slice %convert_element_type3A_1391 {offsets = [0, 48], sizes = [512, 16], strides = [1, 1]} : vector<512x128xbf16> to vector<512x16xbf16>
    %concatenate3A_1448 = tpu.concatenate %slice3A_1447, %broadcast_in_dim3A_1393 in 1 : vector<512x16xbf16>, vector<512x1xbf16> -> vector<512x17xbf16>
    %dot_general3A_1449 = arith.constant dense<0.000000e+00> : vector<512x512xf32>
    %dot_general3A_1450 = tpu.matmul %slice3A_1445, %slice3A_1446, %dot_general3A_1449 {dimension_numbers = #tpu.dot_dimension_numbers<[1], [1], [0], [0], [0, 0, 1, 0], [], []>, transpose_lhs_hint = false} : vector<512x16xbf16>, vector<512x16xbf16>, vector<512x512xf32> -> vector<512x512xf32>
    %exp23A_1451 = math.exp2 %dot_general3A_1450 : vector<512x512xf32>
    %convert_element_type3A_1452 = arith.truncf %exp23A_1451 : vector<512x512xf32> to vector<512x512xbf16>
    %dot_general3A_1453 = arith.constant dense<0.000000e+00> : vector<512x17xf32>
    %dot_general3A_1454 = tpu.matmul %convert_element_type3A_1452, %concatenate3A_1448, %dot_general3A_1453 {dimension_numbers = #tpu.dot_dimension_numbers<[1], [0], [0], [1], [0, 0, 1, 1], [], []>, transpose_lhs_hint = false} : vector<512x512xbf16>, vector<512x17xbf16>, vector<512x17xf32> -> vector<512x17xf32>
    %slice3A_1455 = vector.extract_strided_slice %dot_general3A_1454 {offsets = [0, 0], sizes = [512, 16], strides = [1, 1]} : vector<512x17xf32> to vector<512x16xf32>
    %slice3A_1456 = vector.extract_strided_slice %dot_general3A_1454 {offsets = [0, 16], sizes = [512, 1], strides = [1, 1]} : vector<512x17xf32> to vector<512x1xf32>
    %div3A_1457 = vector.broadcast %slice3A_1456 : vector<512x1xf32> to vector<512x16xf32>
    %div3A_1458 = arith.divf %slice3A_1455, %div3A_1457 : vector<512x16xf32>
    %swap3A_1459 = arith.constant 0 : index
    %swap3A_1460 = arith.constant 48 : index
    %swap3A_1461 = vector.load %arg29[%swap3A_1459, %swap3A_1460] : memref<512x128xf32, #tpu.memory_space<vmem>>, vector<512x16xf32>
    tpu.vector_store %arg29[%swap3A_1459, %swap3A_1460], %div3A_1458 {strides = array<i32>} : memref<512x128xf32, #tpu.memory_space<vmem>>, vector<512x16xf32>,
    %slice3A_1462 = vector.extract_strided_slice %convert_element_type3A_1389 {offsets = [0, 64], sizes = [512, 16], strides = [1, 1]} : vector<512x128xbf16> to vector<512x16xbf16>
    %slice3A_1463 = vector.extract_strided_slice %convert_element_type3A_1390 {offsets = [0, 64], sizes = [512, 16], strides = [1, 1]} : vector<512x128xbf16> to vector<512x16xbf16>
    %slice3A_1464 = vector.extract_strided_slice %convert_element_type3A_1391 {offsets = [0, 64], sizes = [512, 16], strides = [1, 1]} : vector<512x128xbf16> to vector<512x16xbf16>
    %concatenate3A_1465 = tpu.concatenate %slice3A_1464, %broadcast_in_dim3A_1393 in 1 : vector<512x16xbf16>, vector<512x1xbf16> -> vector<512x17xbf16>
    %dot_general3A_1466 = arith.constant dense<0.000000e+00> : vector<512x512xf32>
    %dot_general3A_1467 = tpu.matmul %slice3A_1462, %slice3A_1463, %dot_general3A_1466 {dimension_numbers = #tpu.dot_dimension_numbers<[1], [1], [0], [0], [0, 0, 1, 0], [], []>, transpose_lhs_hint = false} : vector<512x16xbf16>, vector<512x16xbf16>, vector<512x512xf32> -> vector<512x512xf32>
    %exp23A_1468 = math.exp2 %dot_general3A_1467 : vector<512x512xf32>
    %convert_element_type3A_1469 = arith.truncf %exp23A_1468 : vector<512x512xf32> to vector<512x512xbf16>
    %dot_general3A_1470 = arith.constant dense<0.000000e+00> : vector<512x17xf32>
    %dot_general3A_1471 = tpu.matmul %convert_element_type3A_1469, %concatenate3A_1465, %dot_general3A_1470 {dimension_numbers = #tpu.dot_dimension_numbers<[1], [0], [0], [1], [0, 0, 1, 1], [], []>, transpose_lhs_hint = false} : vector<512x512xbf16>, vector<512x17xbf16>, vector<512x17xf32> -> vector<512x17xf32>
    %slice3A_1472 = vector.extract_strided_slice %dot_general3A_1471 {offsets = [0, 0], sizes = [512, 16], strides = [1, 1]} : vector<512x17xf32> to vector<512x16xf32>
    %slice3A_1473 = vector.extract_strided_slice %dot_general3A_1471 {offsets = [0, 16], sizes = [512, 1], strides = [1, 1]} : vector<512x17xf32> to vector<512x1xf32>
    %div3A_1474 = vector.broadcast %slice3A_1473 : vector<512x1xf32> to vector<512x16xf32>
    %div3A_1475 = arith.divf %slice3A_1472, %div3A_1474 : vector<512x16xf32>
    %swap3A_1476 = arith.constant 0 : index
    %swap3A_1477 = arith.constant 64 : index
    %swap3A_1478 = vector.load %arg29[%swap3A_1476, %swap3A_1477] : memref<512x128xf32, #tpu.memory_space<vmem>>, vector<512x16xf32>
    tpu.vector_store %arg29[%swap3A_1476, %swap3A_1477], %div3A_1475 {strides = array<i32>} : memref<512x128xf32, #tpu.memory_space<vmem>>, vector<512x16xf32>,
    %slice3A_1479 = vector.extract_strided_slice %convert_element_type3A_1389 {offsets = [0, 80], sizes = [512, 16], strides = [1, 1]} : vector<512x128xbf16> to vector<512x16xbf16>
    %slice3A_1480 = vector.extract_strided_slice %convert_element_type3A_1390 {offsets = [0, 80], sizes = [512, 16], strides = [1, 1]} : vector<512x128xbf16> to vector<512x16xbf16>
    %slice3A_1481 = vector.extract_strided_slice %convert_element_type3A_1391 {offsets = [0, 80], sizes = [512, 16], strides = [1, 1]} : vector<512x128xbf16> to vector<512x16xbf16>
    %concatenate3A_1482 = tpu.concatenate %slice3A_1481, %broadcast_in_dim3A_1393 in 1 : vector<512x16xbf16>, vector<512x1xbf16> -> vector<512x17xbf16>
    %dot_general3A_1483 = arith.constant dense<0.000000e+00> : vector<512x512xf32>
    %dot_general3A_1484 = tpu.matmul %slice3A_1479, %slice3A_1480, %dot_general3A_1483 {dimension_numbers = #tpu.dot_dimension_numbers<[1], [1], [0], [0], [0, 0, 1, 0], [], []>, transpose_lhs_hint = false} : vector<512x16xbf16>, vector<512x16xbf16>, vector<512x512xf32> -> vector<512x512xf32>
    %exp23A_1485 = math.exp2 %dot_general3A_1484 : vector<512x512xf32>
    %convert_element_type3A_1486 = arith.truncf %exp23A_1485 : vector<512x512xf32> to vector<512x512xbf16>
    %dot_general3A_1487 = arith.constant dense<0.000000e+00> : vector<512x17xf32>
    %dot_general3A_1488 = tpu.matmul %convert_element_type3A_1486, %concatenate3A_1482, %dot_general3A_1487 {dimension_numbers = #tpu.dot_dimension_numbers<[1], [0], [0], [1], [0, 0, 1, 1], [], []>, transpose_lhs_hint = false} : vector<512x512xbf16>, vector<512x17xbf16>, vector<512x17xf32> -> vector<512x17xf32>
    %slice3A_1489 = vector.extract_strided_slice %dot_general3A_1488 {offsets = [0, 0], sizes = [512, 16], strides = [1, 1]} : vector<512x17xf32> to vector<512x16xf32>
    %slice3A_1490 = vector.extract_strided_slice %dot_general3A_1488 {offsets = [0, 16], sizes = [512, 1], strides = [1, 1]} : vector<512x17xf32> to vector<512x1xf32>
    %div3A_1491 = vector.broadcast %slice3A_1490 : vector<512x1xf32> to vector<512x16xf32>
    %div3A_1492 = arith.divf %slice3A_1489, %div3A_1491 : vector<512x16xf32>
    %swap3A_1493 = arith.constant 0 : index
    %swap3A_1494 = arith.constant 80 : index
    %swap3A_1495 = vector.load %arg29[%swap3A_1493, %swap3A_1494] : memref<512x128xf32, #tpu.memory_space<vmem>>, vector<512x16xf32>
    tpu.vector_store %arg29[%swap3A_1493, %swap3A_1494], %div3A_1492 {strides = array<i32>} : memref<512x128xf32, #tpu.memory_space<vmem>>, vector<512x16xf32>,
    %slice3A_1496 = vector.extract_strided_slice %convert_element_type3A_1389 {offsets = [0, 96], sizes = [512, 16], strides = [1, 1]} : vector<512x128xbf16> to vector<512x16xbf16>
    %slice3A_1497 = vector.extract_strided_slice %convert_element_type3A_1390 {offsets = [0, 96], sizes = [512, 16], strides = [1, 1]} : vector<512x128xbf16> to vector<512x16xbf16>
    %slice3A_1498 = vector.extract_strided_slice %convert_element_type3A_1391 {offsets = [0, 96], sizes = [512, 16], strides = [1, 1]} : vector<512x128xbf16> to vector<512x16xbf16>
    %concatenate3A_1499 = tpu.concatenate %slice3A_1498, %broadcast_in_dim3A_1393 in 1 : vector<512x16xbf16>, vector<512x1xbf16> -> vector<512x17xbf16>
    %dot_general3A_1500 = arith.constant dense<0.000000e+00> : vector<512x512xf32>
    %dot_general3A_1501 = tpu.matmul %slice3A_1496, %slice3A_1497, %dot_general3A_1500 {dimension_numbers = #tpu.dot_dimension_numbers<[1], [1], [0], [0], [0, 0, 1, 0], [], []>, transpose_lhs_hint = false} : vector<512x16xbf16>, vector<512x16xbf16>, vector<512x512xf32> -> vector<512x512xf32>
    %exp23A_1502 = math.exp2 %dot_general3A_1501 : vector<512x512xf32>
    %convert_element_type3A_1503 = arith.truncf %exp23A_1502 : vector<512x512xf32> to vector<512x512xbf16>
    %dot_general3A_1504 = arith.constant dense<0.000000e+00> : vector<512x17xf32>
    %dot_general3A_1505 = tpu.matmul %convert_element_type3A_1503, %concatenate3A_1499, %dot_general3A_1504 {dimension_numbers = #tpu.dot_dimension_numbers<[1], [0], [0], [1], [0, 0, 1, 1], [], []>, transpose_lhs_hint = false} : vector<512x512xbf16>, vector<512x17xbf16>, vector<512x17xf32> -> vector<512x17xf32>
    %slice3A_1506 = vector.extract_strided_slice %dot_general3A_1505 {offsets = [0, 0], sizes = [512, 16], strides = [1, 1]} : vector<512x17xf32> to vector<512x16xf32>
    %slice3A_1507 = vector.extract_strided_slice %dot_general3A_1505 {offsets = [0, 16], sizes = [512, 1], strides = [1, 1]} : vector<512x17xf32> to vector<512x1xf32>
    %div3A_1508 = vector.broadcast %slice3A_1507 : vector<512x1xf32> to vector<512x16xf32>
    %div3A_1509 = arith.divf %slice3A_1506, %div3A_1508 : vector<512x16xf32>
    %swap3A_1510 = arith.constant 0 : index
    %swap3A_1511 = arith.constant 96 : index
    %swap3A_1512 = vector.load %arg29[%swap3A_1510, %swap3A_1511] : memref<512x128xf32, #tpu.memory_space<vmem>>, vector<512x16xf32>
    tpu.vector_store %arg29[%swap3A_1510, %swap3A_1511], %div3A_1509 {strides = array<i32>} : memref<512x128xf32, #tpu.memory_space<vmem>>, vector<512x16xf32>,
    %slice3A_1513 = vector.extract_strided_slice %convert_element_type3A_1389 {offsets = [0, 112], sizes = [512, 16], strides = [1, 1]} : vector<512x128xbf16> to vector<512x16xbf16>
    %slice3A_1514 = vector.extract_strided_slice %convert_element_type3A_1390 {offsets = [0, 112], sizes = [512, 16], strides = [1, 1]} : vector<512x128xbf16> to vector<512x16xbf16>
    %slice3A_1515 = vector.extract_strided_slice %convert_element_type3A_1391 {offsets = [0, 112], sizes = [512, 16], strides = [1, 1]} : vector<512x128xbf16> to vector<512x16xbf16>
    %concatenate3A_1516 = tpu.concatenate %slice3A_1515, %broadcast_in_dim3A_1393 in 1 : vector<512x16xbf16>, vector<512x1xbf16> -> vector<512x17xbf16>
    %dot_general3A_1517 = arith.constant dense<0.000000e+00> : vector<512x512xf32>
    %dot_general3A_1518 = tpu.matmul %slice3A_1513, %slice3A_1514, %dot_general3A_1517 {dimension_numbers = #tpu.dot_dimension_numbers<[1], [1], [0], [0], [0, 0, 1, 0], [], []>, transpose_lhs_hint = false} : vector<512x16xbf16>, vector<512x16xbf16>, vector<512x512xf32> -> vector<512x512xf32>
    %exp23A_1519 = math.exp2 %dot_general3A_1518 : vector<512x512xf32>
    %convert_element_type3A_1520 = arith.truncf %exp23A_1519 : vector<512x512xf32> to vector<512x512xbf16>
    %dot_general3A_1521 = arith.constant dense<0.000000e+00> : vector<512x17xf32>
    %dot_general3A_1522 = tpu.matmul %convert_element_type3A_1520, %concatenate3A_1516, %dot_general3A_1521 {dimension_numbers = #tpu.dot_dimension_numbers<[1], [0], [0], [1], [0, 0, 1, 1], [], []>, transpose_lhs_hint = false} : vector<512x512xbf16>, vector<512x17xbf16>, vector<512x17xf32> -> vector<512x17xf32>
    %slice3A_1523 = vector.extract_strided_slice %dot_general3A_1522 {offsets = [0, 0], sizes = [512, 16], strides = [1, 1]} : vector<512x17xf32> to vector<512x16xf32>
    %slice3A_1524 = vector.extract_strided_slice %dot_general3A_1522 {offsets = [0, 16], sizes = [512, 1], strides = [1, 1]} : vector<512x17xf32> to vector<512x1xf32>
    %div3A_1525 = vector.broadcast %slice3A_1524 : vector<512x1xf32> to vector<512x16xf32>
    %div3A_1526 = arith.divf %slice3A_1523, %div3A_1525 : vector<512x16xf32>
    %swap3A_1527 = arith.constant 0 : index
    %swap3A_1528 = arith.constant 112 : index
    %swap3A_1529 = vector.load %arg29[%swap3A_1527, %swap3A_1528] : memref<512x128xf32, #tpu.memory_space<vmem>>, vector<512x16xf32>
    tpu.vector_store %arg29[%swap3A_1527, %swap3A_1528], %div3A_1526 {strides = array<i32>} : memref<512x128xf32, #tpu.memory_space<vmem>>, vector<512x16xf32>,
    %get3A_1530 = arith.constant 0 : index
    %get3A_1531 = arith.constant 0 : index
    %get3A_1532 = vector.load %arg29[%get3A_1530, %get3A_1531] : memref<512x128xf32, #tpu.memory_space<vmem>>, vector<512x128xf32>
    %get3A_1533 = arith.constant 0 : index
    %get3A_1534 = arith.constant 0 : index
    %get3A_1535 = vector.load %arg15[%get3A_1533, %get3A_1534] : memref<128x128xbf16, #tpu.memory_space<vmem>>, vector<128x128xbf16>
    %convert_element_type3A_1536 = arith.truncf %get3A_1532 : vector<512x128xf32> to vector<512x128xbf16>
    %dot_general3A_1537 = arith.constant dense<0.000000e+00> : vector<512x128xf32>
    %dot_general3A_1538 = tpu.matmul %convert_element_type3A_1536, %get3A_1535, %dot_general3A_1537 {dimension_numbers = #tpu.dot_dimension_numbers<[1], [0], [0], [1], [0, 0, 1, 1], [], []>, transpose_lhs_hint = false} : vector<512x128xbf16>, vector<128x128xbf16>, vector<512x128xf32> -> vector<512x128xf32>
    %get3A_1539 = arith.constant 0 : index
    %get3A_1540 = arith.constant 0 : index
    %get3A_1541 = vector.load %arg16[%get3A_1539, %get3A_1540] : memref<1x128xf32, #tpu.memory_space<vmem>>, vector<1x128xf32>
    %add3A_1542 = vector.broadcast %get3A_1541 : vector<1x128xf32> to vector<512x128xf32>
    %add3A_1543 = arith.addf %dot_general3A_1538, %add3A_1542 : vector<512x128xf32>
    %add3A_1544 = arith.addf %add3A_1374, %add3A_1543 : vector<512x128xf32>
    %get3A_1545 = arith.constant 0 : index
    %get3A_1546 = arith.constant 0 : index
    %get3A_1547 = vector.load %arg17[%get3A_1545, %get3A_1546] : memref<1x128xf32, #tpu.memory_space<vmem>>, vector<1x128xf32>
    %get3A_1548 = arith.constant 0 : index
    %get3A_1549 = arith.constant 0 : index
    %get3A_1550 = vector.load %arg18[%get3A_1548, %get3A_1549] : memref<1x128xf32, #tpu.memory_space<vmem>>, vector<1x128xf32>
    %reduce_sum3A_1551 = arith.constant dense<0.000000e+00> : vector<512xf32>
    %reduce_sum3A_1552 = vector.multi_reduction <add>, %add3A_1544, %reduce_sum3A_1551 [1] : vector<512x128xf32> to vector<512xf32>
    %broadcast_in_dim3A_1553 = vector.shape_cast %reduce_sum3A_1552 : vector<512xf32> to vector<512x1xf32>
    %div3A_1554 = arith.constant 1.280000e+02 : f32
    %div3A_1555 = vector.broadcast %div3A_1554 : f32 to vector<512x1xf32>
    %div3A_1556 = arith.divf %broadcast_in_dim3A_1553, %div3A_1555 : vector<512x1xf32>
    %sub3A_1557 = vector.broadcast %div3A_1556 : vector<512x1xf32> to vector<512x128xf32>
    %sub3A_1558 = arith.subf %add3A_1544, %sub3A_1557 : vector<512x128xf32>
    %integer_pow3A_1559 = arith.mulf %sub3A_1558, %sub3A_1558 : vector<512x128xf32>
    %reduce_sum3A_1560 = arith.constant dense<0.000000e+00> : vector<512xf32>
    %reduce_sum3A_1561 = vector.multi_reduction <add>, %integer_pow3A_1559, %reduce_sum3A_1560 [1] : vector<512x128xf32> to vector<512xf32>
    %broadcast_in_dim3A_1562 = vector.shape_cast %reduce_sum3A_1561 : vector<512xf32> to vector<512x1xf32>
    %div3A_1563 = arith.constant 1.280000e+02 : f32
    %div3A_1564 = vector.broadcast %div3A_1563 : f32 to vector<512x1xf32>
    %div3A_1565 = arith.divf %broadcast_in_dim3A_1562, %div3A_1564 : vector<512x1xf32>
    %sub3A_1566 = vector.broadcast %div3A_1556 : vector<512x1xf32> to vector<512x128xf32>
    %sub3A_1567 = arith.subf %add3A_1544, %sub3A_1566 : vector<512x128xf32>
    %add3A_1568 = arith.constant 9.99999974E-6 : f32
    %add3A_1569 = vector.broadcast %add3A_1568 : f32 to vector<512x1xf32>
    %add3A_1570 = arith.addf %div3A_1565, %add3A_1569 : vector<512x1xf32>
    %sqrt3A_1571 = math.sqrt %add3A_1570 : vector<512x1xf32>
    %div3A_1572 = vector.broadcast %sqrt3A_1571 : vector<512x1xf32> to vector<512x128xf32>
    %div3A_1573 = arith.divf %sub3A_1567, %div3A_1572 : vector<512x128xf32>
    %mul3A_1574 = vector.broadcast %get3A_1547 : vector<1x128xf32> to vector<512x128xf32>
    %mul3A_1575 = arith.mulf %div3A_1573, %mul3A_1574 : vector<512x128xf32>
    %add3A_1576 = vector.broadcast %get3A_1550 : vector<1x128xf32> to vector<512x128xf32>
    %add3A_1577 = arith.addf %mul3A_1575, %add3A_1576 : vector<512x128xf32>
    %get3A_1578 = arith.constant 0 : index
    %get3A_1579 = arith.constant 0 : index
    %get3A_1580 = vector.load %arg19[%get3A_1578, %get3A_1579] : memref<128x2048xbf16, #tpu.memory_space<vmem>>, vector<128x2048xbf16>
    %convert_element_type3A_1581 = arith.truncf %add3A_1577 : vector<512x128xf32> to vector<512x128xbf16>
    %dot_general3A_1582 = arith.constant dense<0.000000e+00> : vector<512x2048xf32>
    %dot_general3A_1583 = tpu.matmul %convert_element_type3A_1581, %get3A_1580, %dot_general3A_1582 {dimension_numbers = #tpu.dot_dimension_numbers<[1], [0], [0], [1], [0, 0, 1, 1], [], []>, transpose_lhs_hint = false} : vector<512x128xbf16>, vector<128x2048xbf16>, vector<512x2048xf32> -> vector<512x2048xf32>
    %get3A_1584 = arith.constant 0 : index
    %get3A_1585 = arith.constant 0 : index
    %get3A_1586 = vector.load %arg20[%get3A_1584, %get3A_1585] : memref<1x2048xf32, #tpu.memory_space<vmem>>, vector<1x2048xf32>
    %add3A_1587 = vector.broadcast %get3A_1586 : vector<1x2048xf32> to vector<512x2048xf32>
    %add3A_1588 = arith.addf %dot_general3A_1583, %add3A_1587 : vector<512x2048xf32>
    %max3A_1589 = arith.constant 0.000000e+00 : f32
    %max3A_1590 = vector.broadcast %max3A_1589 : f32 to vector<512x2048xf32>
    %max3A_1591 = arith.maximumf %add3A_1588, %max3A_1590 : vector<512x2048xf32>
    %get3A_1592 = arith.constant 0 : index
    %get3A_1593 = arith.constant 0 : index
    %get3A_1594 = vector.load %arg21[%get3A_1592, %get3A_1593] : memref<2048x128xbf16, #tpu.memory_space<vmem>>, vector<2048x128xbf16>
    %convert_element_type3A_1595 = arith.truncf %max3A_1591 : vector<512x2048xf32> to vector<512x2048xbf16>
    %dot_general3A_1596 = arith.constant dense<0.000000e+00> : vector<512x128xf32>
    %dot_general3A_1597 = tpu.matmul %convert_element_type3A_1595, %get3A_1594, %dot_general3A_1596 {dimension_numbers = #tpu.dot_dimension_numbers<[1], [0], [0], [1], [0, 0, 1, 1], [], []>, transpose_lhs_hint = false} : vector<512x2048xbf16>, vector<2048x128xbf16>, vector<512x128xf32> -> vector<512x128xf32>
    %get3A_1598 = arith.constant 0 : index
    %get3A_1599 = arith.constant 0 : index
    %get3A_1600 = vector.load %arg22[%get3A_1598, %get3A_1599] : memref<1x128xf32, #tpu.memory_space<vmem>>, vector<1x128xf32>
    %add3A_1601 = vector.broadcast %get3A_1600 : vector<1x128xf32> to vector<512x128xf32>
    %add3A_1602 = arith.addf %dot_general3A_1597, %add3A_1601 : vector<512x128xf32>
    %add3A_1603 = arith.addf %add3A_1577, %add3A_1602 : vector<512x128xf32>
    %get3A_1604 = arith.constant 0 : index
    %get3A_1605 = arith.constant 0 : index
    %get3A_1606 = vector.load %arg23[%get3A_1604, %get3A_1605] : memref<1x128xf32, #tpu.memory_space<vmem>>, vector<1x128xf32>
    %get3A_1607 = arith.constant 0 : index
    %get3A_1608 = arith.constant 0 : index
    %get3A_1609 = vector.load %arg24[%get3A_1607, %get3A_1608] : memref<1x128xf32, #tpu.memory_space<vmem>>, vector<1x128xf32>
    %reduce_sum3A_1610 = arith.constant dense<0.000000e+00> : vector<512xf32>
    %reduce_sum3A_1611 = vector.multi_reduction <add>, %add3A_1603, %reduce_sum3A_1610 [1] : vector<512x128xf32> to vector<512xf32>
    %broadcast_in_dim3A_1612 = vector.shape_cast %reduce_sum3A_1611 : vector<512xf32> to vector<512x1xf32>
    %div3A_1613 = arith.constant 1.280000e+02 : f32
    %div3A_1614 = vector.broadcast %div3A_1613 : f32 to vector<512x1xf32>
    %div3A_1615 = arith.divf %broadcast_in_dim3A_1612, %div3A_1614 : vector<512x1xf32>
    %sub3A_1616 = vector.broadcast %div3A_1615 : vector<512x1xf32> to vector<512x128xf32>
    %sub3A_1617 = arith.subf %add3A_1603, %sub3A_1616 : vector<512x128xf32>
    %integer_pow3A_1618 = arith.mulf %sub3A_1617, %sub3A_1617 : vector<512x128xf32>
    %reduce_sum3A_1619 = arith.constant dense<0.000000e+00> : vector<512xf32>
    %reduce_sum3A_1620 = vector.multi_reduction <add>, %integer_pow3A_1618, %reduce_sum3A_1619 [1] : vector<512x128xf32> to vector<512xf32>
    %broadcast_in_dim3A_1621 = vector.shape_cast %reduce_sum3A_1620 : vector<512xf32> to vector<512x1xf32>
    %div3A_1622 = arith.constant 1.280000e+02 : f32
    %div3A_1623 = vector.broadcast %div3A_1622 : f32 to vector<512x1xf32>
    %div3A_1624 = arith.divf %broadcast_in_dim3A_1621, %div3A_1623 : vector<512x1xf32>
    %sub3A_1625 = vector.broadcast %div3A_1615 : vector<512x1xf32> to vector<512x128xf32>
    %sub3A_1626 = arith.subf %add3A_1603, %sub3A_1625 : vector<512x128xf32>
    %add3A_1627 = arith.constant 9.99999974E-6 : f32
    %add3A_1628 = vector.broadcast %add3A_1627 : f32 to vector<512x1xf32>
    %add3A_1629 = arith.addf %div3A_1624, %add3A_1628 : vector<512x1xf32>
    %sqrt3A_1630 = math.sqrt %add3A_1629 : vector<512x1xf32>
    %div3A_1631 = vector.broadcast %sqrt3A_1630 : vector<512x1xf32> to vector<512x128xf32>
    %div3A_1632 = arith.divf %sub3A_1626, %div3A_1631 : vector<512x128xf32>
    %mul3A_1633 = vector.broadcast %get3A_1606 : vector<1x128xf32> to vector<512x128xf32>
    %mul3A_1634 = arith.mulf %div3A_1632, %mul3A_1633 : vector<512x128xf32>
    %add3A_1635 = vector.broadcast %get3A_1609 : vector<1x128xf32> to vector<512x128xf32>
    %add3A_1636 = arith.addf %mul3A_1634, %add3A_1635 : vector<512x128xf32>
    %swap3A_1637 = arith.constant 1 : index
    %swap3A_1638 = arith.constant 0 : index
    %swap3A_1639 = arith.constant 0 : index
    %swap3A_1640 = vector.load %arg28[%swap3A_1637, %swap3A_1638, %swap3A_1639] : memref<2x512x128xf32, #tpu.memory_space<vmem>>, vector<1x512x128xf32>
    %swap3A_1641 = vector.shape_cast %swap3A_1640 : vector<1x512x128xf32> to vector<512x128xf32>
    %swap3A_1642 = vector.shape_cast %add3A_1636 : vector<512x128xf32> to vector<1x512x128xf32>
    tpu.vector_store %arg28[%swap3A_1637, %swap3A_1638, %swap3A_1639], %swap3A_1642 {strides = array<i32>} : memref<2x512x128xf32, #tpu.memory_space<vmem>>, vector<1x512x128xf32>,
    %get3A_1643 = arith.constant 0 : index
    %get3A_1644 = arith.constant 0 : index
    %get3A_1645 = vector.load %arg25[%get3A_1643, %get3A_1644] : memref<128x10xf32, #tpu.memory_space<vmem>>, vector<128x10xf32>
    %dot_general3A_1646 = arith.constant dense<0.000000e+00> : vector<512x10xf32>
    %dot_general3A_1647 = tpu.matmul %add3A_1636, %get3A_1645, %dot_general3A_1646 {dimension_numbers = #tpu.dot_dimension_numbers<[1], [0], [0], [1], [0, 0, 1, 1], [], []>, transpose_lhs_hint = false} : vector<512x128xf32>, vector<128x10xf32>, vector<512x10xf32> -> vector<512x10xf32>
    %get3A_1648 = arith.constant 0 : index
    %get3A_1649 = arith.constant 0 : index
    %get3A_1650 = vector.load %arg26[%get3A_1648, %get3A_1649] : memref<1x10xf32, #tpu.memory_space<vmem>>, vector<1x10xf32>
    %add3A_1651 = vector.broadcast %get3A_1650 : vector<1x10xf32> to vector<512x10xf32>
    %add3A_1652 = arith.addf %dot_general3A_1647, %add3A_1651 : vector<512x10xf32>
    %swap3A_1653 = arith.constant 1 : index
    %swap3A_1654 = arith.constant 0 : index
    %swap3A_1655 = arith.constant 0 : index
    %swap3A_1656 = vector.load %arg27[%swap3A_1653, %swap3A_1654, %swap3A_1655] : memref<2x512x10xf32, #tpu.memory_space<vmem>>, vector<1x512x10xf32>
    %swap3A_1657 = vector.shape_cast %swap3A_1656 : vector<1x512x10xf32> to vector<512x10xf32>
    %swap3A_1658 = vector.shape_cast %add3A_1652 : vector<512x10xf32> to vector<1x512x10xf32>
    tpu.vector_store %arg27[%swap3A_1653, %swap3A_1654, %swap3A_1655], %swap3A_1658 {strides = array<i32>} : memref<2x512x10xf32, #tpu.memory_space<vmem>>, vector<1x512x10xf32>,
    return
  }
  func.func @transform_0(%arg0: i32) -> (i32, i32, i32) {
    %c0_i32 = arith.constant 0 : i32
    %c0_i32_0 = arith.constant 0 : i32
    %c0_i32_1 = arith.constant 0 : i32
    return %arg0, %c0_i32, %c0_i32_0 : i32, i32, i32
  }
  func.func @transform_1(%arg0: i32) -> (i32, i32) {
    %c0_i32 = arith.constant 0 : i32
    %c0_i32_0 = arith.constant 0 : i32
    %c0_i32_1 = arith.constant 0 : i32
    return %c0_i32, %c0_i32_0 : i32, i32
  }
  func.func @transform_2(%arg0: i32) -> (i32, i32, i32, i32) {
    %c0_i32 = arith.constant 0 : i32
    %c0_i32_0 = arith.constant 0 : i32
    %c0_i32_1 = arith.constant 0 : i32
    %c0_i32_2 = arith.constant 0 : i32
    return %c0_i32, %arg0, %c0_i32_0, %c0_i32_1 : i32, i32, i32, i32
  }
  func.func @transform_3(%arg0: i32) -> (i32, i32, i32, i32) {
    %c1_i32 = arith.constant 1 : i32
    %c0_i32 = arith.constant 0 : i32
    %c0_i32_0 = arith.constant 0 : i32
    %c0_i32_1 = arith.constant 0 : i32
    return %c1_i32, %arg0, %c0_i32, %c0_i32_0 : i32, i32, i32, i32
  }
  func.func @transform_4(%arg0: i32) -> (i32, i32) {
    %c0_i32 = arith.constant 0 : i32
    %c0_i32_0 = arith.constant 0 : i32
    %c0_i32_1 = arith.constant 0 : i32
    return %c0_i32, %c0_i32_0 : i32, i32
  }
  func.func @transform_5(%arg0: i32) -> (i32, i32) {
    %c0_i32 = arith.constant 0 : i32
    %c0_i32_0 = arith.constant 0 : i32
    %c0_i32_1 = arith.constant 0 : i32
    return %c0_i32, %c0_i32_0 : i32, i32
  }
  func.func @transform_6(%arg0: i32) -> (i32, i32, i32, i32) {
    %c0_i32 = arith.constant 0 : i32
    %c0_i32_0 = arith.constant 0 : i32
    %c0_i32_1 = arith.constant 0 : i32
    %c0_i32_2 = arith.constant 0 : i32
    %c0_i32_3 = arith.constant 0 : i32
    return %c0_i32, %c0_i32_0, %c0_i32_1, %c0_i32_2 : i32, i32, i32, i32
  }
  func.func @transform_7(%arg0: i32) -> (i32, i32, i32, i32) {
    %c0_i32 = arith.constant 0 : i32
    %c0_i32_0 = arith.constant 0 : i32
    %c0_i32_1 = arith.constant 0 : i32
    %c0_i32_2 = arith.constant 0 : i32
    %c0_i32_3 = arith.constant 0 : i32
    return %c0_i32, %c0_i32_0, %c0_i32_1, %c0_i32_2 : i32, i32, i32, i32
  }
  func.func @transform_8(%arg0: i32) -> (i32, i32, i32, i32) {
    %c0_i32 = arith.constant 0 : i32
    %c0_i32_0 = arith.constant 0 : i32
    %c0_i32_1 = arith.constant 0 : i32
    %c0_i32_2 = arith.constant 0 : i32
    %c0_i32_3 = arith.constant 0 : i32
    return %c0_i32, %c0_i32_0, %c0_i32_1, %c0_i32_2 : i32, i32, i32, i32
  }
  func.func @transform_9(%arg0: i32) -> (i32, i32, i32, i32) {
    %c0_i32 = arith.constant 0 : i32
    %c0_i32_0 = arith.constant 0 : i32
    %c0_i32_1 = arith.constant 0 : i32
    %c0_i32_2 = arith.constant 0 : i32
    %c0_i32_3 = arith.constant 0 : i32
    return %c0_i32, %c0_i32_0, %c0_i32_1, %c0_i32_2 : i32, i32, i32, i32
  }
  func.func @transform_10(%arg0: i32) -> (i32, i32, i32) {
    %c0_i32 = arith.constant 0 : i32
    %c0_i32_0 = arith.constant 0 : i32
    %c0_i32_1 = arith.constant 0 : i32
    %c0_i32_2 = arith.constant 0 : i32
    return %c0_i32, %c0_i32_0, %c0_i32_1 : i32, i32, i32
  }
  func.func @transform_11(%arg0: i32) -> (i32, i32, i32) {
    %c0_i32 = arith.constant 0 : i32
    %c0_i32_0 = arith.constant 0 : i32
    %c0_i32_1 = arith.constant 0 : i32
    %c0_i32_2 = arith.constant 0 : i32
    return %c0_i32, %c0_i32_0, %c0_i32_1 : i32, i32, i32
  }
  func.func @transform_12(%arg0: i32) -> (i32, i32) {
    %c0_i32 = arith.constant 0 : i32
    %c0_i32_0 = arith.constant 0 : i32
    %c0_i32_1 = arith.constant 0 : i32
    return %c0_i32, %c0_i32_0 : i32, i32
  }
  func.func @transform_13(%arg0: i32) -> (i32, i32) {
    %c0_i32 = arith.constant 0 : i32
    %c0_i32_0 = arith.constant 0 : i32
    %c0_i32_1 = arith.constant 0 : i32
    return %c0_i32, %c0_i32_0 : i32, i32
  }
  func.func @transform_14(%arg0: i32) -> (i32, i32) {
    %c0_i32 = arith.constant 0 : i32
    %c0_i32_0 = arith.constant 0 : i32
    %c0_i32_1 = arith.constant 0 : i32
    return %c0_i32, %c0_i32_0 : i32, i32
  }
  func.func @transform_15(%arg0: i32) -> (i32, i32) {
    %c0_i32 = arith.constant 0 : i32
    %c0_i32_0 = arith.constant 0 : i32
    %c0_i32_1 = arith.constant 0 : i32
    return %c0_i32, %c0_i32_0 : i32, i32
  }
  func.func @transform_16(%arg0: i32) -> (i32, i32) {
    %c0_i32 = arith.constant 0 : i32
    %c0_i32_0 = arith.constant 0 : i32
    %c0_i32_1 = arith.constant 0 : i32
    return %c0_i32, %c0_i32_0 : i32, i32
  }
  func.func @transform_17(%arg0: i32) -> (i32, i32) {
    %c0_i32 = arith.constant 0 : i32
    %c0_i32_0 = arith.constant 0 : i32
    %c0_i32_1 = arith.constant 0 : i32
    return %c0_i32, %c0_i32_0 : i32, i32
  }
  func.func @transform_18(%arg0: i32) -> (i32, i32) {
    %c0_i32 = arith.constant 0 : i32
    %c0_i32_0 = arith.constant 0 : i32
    %c0_i32_1 = arith.constant 0 : i32
    return %c0_i32, %c0_i32_0 : i32, i32
  }
  func.func @transform_19(%arg0: i32) -> (i32, i32) {
    %c0_i32 = arith.constant 0 : i32
    %c0_i32_0 = arith.constant 0 : i32
    %c0_i32_1 = arith.constant 0 : i32
    return %c0_i32, %c0_i32_0 : i32, i32
  }
  func.func @transform_20(%arg0: i32) -> (i32, i32) {
    %c0_i32 = arith.constant 0 : i32
    %c0_i32_0 = arith.constant 0 : i32
    %c0_i32_1 = arith.constant 0 : i32
    return %c0_i32, %c0_i32_0 : i32, i32
  }
  func.func @transform_21(%arg0: i32) -> (i32, i32) {
    %c0_i32 = arith.constant 0 : i32
    %c0_i32_0 = arith.constant 0 : i32
    %c0_i32_1 = arith.constant 0 : i32
    return %c0_i32, %c0_i32_0 : i32, i32
  }
  func.func @transform_22(%arg0: i32) -> (i32, i32) {
    %c0_i32 = arith.constant 0 : i32
    %c0_i32_0 = arith.constant 0 : i32
    %c0_i32_1 = arith.constant 0 : i32
    return %c0_i32, %c0_i32_0 : i32, i32
  }
  func.func @transform_23(%arg0: i32) -> (i32, i32) {
    %c0_i32 = arith.constant 0 : i32
    %c0_i32_0 = arith.constant 0 : i32
    %c0_i32_1 = arith.constant 0 : i32
    return %c0_i32, %c0_i32_0 : i32, i32
  }
  func.func @transform_24(%arg0: i32) -> (i32, i32) {
    %c0_i32 = arith.constant 0 : i32
    %c0_i32_0 = arith.constant 0 : i32
    %c0_i32_1 = arith.constant 0 : i32
    return %c0_i32, %c0_i32_0 : i32, i32
  }
  func.func @transform_25(%arg0: i32) -> (i32, i32) {
    %c0_i32 = arith.constant 0 : i32
    %c0_i32_0 = arith.constant 0 : i32
    %c0_i32_1 = arith.constant 0 : i32
    return %c0_i32, %c0_i32_0 : i32, i32
  }
  func.func @transform_26(%arg0: i32) -> (i32, i32, i32) {
    %c0_i32 = arith.constant 0 : i32
    %c0_i32_0 = arith.constant 0 : i32
    %c0_i32_1 = arith.constant 0 : i32
    return %arg0, %c0_i32, %c0_i32_0 : i32, i32, i32
  }
  func.func @transform_27(%arg0: i32) -> (i32, i32, i32) {
    %c0_i32 = arith.constant 0 : i32
    %c0_i32_0 = arith.constant 0 : i32
    %c0_i32_1 = arith.constant 0 : i32
    return %arg0, %c0_i32, %c0_i32_0 : i32, i32, i32
  }
}

</mosaic_0001>

<sc_bundles>
// kernel: kernel.4.cloned.1.call-start
scs
__scs_entry_jumppad:
0x0: {  	(pc) =	sbr.rel $0x88, $3  }
0x1: {  	(tag) =	ssettag $0x0;
	lr =	simm.s32 $0x1  }
0x2: {  	[smem:$0x3F83] =	sst lr;
	_ =	strace $0xD0000000  }
0x3: {  	_ = 	snop  }
0x4: {  	_ = 	snop  }
0x5: {  	_ = 	snop  }
0x6: {  	_ = 	snop  }
0x7: {  	_ = 	snop  }
__scs_overlays_trampoline_lowered:
0x8: {  	[smem:$0x3F92] =	sst s0  }
0x9: {  	[smem:$0x3F93] =	sst s1  }
0xa: {  	[smem:$0x3F94] =	sst s2  }
0xb: {  	[smem:$0x3F95] =	sst s3  }
0xc: {  	[smem:$0x3F96] =	sst s4  }
0xd: {  	[smem:$0x3F97] =	sst s5  }
0xe: {  	[smem:$0x3F98] =	sst s6  }
0xf: {  	[smem:$0x3F99] =	sst s7  }
0x10: {  	[smem:$0x3F9A] =	sst s8  }
0x11: {  	[smem:$0x3F9B] =	sst s9;
	s0 =	simm.s32 @!p0 $0x0  }
0x12: {  	s1 =	sld [smem:$0x3F81];
	s0 =	simm.s32 @p0 $0x1  }
0x13: {  	[smem:$0x3F9C] =	sst s0;
	s0 =	simm.s32 @!p1 $0x0  }
0x14: {  	s2 =	sld [smem:$0x3F80];
	s0 =	simm.s32 @p1 $0x1  }
0x15: {  	[smem:$0x3F9D] =	sst s0;
	s0 =	simm.s32 @!p2 $0x0  }
0x16: {  	s3 =	sld [smem:$0x3FDB];
	s0 =	simm.s32 @p2 $0x1  }
0x17: {  	s4 =	simm.s32 $0x1BF5;
	[smem:$0x3F9F] =	sst s0  }
0x18: {  	s0 =	sld [smem:$0x3F82];
	_ =	swait.ge [sflag:s4], $0x0  }
0x19: {  	s7 =	sld [smem:$0x3F83]  }
0x1a: {  	s8 =	sadd.s32 $0xFFFFE003, lr  }
0x1b: {  	s9 =	sadd.s32 $0xFFFFFEF7, lr;
	s5 =	simm.s32 $0xFFFFFFFF;
	p2 =	slt.u32 s8, $0xFFFFF086  }
0x1c: {  	p1 =	slt.u32 s9, $0xF7A;
	s5 =	simm.s32 @!p2 $0x0  }
0x1d: {  	s5 =	simm.s32 @p1 $0x1;
	p0 =	seq.s32 s7, s2  }
0x1e: {  	s7 =	smul.u32 @!p0 $0xF7A, s2;
	p2 =	seq.s32 @!p0 s5, $0x0  }
0x1f: {  	s9 =	smul.u32 $0xF7A, s1;
	s8 =	simm.s32 @!p0 $0x1BF5;
	p2 =	por !p2, p0  }
0x20: {  	[sflag:s8] =	ssyncset.s32 @!p0 $0xFFFFF086;
	s6 =	sadd.s32 @!p0 s3, s7;
	s7 =	simm.s32 @!p0 $0x108  }
0x21: {  	s3 =	sadd.s32 s3, s9;
	s6 =	sadd.s32 @!p0 $0x88, s6;
	s7 =	simm.s32 @p2 $0x1082  }
0x22: {  	[simem:s7], [sflag:s8] =	dma.local @!p0 [hbm:s6], $0xF7A  }
0x23: {  	s9 =	sor.u32 $0xD0000000, s2;
	s6 =	simm.s32 $0x108;
	_ =	swait.ge @!p0 [sflag:s8], $0x0  }
0x24: {  	s3 =	sadd.s32 $0x88, s3;
	s6 =	simm.s32 @!p1 $0x1082;
	[sflag:s4] =	ssyncset.s32 $0xFFFFF086  }
0x25: {  	[simem:s6], [sflag:s4] =	dma.local [hbm:s3], $0xF7A  }
0x26: {  	[smem:$0x3F83] =	sst s1;
	(tag) =	ssettag s2;
	_ =	strace s9  }
0x27: {  	s1 =	sld [smem:$0x3F93]  }
0x28: {  	s2 =	sld [smem:$0x3F94]  }
0x29: {  	s4 =	sld [smem:$0x3F96]  }
0x2a: {  	p0 =	seq.s32 s5, $0x0;
	s5 =	sld [smem:$0x3F97]  }
0x2b: {  	s6 =	sld [smem:$0x3F98]  }
0x2c: {  	s7 =	sld [smem:$0x3F99]  }
0x2d: {  	s3 =	simm.s32 $0x108;
	s8 =	sld [smem:$0x3F9A]  }
0x2e: {  	s3 =	simm.s32 @!p0 $0x1082;
	s9 =	sld [smem:$0x3F9B]  }
0x2f: {  	lr =	sadd.s32 s0, s3;
	s0 =	sld [smem:$0x3F92]  }
0x30: {  	s3 =	sld [smem:$0x3F95]  }
0x31: {  	[smem:$0x3F9E] =	sst s10  }
0x32: {  	s10 =	sld [smem:$0x3F9C];
	_ =	sdelay $0x3  }
0x33: {  	p0 =	seq.s32 s10, $0x1;
	s10 =	sld [smem:$0x3F9E];
	_ =	sdelay $0x3  }
0x34: {  	[smem:$0x3F9E] =	sst s10  }
0x35: {  	s10 =	sld [smem:$0x3F9D];
	_ =	sdelay $0x3  }
0x36: {  	p1 =	seq.s32 s10, $0x1;
	s10 =	sld [smem:$0x3F9E];
	_ =	sdelay $0x3  }
0x37: {  	[smem:$0x3F9E] =	sst s10  }
0x38: {  	s10 =	sld [smem:$0x3F9F]  }
0x39: {  	_ = 	snop;
	(pc) =	sbr.ind lr, $3  }
0x3a: {  	_ = 	snop  }
0x3b: {  	_ = 	snop  }
0x3c: {  	p2 =	seq.s32 s10, $0x1;
	s10 =	sld [smem:$0x3F9E]  }
0x3d: {  	_ =	shalt  }
0x3e: {  	_ =	shalt  }
0x3f: {  	_ =	shalt  }
0x40: {  	_ =	shalt  }
0x41: {  	_ =	shalt  }
0x42: {  	_ =	shalt  }
0x43: {  	_ =	shalt  }
0x44: {  	_ =	shalt  }
0x45: {  	_ =	shalt  }
0x46: {  	_ =	shalt  }
0x47: {  	_ =	shalt  }
0x48: {  	_ =	shalt  }
0x49: {  	_ =	shalt  }
0x4a: {  	_ =	shalt  }
0x4b: {  	_ =	shalt  }
0x4c: {  	_ =	shalt  }
0x4d: {  	_ =	shalt  }
0x4e: {  	_ =	shalt  }
0x4f: {  	_ =	shalt  }
0x50: {  	_ =	shalt  }
0x51: {  	_ =	shalt  }
0x52: {  	_ =	shalt  }
0x53: {  	_ =	shalt  }
0x54: {  	_ =	shalt  }
0x55: {  	_ =	shalt  }
0x56: {  	_ =	shalt  }
0x57: {  	_ =	shalt  }
0x58: {  	_ =	shalt  }
0x59: {  	_ =	shalt  }
0x5a: {  	_ =	shalt  }
0x5b: {  	_ =	shalt  }
0x5c: {  	_ =	shalt  }
0x5d: {  	_ =	shalt  }
0x5e: {  	_ =	shalt  }
0x5f: {  	_ =	shalt  }
0x60: {  	_ =	shalt  }
0x61: {  	_ =	shalt  }
0x62: {  	_ =	shalt  }
0x63: {  	_ =	shalt  }
0x64: {  	_ =	shalt  }
0x65: {  	_ =	shalt  }
0x66: {  	_ =	shalt  }
0x67: {  	_ =	shalt  }
0x68: {  	_ =	shalt  }
0x69: {  	_ =	shalt  }
0x6a: {  	_ =	shalt  }
0x6b: {  	_ =	shalt  }
0x6c: {  	_ =	shalt  }
0x6d: {  	_ =	shalt  }
0x6e: {  	_ =	shalt  }
0x6f: {  	_ =	shalt  }
0x70: {  	_ =	shalt  }
0x71: {  	_ =	shalt  }
0x72: {  	_ =	shalt  }
0x73: {  	_ =	shalt  }
0x74: {  	_ =	shalt  }
0x75: {  	_ =	shalt  }
0x76: {  	_ =	shalt  }
0x77: {  	_ =	shalt  }
0x78: {  	_ =	shalt  }
0x79: {  	_ =	shalt  }
0x7a: {  	_ =	shalt  }
0x7b: {  	_ =	shalt  }
0x7c: {  	_ =	shalt  }
0x7d: {  	_ =	shalt  }
0x7e: {  	_ =	shalt  }
0x7f: {  	_ =	shalt  }
0x80: {  	_ =	shalt  }
0x81: {  	_ =	shalt  }
0x82: {  	_ =	shalt  }
0x83: {  	_ =	shalt  }
0x84: {  	_ =	shalt  }
0x85: {  	_ =	shalt  }
0x86: {  	_ =	shalt  }
0x87: {  	_ =	shalt  }
.Lfunc_end0:
.L_simem_size_0:
called_computation_lowered:
.L_overlay_start_0:
0x88: {  	s2 =	sld [smem:$0x3FD9]  }
0x89: {  	s3 =	sld [smem:$0x3FFE];
	_ =	sdelay $0x1  }
0x8a: {  	s1 =	srdreg.scid  }
0x8b: {  	s0 =	sand.u32 $0x1, s1  }
0x8c: {  	s14 =	sshll.u32 s0, $0xA;
	s2 =	sadd.s32 s3, s2  }
0x8d: {  	s2 =	sadd.s32 s2, s14  }
0x8e: {  	[smem:$0x3FAA] =	sst s2  }
0x8f: {  	_ = 	snop  }
0x90: {  	s2 =	sld [smem:$0x3FD0];
	_ =	sdelay $0x2  }
0x91: {  	s15 =	simm.s32 $0xA;
	s4 =	simm.s32 $0x10  }
0x92: {  	[smem:s4], [sflag:s15] =	dma.local [hbm:s2], $0x1  }
0x93: {  	_ =	swait.eq [sflag:s15], $0x1  }
0x94: {  	[sflag:s15] =	ssyncset.done $0x0  }
0x95: {  	s16 =	sld [smem:$0x10];
	[sflag:s15] =	ssyncadd.s32 $0xFFFFFFFF  }
0x96: {  	s17 =	sld [smem:$0x11];
	(tm) =	ssettm $0x1  }
0x97: {  	s18 =	sld [smem:$0x3FFB];
	_ =	sdelay $0x3  }
0x98: {  	_ =	strace s18  }
0x99: {  	s4 =	sld [smem:$0x3FFC];
	_ =	sdelay $0x3  }
0x9a: {  	_ =	strace s4  }
0x9b: {  	s4 =	sld [smem:$0x3FFD];
	_ =	sdelay $0x3  }
0x9c: {  	_ =	strace s4  }
0x9d: {  	_ =	strace $0x8FFFFFFF  }
0x9e: {  	s19 =	sld [smem:$0x3FDB];
	_ =	sdelay $0x1  }
0x9f: {  	s5 =	simm.s32 $_scs_section_size  }
0xa0: {  	s6 =	simm.s32 $_size__tile_overlayer_lowered;
	s7 =	simm.s32 $_tile_overlayer_lowered  }
0xa1: {  	s22 =	simm.s32 $0x1BFF;
	s21 =	sshll.u32 s7, $0x1;
	s4 =	sadd.s32 s5, s19  }
0xa2: {  	s8 =	simm.s32 $0x0;
	s20 =	sshll.u32 s6, $0x1;
	s6 =	sadd.s32 s21, s4  }
0xa3: {  	[timem:s8], [sflag:s22] =	dma.local [hbm:s6], s20  }
0xa4: {  	_ =	swait.ge [sflag:s22], s20  }
0xa5: {  	s5 =	ssub.s32 $0x0, s20;
	[sflag:s22] =	ssyncset.done $0x0  }
0xa6: {  	[sflag:s22] =	ssyncadd.s32 s5;
	_ =	sdelay $0x1  }
0xa7: {  	s23 =	simm.s32 $0x1B8B  }
0xa8: {  	_ =	swait.ge [sflag:s23], $0x1  }
0xa9: {  	[sflag:s23] =	ssyncset.done $0x0  }
0xaa: {  	s25 =	simm.s32 $0x1B8E;
	s24 =	sld [smem:$0x3FFE];
	[sflag:s23] =	ssyncadd.s32 $0xFFFFFFFF  }
0xab: {  	s26 =	simm.s32 $execute0_lowered;
	[smem:$0x3FD2] =	sst s25  }
0xac: {  	s6 =	sshll.u32 s26, $0x1;
	_ =	strace $0x80000046;
	[dreg:$0x1] =	wrdreg $0xFFFFFFFF  }
0xad: {  	s28 =	simm.s32 $_size_execute0_lowered;
	s4 =	sadd.s32 s4, s6;
	[dreg:$0x0] =	wrdreg $0x0  }
0xae: {  	s6 =	sshll.u32 s28, $0x1;
	[dreg:$0x2] =	wrdreg s4  }
0xaf: {  	[dreg:$0x3] =	wrdreg s6  }
0xb0: {  	[dreg:$0x4] =	wrdreg $0xC0  }
0xb1: {  	_ =	task [dreg:s8], $0x5FFFF  }
0xb2: {  	[dreg:$0x1] =	wrdreg $0xFFFFFFFF  }
0xb3: {  	[dreg:$0x0] =	wrdreg $0x60  }
0xb4: {  	[dreg:$0x2] =	wrdreg s17  }
0xb5: {  	[dreg:$0x3] =	wrdreg s16  }
0xb6: {  	[dreg:$0x4] =	wrdreg s24  }
0xb7: {  	[dreg:$0x5] =	wrdreg $0x9  }
0xb8: {  	_ =	task.clear_ibuf [dreg:s8], $0x6FFFF;
	_ =	strace $0x90000046  }
0xb9: {  	s29 =	simm.s32 $0x9;
	_ =	strace $0x80000048  }
0xba: {  	_ =	swait.ge [sflag:s29], $0x1  }
0xbb: {  	[sflag:s29] =	ssyncadd.s32 $0xFFFFFFFF  }
0xbc: {  	_ =	strace $0x90000048  }
0xbd: {  	_ =	sfence  }
0xbe: {  	s30 =	sld [smem:$0x0];
	_ =	sdelay $0x2  }
0xbf: {  	s31 =	sshll.u32 s1, $0xD;
	s1 =	sshrl.u32 s1, $0x2  }
0xc0: {  	s3 =	sand.u32 $0x4000, s31;
	s1 =	sadd.s32 s1, s30  }
0xc1: {  	s0 =	sor.u32 s3, s0;
	s1 =	sshll.u32 s1, $0x11  }
0xc2: {  	s0 =	sor.u32 s1, s0  }
0xc3: {  	s0 =	sadd.s32 $0x8F2B, s0  }
0xc4: {  	[sflag:s0] =	ssyncadd.remote.s32 $0x1  }
0xc5: {  	_ =	sfence.sel $0xFFFF  }
0xc6: {  	[dreg:$0x0] =	wrdreg $0xFFFFFFFF;
	(pc) =	sbr.abs _section_cstart, $3  }
0xc7: {  	[dreg:$0x1] =	wrdreg $0xFFFFFFFF  }
0xc8: {  	_ =	task.clear_ibuf [dreg:s8], $0x2FFFF;
	_ =	strace $0x9FFFFFFF  }
0xc9: {  	(tm) =	ssettm $0x7FFFFFFF  }
tec
execute0_lowered:
.L_overlay_start_1:
0x0: {  	(tag) =	ssettag $0x1  }
0x1: {  	s1 =	rddreg [dreg:$0x0];
	s2 =	srdreg.scid  }
0x2: {  	s4 =	rddreg [dreg:$0x1];
	s0 =	stileid.u32  }
0x3: {  	s8 =	rddreg [dreg:$0x2];
	s3 =	simm.s32 $0x0;
	s6 =	sand.u32 $0x1, s2  }
0x4: {  	s5 =	sshll.u32 s0, $0xA;
	s2 =	rddreg [dreg:$0x3];
	s7 =	sshll.u32 s6, $0x9  }
0x5: {  	[smem:$0x7FF] =	sst s3;
	s9 =	sor.u32 s7, s5  }
0x6: {  	_ =	strace $0x80000047;
	s10 =	ssub.s32 $0x2, s6;
	s5 =	sshrl.u32 s9, $0x3  }
0x7: {  	s6 =	simm.s32 $0x200;
	s5 =	sadd.s32 s4, s5;
	s4 =	simm.s32 $0x2  }
0x8: {  	[tilespmem:s3], [sflag:$0x2] =	stream.linear.gather [hbm4b:s5+s3], $0x200, $0x38;
	[tilespmem:$0x10200] =	vst v63  }
0x9: {  	s7 =	simm.s32 $0x1;
	s11 =	sshrl.u32 s10, $0x1;
	_ =	swait.ge [sflag:s4], $0x200  }
0xa: {  	s9 =	sshll.u32 s9, $0x4;
	s31 =	ssub.s32 s10, s11;
	[sflag:s4] =	ssyncset.done $0x0  }
0xb: {  	s8 =	sadd.s32 s9, s8;
	s9 =	smax.u32 s31, $0x1;
	[sflag:s4] =	ssyncadd.s32 $0xFFFFFE00  }
0xc: {  	[tilespmem:s6], [sflag:$0x1] =	stream.indirect.gather [hbm4b:s1+s6], $0x80, s3, s6, $0xb8;
	[tilespmem:$0x10200] =	vst v63  }
0xd: {  	p0 =	sne.s32 s9, $0x1;
	_ =	swait.ge [sflag:s7], $0x10000  }
.Ltmp0:
0xe: {  	[sflag:s7] =	ssyncset.done $0x0;
	(pc) =	sbr.rel @!p0 .LBB2_2-.Ltmp0, $4  }
0xf: {  	s8 =	sadd.s32 $0x4200, s8;
	[sflag:s7] =	ssyncadd.s32 $0xFFFF0000  }
0x10: {  	[hbm4b:s8+s3] =	stream.linear.scatter [tilespmem:s6], [sflag:$0x2], $0x10000, $0x38;
	[tilespmem:$0x10200] =	vst v63  }
0x11: {  	_ =	swait.ge [sflag:s4], $0x10000  }
0x12: {  	s9 =	sadd.s32 $0xFFFFFFFF, s9;
	[sflag:s4] =	ssyncset.done $0x0  }
.LBB2_1:
0x13: {  	p0 =	sne.s32 s9, $0x1;
	s9 =	sadd.s32 $0xFFFFFFFF, s9;
	[sflag:s4] =	ssyncadd.s32 $0xFFFF0000  }
0x14: {  	[tilespmem:s3], [sflag:$0x2] =	stream.linear.gather [hbm4b:s5+s3], $0x200, $0x38;
	[tilespmem:$0x10200] =	vst v63  }
0x15: {  	_ =	swait.ge [sflag:s4], $0x200  }
0x16: {  	[sflag:s4] =	ssyncset.done $0x0  }
0x17: {  	[sflag:s4] =	ssyncadd.s32 $0xFFFFFE00  }
0x18: {  	[tilespmem:s6], [sflag:$0x1] =	stream.indirect.gather [hbm4b:s1+s6], $0x80, s3, s6, $0xb8;
	[tilespmem:$0x10200] =	vst v63  }
0x19: {  	_ =	swait.ge [sflag:s7], $0x10000  }
.Ltmp1:
0x1a: {  	[sflag:s7] =	ssyncset.done $0x0;
	(pc) =	sbr.rel @p0 .LBB2_1-.Ltmp1, $4  }
0x1b: {  	[sflag:s7] =	ssyncadd.s32 $0xFFFF0000  }
0x1c: {  	[hbm4b:s8+s3] =	stream.linear.scatter [tilespmem:s6], [sflag:$0x2], $0x10000, $0x38;
	[tilespmem:$0x10200] =	vst v63  }
0x1d: {  	_ =	swait.ge [sflag:s4], $0x10000  }
0x1e: {  	[sflag:s4] =	ssyncset.done $0x0  }
.LBB2_2:
0x1f: {  	[sflag:s4] =	ssyncadd.s32 $0xFFFF0000  }
0x20: {  	_ =	sfence.sel $0x180000  }
0x21: {  	[bflag:$0x0] =	sbarrier.arrive $0xFFFF  }
0x22: {  	p0 =	sne.s32 s0, $0x0;
	_ =	strace $0x90000047  }
0x23: {  	s0 =	sadd.s32 @!p0 $0x100000, s2;
	[bflag:$0x2] =	sbarrier.arrive $0xFFFF  }
0x24: {  	[sflag:s0] =	ssyncadd.tile.s32 @!p0 $0x1;
	_ =	shalt  }
.Lfunc_end2:
_tile_overlayer_lowered:
.L_overlay_start_2:
0x25: {  	(tag) =	ssettag $0x2  }
0x26: {  	s0 =	rddreg [dreg:$0x0];
	s2 =	stileid.u32  }
0x27: {  	s1 =	rddreg [dreg:$0x1];
	p0 =	sne.s32 s2, $0x0  }
0x28: {  	s3 =	rddreg [dreg:$0x2];
	[bflag:$0x3] =	sbarrier.arrive $0xFFFF;
	s2 =	simm.s32 @!p0 $0x1C02  }
0x29: {  	[timem:s3], [sflag:s2] =	dma.local @!p0 [hbm:s0], s1  }
0x2a: {  	s0 =	simm.s32 @!p0 $0x2  }
0x2b: {  	_ =	swait.ge @!p0 [sflag:s0], s1  }
0x2c: {  	s1 =	ssub.s32 @!p0 $0x0, s1;
	[sflag:s0] =	ssyncset.done @!p0 $0x0  }
0x2d: {  	[sflag:s0] =	ssyncadd.s32 @!p0 s1  }
0x2e: {  	[bflag:$0x3] =	sbarrier.arrive $0xFFFF  }
0x2f: {  	_ =	shalt  }

</sc_bundles>
